<compile_context>
chip_gen: v7x
topology: tpu7x:2x2x1
jax: 0.10.2.dev20260603
libtpu: 0.0.44.dev20260713+nightly
codegen_flags: <defaults>
</compile_context>

<pallas_src>
import functools

import jax
import jax.numpy as jnp
from jax import lax
from jax.experimental import pallas as pl
from jax.experimental.pallas import tpu as pltpu
from jax.experimental.pallas import tpu_sc as plsc

N = 10000
E = 320000
F = 128
H = 256
G = 64
C = 10

NC = 2
NS = 16
CHUNK = 80
R = 3
EDGES_PER_W = E // (NC * NS)
NCHUNK = 126
EPW_PAD = NCHUNK * CHUNK
N_PAD = N + 8
NDUMP = 8
NSRC_SPREAD = 64
RPS = 624
RPS_LAST = N - (NS - 1) * RPS

BLK = 1000
NBLK = N // BLK


def _gather_scatter(h, src3d, dst3d, zrows):
    mesh = plsc.VectorSubcoreMesh(core_axis_name="c", subcore_axis_name="s")

    @functools.partial(
        pl.kernel,
        out_type=jax.ShapeDtypeStruct((NC, N, F), jnp.float32),
        mesh=mesh,
        scratch_types=[
            pltpu.VMEM((EPW_PAD,), jnp.int32),
            pltpu.VMEM((EPW_PAD,), jnp.int32),
            pltpu.VMEM((R, CHUNK, F), jnp.float32),
            pltpu.VMEM_SHARED((N_PAD, F), jnp.float32),
            pltpu.SemaphoreType.DMA,
            pltpu.SemaphoreType.DMA,
        ],
    )
    def k(h_hbm, src_hbm, dst_hbm, z_hbm, out_hbm, sidx, didx, rows, agg,
          gsem, ssem):
        cid = lax.axis_index("c")
        sid = lax.axis_index("s")
        wid = cid * NS + sid
        r0 = sid * RPS

        def seed(nrows):
            @pl.when(cid == 0)
            def _():
                pltpu.async_copy(h_hbm.at[pl.ds(r0, nrows)],
                                 agg.at[pl.ds(r0, nrows)], ssem)

            @pl.when(cid != 0)
            def _():
                pltpu.async_copy(z_hbm.at[pl.ds(0, nrows)],
                                 agg.at[pl.ds(r0, nrows)], ssem)

        def seed_wait(nrows):
            pltpu.make_async_copy(z_hbm.at[pl.ds(0, nrows)],
                                  agg.at[pl.ds(r0, nrows)], ssem).wait()

        s0 = pl.multiple_of(wid * EPW_PAD, 8)
        pltpu.async_copy(src_hbm.at[pl.ds(s0, EPW_PAD)], sidx, gsem)
        pltpu.async_copy(dst_hbm.at[pl.ds(s0, EPW_PAD)], didx, gsem)

        @pl.when(sid < NS - 1)
        def _():
            seed(RPS)
            seed_wait(RPS)

        @pl.when(sid == NS - 1)
        def _():
            seed(RPS_LAST)
            seed_wait(RPS_LAST)

        pltpu.make_async_copy(src_hbm.at[pl.ds(s0, EPW_PAD)], sidx,
                              gsem).wait()
        pltpu.make_async_copy(dst_hbm.at[pl.ds(s0, EPW_PAD)], didx,
                              gsem).wait()
        plsc.subcore_barrier()

        def idxs(ref, j):
            return ref.at[pl.ds(pl.multiple_of(j * CHUNK, 8), CHUNK)]

        def fire_g(b, j):
            pltpu.async_copy(h_hbm.at[idxs(sidx, j)], rows.at[b], gsem)

        def drain_g(b, j):
            pltpu.make_async_copy(h_hbm.at[idxs(sidx, j)], rows.at[b],
                                  gsem).wait()

        def fire_s(b, j):
            pltpu.async_copy(rows.at[b], agg.at[idxs(didx, j)], ssem,
                             add=True)

        def drain_s(b, j):
            pltpu.make_async_copy(rows.at[b], agg.at[idxs(didx, j)],
                                  ssem).wait()

        for b in range(R):
            fire_g(b, b)

        @pl.loop(0, NCHUNK, step=R)
        def _(i):
            for b in range(R):
                drain_g(b, i + b)
                fire_s(b, i + b)
            for b in range(R):
                drain_s(b, i + b)

                @pl.when(i + b + R < NCHUNK)
                def _():
                    fire_g(b, i + b + R)

        plsc.subcore_barrier()

        @pl.when(sid < NS - 1)
        def _():
            pltpu.sync_copy(agg.at[pl.ds(r0, RPS)],
                            out_hbm.at[cid, pl.ds(r0, RPS)])

        @pl.when(sid == NS - 1)
        def _():
            pltpu.sync_copy(agg.at[pl.ds(r0, RPS_LAST)],
                            out_hbm.at[cid, pl.ds(r0, RPS_LAST)])

    return k(h, src3d, dst3d, zrows)


def _mlp(agg, w1, w2):

    def body(a0_ref, a1_ref, w1_ref, w2_ref, o_ref):
        z = a0_ref[0] + a1_ref[0]
        t = jnp.maximum(
            jnp.dot(z, w1_ref[...], preferred_element_type=jnp.float32), 0.0)
        o_ref[...] = jnp.maximum(
            jnp.dot(t, w2_ref[...], preferred_element_type=jnp.float32), 0.0)

    return pl.pallas_call(
        body,
        grid=(NBLK,),
        in_specs=[
            pl.BlockSpec((1, BLK, F), lambda i: (0, i, 0)),
            pl.BlockSpec((1, BLK, F), lambda i: (1, i, 0)),
            pl.BlockSpec((F, H), lambda i: (0, 0)),
            pl.BlockSpec((H, F), lambda i: (0, 0)),
        ],
        out_specs=pl.BlockSpec((BLK, F), lambda i: (i, 0)),
        out_shape=jax.ShapeDtypeStruct((N, F), jnp.float32),
    )(agg, agg, w1, w2)


def _final(agg, batch2d, w1, w2, fcw, fcb2d):

    def body(a0_ref, a1_ref, b_ref, w1_ref, w2_ref, fw_ref, fb_ref, o_ref,
             pool_ref):
        i = pl.program_id(0)

        @pl.when(i == 0)
        def _():
            pool_ref[...] = jnp.zeros_like(pool_ref)

        z = a0_ref[0] + a1_ref[0]
        t = jnp.maximum(
            jnp.dot(z, w1_ref[...], preferred_element_type=jnp.float32), 0.0)
        h4 = jnp.maximum(
            jnp.dot(t, w2_ref[...], preferred_element_type=jnp.float32), 0.0)
        gids = lax.broadcasted_iota(jnp.int32, (BLK, G), 1)
        onehot = (b_ref[...] == gids).astype(jnp.float32)
        pool_ref[...] += lax.dot_general(
            onehot, h4, (((0,), (0,)), ((), ())),
            preferred_element_type=jnp.float32)

        @pl.when(i == NBLK - 1)
        def _():
            logits = jnp.dot(pool_ref[...], fw_ref[...],
                             preferred_element_type=jnp.float32) + fb_ref[...]
            m = jnp.max(logits, axis=1, keepdims=True)
            lse = m + jnp.log(jnp.sum(jnp.exp(logits - m), axis=1,
                                      keepdims=True))
            o_ref[...] = logits - lse

    return pl.pallas_call(
        body,
        grid=(NBLK,),
        in_specs=[
            pl.BlockSpec((1, BLK, F), lambda i: (0, i, 0)),
            pl.BlockSpec((1, BLK, F), lambda i: (1, i, 0)),
            pl.BlockSpec((BLK, 1), lambda i: (i, 0)),
            pl.BlockSpec((F, H), lambda i: (0, 0)),
            pl.BlockSpec((H, F), lambda i: (0, 0)),
            pl.BlockSpec((F, C), lambda i: (0, 0)),
            pl.BlockSpec((1, C), lambda i: (0, 0)),
        ],
        out_specs=pl.BlockSpec((G, C), lambda i: (0, 0)),
        out_shape=jax.ShapeDtypeStruct((G, C), jnp.float32),
        scratch_shapes=[pltpu.VMEM((G, F), jnp.float32)],
    )(agg, agg, batch2d, w1, w2, fcw, fcb2d)


def kernel(x, edge_index, batch, W1_0, W2_0, W1_1, W2_1, W1_2, W2_2, W1_3,
           W2_3, fc_w, fc_b):
    NW = NC * NS
    npad = EPW_PAD - EDGES_PER_W
    srcw = edge_index[0].reshape(NW, EDGES_PER_W)
    dstw = edge_index[1].reshape(NW, EDGES_PER_W)
    spad = jnp.broadcast_to(jnp.arange(npad, dtype=jnp.int32) % NSRC_SPREAD,
                            (NW, npad))
    src3d = jnp.concatenate([srcw, spad], axis=1).reshape(NW * EPW_PAD)
    dpad = jnp.broadcast_to(N + (jnp.arange(npad, dtype=jnp.int32) % NDUMP),
                            (NW, npad))
    dst3d = jnp.concatenate([dstw, dpad], axis=1).reshape(NW * EPW_PAD)
    zrows = jnp.zeros((RPS_LAST, F), jnp.float32)
    batch2d = batch.reshape(N, 1)
    fcb2d = fc_b.reshape(1, C)

    h = x
    for (w1, w2) in [(W1_0, W2_0), (W1_1, W2_1), (W1_2, W2_2)]:
        agg = _gather_scatter(h, src3d, dst3d, zrows)
        h = _mlp(agg, w1, w2)
    agg = _gather_scatter(h, src3d, dst3d, zrows)
    return _final(agg, batch2d, W1_3, W2_3, fc_w, fcb2d)

# --- scband reference (transcript-rebuilt; emitter-appended) ---
"""Pipeline reference for scband-pgin-81784767250527 (READ-ONLY COPY).

The authoritative reference and input builder live on the scoring server;
editing this copy changes nothing except your own understanding.
"""

import jax, jax.numpy as jnp
import numpy as np

N = 10000
E = 320000
F = 128
H = 256
NUM_GRAPHS = 64
NUM_CLASSES = 10
NUM_LAYERS = 4


def setup_inputs(seed: int = 0) -> dict:
    key = jax.random.key(seed)
    ks = jax.random.split(key, 16)
    inp = {}
    inp["x"] = jax.random.normal(ks[0], (N, F), dtype=jnp.float32)
    inp["edge_index"] = jax.random.randint(ks[1], (2, E), 0, N, dtype=jnp.int32)
    inp["batch"] = jnp.sort(jax.random.randint(ks[2], (N,), 0, NUM_GRAPHS, dtype=jnp.int32))
    for i in range(NUM_LAYERS):
        inp["W1_%d" % i] = jax.random.normal(ks[3 + 2 * i], (F, H), dtype=jnp.float32) * 0.05
        inp["W2_%d" % i] = jax.random.normal(ks[4 + 2 * i], (H, F), dtype=jnp.float32) * 0.05
    inp["fc_w"] = jax.random.normal(ks[11], (F, NUM_CLASSES), dtype=jnp.float32) * 0.05
    inp["fc_b"] = jnp.zeros((NUM_CLASSES,), dtype=jnp.float32)
    return inp


def reference(x, edge_index, batch, W1_0, W2_0, W1_1, W2_1, W1_2, W2_2, W1_3, W2_3, fc_w, fc_b):
    # PGIN: stack of GIN-style convs (eps=0): h' = MLP(h + sum_{j in N(i)} h_j)
    # MLP: Linear(F->2F, bias=False) -> ReLU -> Linear(2F->F, bias=False) -> ReLU (plain_last=False)
    src = edge_index[0]
    dst = edge_index[1]
    Ws = [(W1_0, W2_0), (W1_1, W2_1), (W1_2, W2_2), (W1_3, W2_3)]
    h = x
    for (w1, w2) in Ws:
        msgs = jnp.take(h, src, axis=0)                      # gather source-node features per edge
        agg = jax.ops.segment_sum(msgs, dst, num_segments=h.shape[0])  # scatter-add to dst nodes
        z = h + agg                                          # (1+eps)*x + aggr, eps=0
        z = jax.nn.relu(z @ w1)
        z = jax.nn.relu(z @ w2)
        h = z
    pooled = jax.ops.segment_sum(h, batch, num_segments=NUM_GRAPHS)  # global_add_pool
    logits = pooled @ fc_w + fc_b                            # fc1 (dropout = identity in eval)
    return jax.nn.log_softmax(logits, axis=1)

if __name__ == "__main__":
    import jax
    _d = setup_inputs()
    print(jax.jit(kernel)(*tuple(_d.values())))

</pallas_src>

<mosaic_0001>
#map = affine_map<(d0, d1) -> (0, 0)>
#map1 = affine_map<(d0, d1) -> (0)>
#map2 = affine_map<(d0, d1) -> (0, 0, 0)>
module attributes {stable_mosaic.version = 14 : i64} {
  func.func @k(%arg0: i32, %arg1: i32, %arg2: memref<10000x128xf32, #tpu.memory_space<hbm>>, %arg3: memref<322560xi32, #tpu.memory_space<hbm>>, %arg4: memref<322560xi32, #tpu.memory_space<hbm>>, %arg5: memref<640x128xf32, #tpu.memory_space<hbm>>, %arg6: memref<2x10000x128xf32, #tpu.memory_space<hbm>>, %arg7: memref<10080xi32, #tpu.memory_space<vmem>>, %arg8: memref<10080xi32, #tpu.memory_space<vmem>>, %arg9: memref<3x80x128xf32, #tpu.memory_space<vmem>>, %arg10: memref<10008x128xf32, #tpu.memory_space<vmem_shared>>, %arg11: memref<!tpu.dma_semaphore, #tpu.memory_space<semaphore_mem>>, %arg12: memref<!tpu.dma_semaphore, #tpu.memory_space<semaphore_mem>>) attributes {dimension_semantics = [#tpu.dimension_semantics<core_parallel>, #tpu.dimension_semantics<subcore_parallel>], iteration_bounds = array<i64: 2, 16>, scalar_prefetch = 0 : i64, scratch_operands = 6 : i64, tpu.core_type = #tpu.core_type<sc_vector_subcore>, window_params = [{transform_indices = #map}, {transform_indices = #map1}, {transform_indices = #map1}, {transform_indices = #map}, {transform_indices = #map2}]} {
    %mul3A = arith.constant 16 : i32
    %mul3A_0 = arith.muli %arg0, %mul3A : i32
    %add3A = arith.addi %mul3A_0, %arg1 : i32
    %mul3A_1 = arith.constant 624 : i32
    %mul3A_2 = arith.muli %arg1, %mul3A_1 : i32
    %mul3A_3 = arith.constant 10080 : i32
    %mul3A_4 = arith.muli %add3A, %mul3A_3 : i32
    %multiple_of3A = tpu.assume_multiple %mul3A_4, 8 : i32
    %dma_start3A = tpu.memref_slice %arg3[%multiple_of3A] : memref<322560xi32, #tpu.memory_space<hbm>> -> memref<10080xi32, #tpu.memory_space<hbm>>
    %dma_start3A_5 = tpu.memref_slice %arg3[%multiple_of3A] : memref<322560xi32, #tpu.memory_space<hbm>> -> memref<10080xi32, #tpu.memory_space<hbm>>
    tpu.enqueue_dma source(%dma_start3A_5 : memref<10080xi32, #tpu.memory_space<hbm>>) target(%arg7 : memref<10080xi32, #tpu.memory_space<vmem>>) target_semaphore(%arg11 : memref<!tpu.dma_semaphore, #tpu.memory_space<semaphore_mem>>)
    %dma_start3A_6 = tpu.memref_slice %arg4[%multiple_of3A] : memref<322560xi32, #tpu.memory_space<hbm>> -> memref<10080xi32, #tpu.memory_space<hbm>>
    %dma_start3A_7 = tpu.memref_slice %arg4[%multiple_of3A] : memref<322560xi32, #tpu.memory_space<hbm>> -> memref<10080xi32, #tpu.memory_space<hbm>>
    tpu.enqueue_dma source(%dma_start3A_7 : memref<10080xi32, #tpu.memory_space<hbm>>) target(%arg8 : memref<10080xi32, #tpu.memory_space<vmem>>) target_semaphore(%arg11 : memref<!tpu.dma_semaphore, #tpu.memory_space<semaphore_mem>>)
    %lt3A = arith.constant 15 : i32
    %lt3A_8 = arith.cmpi slt, %arg1, %lt3A : i32
    %convert_element_type3A = arith.extui %lt3A_8 : i1 to i32
    %cond3A = arith.constant 0 : i32
    %cond3A_9 = arith.cmpi ne, %convert_element_type3A, %cond3A : i32
    scf.if %cond3A_9 {
      %eq3A_65 = arith.constant 0 : i32
      %eq3A_66 = arith.cmpi eq, %arg0, %eq3A_65 : i32
      %convert_element_type3A_67 = arith.extui %eq3A_66 : i1 to i32
      %cond3A_68 = arith.constant 0 : i32
      %cond3A_69 = arith.cmpi ne, %convert_element_type3A_67, %cond3A_68 : i32
      scf.if %cond3A_69 {
        %dma_start3A_79 = arith.constant 0 : i32
        %dma_start3A_80 = tpu.memref_slice %arg10[%mul3A_2, %dma_start3A_79] : memref<10008x128xf32, #tpu.memory_space<vmem_shared>> -> memref<624x128xf32, #tpu.memory_space<vmem_shared>>
        %dma_start3A_81 = arith.constant 0 : i32
        %dma_start3A_82 = tpu.memref_slice %arg2[%mul3A_2, %dma_start3A_81] : memref<10000x128xf32, #tpu.memory_space<hbm>> -> memref<624x128xf32, #tpu.memory_space<hbm>>
        tpu.enqueue_dma source(%dma_start3A_82 : memref<624x128xf32, #tpu.memory_space<hbm>>) target(%dma_start3A_80 : memref<624x128xf32, #tpu.memory_space<vmem_shared>>) target_semaphore(%arg12 : memref<!tpu.dma_semaphore, #tpu.memory_space<semaphore_mem>>)
      } else {
      }
      %ne3A = arith.constant 0 : i32
      %ne3A_70 = arith.cmpi ne, %arg0, %ne3A : i32
      %convert_element_type3A_71 = arith.extui %ne3A_70 : i1 to i32
      %cond3A_72 = arith.constant 0 : i32
      %cond3A_73 = arith.cmpi ne, %convert_element_type3A_71, %cond3A_72 : i32
      scf.if %cond3A_73 {
        %dma_start3A_79 = arith.constant 0 : i32
        %dma_start3A_80 = tpu.memref_slice %arg10[%mul3A_2, %dma_start3A_79] : memref<10008x128xf32, #tpu.memory_space<vmem_shared>> -> memref<624x128xf32, #tpu.memory_space<vmem_shared>>
        %dma_start3A_81 = arith.constant 0 : i32
        %dma_start3A_82 = arith.constant 0 : i32
        %dma_start3A_83 = tpu.memref_slice %arg5[%dma_start3A_81, %dma_start3A_82] : memref<640x128xf32, #tpu.memory_space<hbm>> -> memref<624x128xf32, #tpu.memory_space<hbm>>
        tpu.enqueue_dma source(%dma_start3A_83 : memref<624x128xf32, #tpu.memory_space<hbm>>) target(%dma_start3A_80 : memref<624x128xf32, #tpu.memory_space<vmem_shared>>) target_semaphore(%arg12 : memref<!tpu.dma_semaphore, #tpu.memory_space<semaphore_mem>>)
      } else {
      }
      %dma_wait3A_74 = arith.constant 0 : i32
      %dma_wait3A_75 = tpu.memref_slice %arg10[%mul3A_2, %dma_wait3A_74] : memref<10008x128xf32, #tpu.memory_space<vmem_shared>> -> memref<624x128xf32, #tpu.memory_space<vmem_shared>>
      %dma_wait3A_76 = arith.constant 0 : i32
      %dma_wait3A_77 = arith.constant 0 : i32
      %dma_wait3A_78 = tpu.memref_slice %arg5[%dma_wait3A_76, %dma_wait3A_77] : memref<640x128xf32, #tpu.memory_space<hbm>> -> memref<624x128xf32, #tpu.memory_space<hbm>>
      tpu.wait_dma2 semaphore(%arg12 : memref<!tpu.dma_semaphore, #tpu.memory_space<semaphore_mem>>) src(%dma_wait3A_78 : memref<624x128xf32, #tpu.memory_space<hbm>>) dst(%dma_wait3A_75 : memref<624x128xf32, #tpu.memory_space<vmem_shared>>)
    } else {
    }
    %eq3A = arith.constant 15 : i32
    %eq3A_10 = arith.cmpi eq, %arg1, %eq3A : i32
    %convert_element_type3A_11 = arith.extui %eq3A_10 : i1 to i32
    %cond3A_12 = arith.constant 0 : i32
    %cond3A_13 = arith.cmpi ne, %convert_element_type3A_11, %cond3A_12 : i32
    scf.if %cond3A_13 {
      %eq3A_65 = arith.constant 0 : i32
      %eq3A_66 = arith.cmpi eq, %arg0, %eq3A_65 : i32
      %convert_element_type3A_67 = arith.extui %eq3A_66 : i1 to i32
      %cond3A_68 = arith.constant 0 : i32
      %cond3A_69 = arith.cmpi ne, %convert_element_type3A_67, %cond3A_68 : i32
      scf.if %cond3A_69 {
        %dma_start3A_79 = arith.constant 0 : i32
        %dma_start3A_80 = tpu.memref_slice %arg10[%mul3A_2, %dma_start3A_79] : memref<10008x128xf32, #tpu.memory_space<vmem_shared>> -> memref<640x128xf32, #tpu.memory_space<vmem_shared>>
        %dma_start3A_81 = arith.constant 0 : i32
        %dma_start3A_82 = tpu.memref_slice %arg2[%mul3A_2, %dma_start3A_81] : memref<10000x128xf32, #tpu.memory_space<hbm>> -> memref<640x128xf32, #tpu.memory_space<hbm>>
        tpu.enqueue_dma source(%dma_start3A_82 : memref<640x128xf32, #tpu.memory_space<hbm>>) target(%dma_start3A_80 : memref<640x128xf32, #tpu.memory_space<vmem_shared>>) target_semaphore(%arg12 : memref<!tpu.dma_semaphore, #tpu.memory_space<semaphore_mem>>)
      } else {
      }
      %ne3A = arith.constant 0 : i32
      %ne3A_70 = arith.cmpi ne, %arg0, %ne3A : i32
      %convert_element_type3A_71 = arith.extui %ne3A_70 : i1 to i32
      %cond3A_72 = arith.constant 0 : i32
      %cond3A_73 = arith.cmpi ne, %convert_element_type3A_71, %cond3A_72 : i32
      scf.if %cond3A_73 {
        %dma_start3A_79 = arith.constant 0 : i32
        %dma_start3A_80 = tpu.memref_slice %arg10[%mul3A_2, %dma_start3A_79] : memref<10008x128xf32, #tpu.memory_space<vmem_shared>> -> memref<640x128xf32, #tpu.memory_space<vmem_shared>>
        %dma_start3A_81 = arith.constant 0 : i32
        %dma_start3A_82 = arith.constant 0 : i32
        %dma_start3A_83 = tpu.memref_slice %arg5[%dma_start3A_81, %dma_start3A_82] : memref<640x128xf32, #tpu.memory_space<hbm>> -> memref<640x128xf32, #tpu.memory_space<hbm>>
        tpu.enqueue_dma source(%dma_start3A_83 : memref<640x128xf32, #tpu.memory_space<hbm>>) target(%dma_start3A_80 : memref<640x128xf32, #tpu.memory_space<vmem_shared>>) target_semaphore(%arg12 : memref<!tpu.dma_semaphore, #tpu.memory_space<semaphore_mem>>)
      } else {
      }
      %dma_wait3A_74 = arith.constant 0 : i32
      %dma_wait3A_75 = tpu.memref_slice %arg10[%mul3A_2, %dma_wait3A_74] : memref<10008x128xf32, #tpu.memory_space<vmem_shared>> -> memref<640x128xf32, #tpu.memory_space<vmem_shared>>
      %dma_wait3A_76 = arith.constant 0 : i32
      %dma_wait3A_77 = arith.constant 0 : i32
      %dma_wait3A_78 = tpu.memref_slice %arg5[%dma_wait3A_76, %dma_wait3A_77] : memref<640x128xf32, #tpu.memory_space<hbm>> -> memref<640x128xf32, #tpu.memory_space<hbm>>
      tpu.wait_dma2 semaphore(%arg12 : memref<!tpu.dma_semaphore, #tpu.memory_space<semaphore_mem>>) src(%dma_wait3A_78 : memref<640x128xf32, #tpu.memory_space<hbm>>) dst(%dma_wait3A_75 : memref<640x128xf32, #tpu.memory_space<vmem_shared>>)
    } else {
    }
    %dma_wait3A = tpu.memref_slice %arg3[%multiple_of3A] : memref<322560xi32, #tpu.memory_space<hbm>> -> memref<10080xi32, #tpu.memory_space<hbm>>
    %dma_wait3A_14 = tpu.memref_slice %arg3[%multiple_of3A] : memref<322560xi32, #tpu.memory_space<hbm>> -> memref<10080xi32, #tpu.memory_space<hbm>>
    tpu.wait_dma2 semaphore(%arg11 : memref<!tpu.dma_semaphore, #tpu.memory_space<semaphore_mem>>) src(%dma_wait3A_14 : memref<10080xi32, #tpu.memory_space<hbm>>) dst(%arg7 : memref<10080xi32, #tpu.memory_space<vmem>>)
    %dma_wait3A_15 = tpu.memref_slice %arg4[%multiple_of3A] : memref<322560xi32, #tpu.memory_space<hbm>> -> memref<10080xi32, #tpu.memory_space<hbm>>
    %dma_wait3A_16 = tpu.memref_slice %arg4[%multiple_of3A] : memref<322560xi32, #tpu.memory_space<hbm>> -> memref<10080xi32, #tpu.memory_space<hbm>>
    tpu.wait_dma2 semaphore(%arg11 : memref<!tpu.dma_semaphore, #tpu.memory_space<semaphore_mem>>) src(%dma_wait3A_16 : memref<10080xi32, #tpu.memory_space<hbm>>) dst(%arg8 : memref<10080xi32, #tpu.memory_space<vmem>>)
    %barrier3A = arith.constant 0 : index
    tpu.barrier barrier_id(%barrier3A)
    %multiple_of3A_17 = arith.constant 0 : i32
    %multiple_of3A_18 = tpu.assume_multiple %multiple_of3A_17, 8 : i32
    %dma_start3A_19 = arith.constant 0 : i32
    %dma_start3A_20 = arith.constant 0 : i32
    %dma_start3A_21 = arith.constant 0 : i32
    %dma_start3A_22 = tpu.memref_slice %arg9[%dma_start3A_19, %dma_start3A_20, %dma_start3A_21] : memref<3x80x128xf32, #tpu.memory_space<vmem>> -> memref<1x80x128xf32, #tpu.memory_space<vmem>>
    %dma_start3A_23 = tpu.memref_squeeze %dma_start3A_22 : memref<1x80x128xf32, #tpu.memory_space<vmem>> -> memref<80x128xf32, #tpu.memory_space<vmem>>
    %dma_start3A_24 = tpu.memref_slice %arg7[%multiple_of3A_18] : memref<10080xi32, #tpu.memory_space<vmem>> -> memref<80xi32, #tpu.memory_space<vmem>>
    %dma_start3A_25 = arith.constant 0 : i32
    %dma_start3A_26 = arith.constant 0 : i32
    %dma_start3A_27 = tpu.memref_slice %arg2[%dma_start3A_25, %dma_start3A_26] : memref<10000x128xf32, #tpu.memory_space<hbm>> -> memref<10000x128xf32, #tpu.memory_space<hbm>>
    tpu.enqueue_indirect_dma source(%dma_start3A_27 : memref<10000x128xf32, #tpu.memory_space<hbm>>) target(%dma_start3A_23 : memref<80x128xf32, #tpu.memory_space<vmem>>) offsets(%dma_start3A_24 : memref<80xi32, #tpu.memory_space<vmem>>) semaphore(%arg11 : memref<!tpu.dma_semaphore, #tpu.memory_space<semaphore_mem>>)
    %multiple_of3A_28 = arith.constant 80 : i32
    %multiple_of3A_29 = tpu.assume_multiple %multiple_of3A_28, 8 : i32
    %dma_start3A_30 = arith.constant 1 : i32
    %dma_start3A_31 = arith.constant 0 : i32
    %dma_start3A_32 = arith.constant 0 : i32
    %dma_start3A_33 = tpu.memref_slice %arg9[%dma_start3A_30, %dma_start3A_31, %dma_start3A_32] : memref<3x80x128xf32, #tpu.memory_space<vmem>> -> memref<1x80x128xf32, #tpu.memory_space<vmem>>
    %dma_start3A_34 = tpu.memref_squeeze %dma_start3A_33 : memref<1x80x128xf32, #tpu.memory_space<vmem>> -> memref<80x128xf32, #tpu.memory_space<vmem>>
    %dma_start3A_35 = tpu.memref_slice %arg7[%multiple_of3A_29] : memref<10080xi32, #tpu.memory_space<vmem>> -> memref<80xi32, #tpu.memory_space<vmem>>
    %dma_start3A_36 = arith.constant 0 : i32
    %dma_start3A_37 = arith.constant 0 : i32
    %dma_start3A_38 = tpu.memref_slice %arg2[%dma_start3A_36, %dma_start3A_37] : memref<10000x128xf32, #tpu.memory_space<hbm>> -> memref<10000x128xf32, #tpu.memory_space<hbm>>
    tpu.enqueue_indirect_dma source(%dma_start3A_38 : memref<10000x128xf32, #tpu.memory_space<hbm>>) target(%dma_start3A_34 : memref<80x128xf32, #tpu.memory_space<vmem>>) offsets(%dma_start3A_35 : memref<80xi32, #tpu.memory_space<vmem>>) semaphore(%arg11 : memref<!tpu.dma_semaphore, #tpu.memory_space<semaphore_mem>>)
    %multiple_of3A_39 = arith.constant 160 : i32
    %multiple_of3A_40 = tpu.assume_multiple %multiple_of3A_39, 8 : i32
    %dma_start3A_41 = arith.constant 2 : i32
    %dma_start3A_42 = arith.constant 0 : i32
    %dma_start3A_43 = arith.constant 0 : i32
    %dma_start3A_44 = tpu.memref_slice %arg9[%dma_start3A_41, %dma_start3A_42, %dma_start3A_43] : memref<3x80x128xf32, #tpu.memory_space<vmem>> -> memref<1x80x128xf32, #tpu.memory_space<vmem>>
    %dma_start3A_45 = tpu.memref_squeeze %dma_start3A_44 : memref<1x80x128xf32, #tpu.memory_space<vmem>> -> memref<80x128xf32, #tpu.memory_space<vmem>>
    %dma_start3A_46 = tpu.memref_slice %arg7[%multiple_of3A_40] : memref<10080xi32, #tpu.memory_space<vmem>> -> memref<80xi32, #tpu.memory_space<vmem>>
    %dma_start3A_47 = arith.constant 0 : i32
    %dma_start3A_48 = arith.constant 0 : i32
    %dma_start3A_49 = tpu.memref_slice %arg2[%dma_start3A_47, %dma_start3A_48] : memref<10000x128xf32, #tpu.memory_space<hbm>> -> memref<10000x128xf32, #tpu.memory_space<hbm>>
    tpu.enqueue_indirect_dma source(%dma_start3A_49 : memref<10000x128xf32, #tpu.memory_space<hbm>>) target(%dma_start3A_45 : memref<80x128xf32, #tpu.memory_space<vmem>>) offsets(%dma_start3A_46 : memref<80xi32, #tpu.memory_space<vmem>>) semaphore(%arg11 : memref<!tpu.dma_semaphore, #tpu.memory_space<semaphore_mem>>)
    %scan3A = arith.constant 0 : i32
    %scan3A_50 = arith.constant 42 : i32
    %scan3A_51 = arith.addi %scan3A, %scan3A_50 : i32
    %scan3A_52 = arith.constant 1 : i32
    scf.for %scan3A_65 = %scan3A to %scan3A_51 step %scan3A_52  : i32 {
      %mul3A_66 = arith.constant 3 : i32
      %mul3A_67 = arith.muli %scan3A_65, %mul3A_66 : i32
      %add3A_68 = arith.constant 0 : i32
      %add3A_69 = arith.addi %add3A_68, %mul3A_67 : i32
      %add3A_70 = arith.constant 0 : i32
      %add3A_71 = arith.addi %add3A_69, %add3A_70 : i32
      %mul3A_72 = arith.constant 80 : i32
      %mul3A_73 = arith.muli %add3A_71, %mul3A_72 : i32
      %multiple_of3A_74 = tpu.assume_multiple %mul3A_73, 8 : i32
      %dma_wait3A_75 = arith.constant 0 : i32
      %dma_wait3A_76 = arith.constant 0 : i32
      %dma_wait3A_77 = arith.constant 0 : i32
      %dma_wait3A_78 = tpu.memref_slice %arg9[%dma_wait3A_75, %dma_wait3A_76, %dma_wait3A_77] : memref<3x80x128xf32, #tpu.memory_space<vmem>> -> memref<1x80x128xf32, #tpu.memory_space<vmem>>
      %dma_wait3A_79 = tpu.memref_squeeze %dma_wait3A_78 : memref<1x80x128xf32, #tpu.memory_space<vmem>> -> memref<80x128xf32, #tpu.memory_space<vmem>>
      %dma_wait3A_80 = tpu.memref_slice %arg7[%multiple_of3A_74] : memref<10080xi32, #tpu.memory_space<vmem>> -> memref<80xi32, #tpu.memory_space<vmem>>
      %dma_wait3A_81 = arith.constant 0 : i32
      %dma_wait3A_82 = arith.constant 0 : i32
      %dma_wait3A_83 = tpu.memref_slice %arg2[%dma_wait3A_81, %dma_wait3A_82] : memref<10000x128xf32, #tpu.memory_space<hbm>> -> memref<10000x128xf32, #tpu.memory_space<hbm>>
      tpu.wait_indirect_dma semaphore(%arg11 : memref<!tpu.dma_semaphore, #tpu.memory_space<semaphore_mem>>) src(%dma_wait3A_83 : memref<10000x128xf32, #tpu.memory_space<hbm>>) dst(%dma_wait3A_79 : memref<80x128xf32, #tpu.memory_space<vmem>>)
      %add3A_84 = arith.constant 0 : i32
      %add3A_85 = arith.addi %add3A_69, %add3A_84 : i32
      %mul3A_86 = arith.constant 80 : i32
      %mul3A_87 = arith.muli %add3A_85, %mul3A_86 : i32
      %multiple_of3A_88 = tpu.assume_multiple %mul3A_87, 8 : i32
      %dma_start3A_89 = arith.constant 0 : i32
      %dma_start3A_90 = arith.constant 0 : i32
      %dma_start3A_91 = arith.constant 0 : i32
      %dma_start3A_92 = tpu.memref_slice %arg9[%dma_start3A_89, %dma_start3A_90, %dma_start3A_91] : memref<3x80x128xf32, #tpu.memory_space<vmem>> -> memref<1x80x128xf32, #tpu.memory_space<vmem>>
      %dma_start3A_93 = tpu.memref_squeeze %dma_start3A_92 : memref<1x80x128xf32, #tpu.memory_space<vmem>> -> memref<80x128xf32, #tpu.memory_space<vmem>>
      %dma_start3A_94 = tpu.memref_slice %arg8[%multiple_of3A_88] : memref<10080xi32, #tpu.memory_space<vmem>> -> memref<80xi32, #tpu.memory_space<vmem>>
      %dma_start3A_95 = arith.constant 0 : i32
      %dma_start3A_96 = arith.constant 0 : i32
      %dma_start3A_97 = tpu.memref_slice %arg10[%dma_start3A_95, %dma_start3A_96] : memref<10008x128xf32, #tpu.memory_space<vmem_shared>> -> memref<10008x128xf32, #tpu.memory_space<vmem_shared>>
      tpu.enqueue_indirect_dma source(%dma_start3A_93 : memref<80x128xf32, #tpu.memory_space<vmem>>) target(%dma_start3A_97 : memref<10008x128xf32, #tpu.memory_space<vmem_shared>>) offsets(%dma_start3A_94 : memref<80xi32, #tpu.memory_space<vmem>>) semaphore(%arg12 : memref<!tpu.dma_semaphore, #tpu.memory_space<semaphore_mem>>) {add = true}
      %add3A_98 = arith.constant 1 : i32
      %add3A_99 = arith.addi %add3A_69, %add3A_98 : i32
      %mul3A_100 = arith.constant 80 : i32
      %mul3A_101 = arith.muli %add3A_99, %mul3A_100 : i32
      %multiple_of3A_102 = tpu.assume_multiple %mul3A_101, 8 : i32
      %dma_wait3A_103 = arith.constant 1 : i32
      %dma_wait3A_104 = arith.constant 0 : i32
      %dma_wait3A_105 = arith.constant 0 : i32
      %dma_wait3A_106 = tpu.memref_slice %arg9[%dma_wait3A_103, %dma_wait3A_104, %dma_wait3A_105] : memref<3x80x128xf32, #tpu.memory_space<vmem>> -> memref<1x80x128xf32, #tpu.memory_space<vmem>>
      %dma_wait3A_107 = tpu.memref_squeeze %dma_wait3A_106 : memref<1x80x128xf32, #tpu.memory_space<vmem>> -> memref<80x128xf32, #tpu.memory_space<vmem>>
      %dma_wait3A_108 = tpu.memref_slice %arg7[%multiple_of3A_102] : memref<10080xi32, #tpu.memory_space<vmem>> -> memref<80xi32, #tpu.memory_space<vmem>>
      %dma_wait3A_109 = arith.constant 0 : i32
      %dma_wait3A_110 = arith.constant 0 : i32
      %dma_wait3A_111 = tpu.memref_slice %arg2[%dma_wait3A_109, %dma_wait3A_110] : memref<10000x128xf32, #tpu.memory_space<hbm>> -> memref<10000x128xf32, #tpu.memory_space<hbm>>
      tpu.wait_indirect_dma semaphore(%arg11 : memref<!tpu.dma_semaphore, #tpu.memory_space<semaphore_mem>>) src(%dma_wait3A_111 : memref<10000x128xf32, #tpu.memory_space<hbm>>) dst(%dma_wait3A_107 : memref<80x128xf32, #tpu.memory_space<vmem>>)
      %add3A_112 = arith.constant 1 : i32
      %add3A_113 = arith.addi %add3A_69, %add3A_112 : i32
      %mul3A_114 = arith.constant 80 : i32
      %mul3A_115 = arith.muli %add3A_113, %mul3A_114 : i32
      %multiple_of3A_116 = tpu.assume_multiple %mul3A_115, 8 : i32
      %dma_start3A_117 = arith.constant 1 : i32
      %dma_start3A_118 = arith.constant 0 : i32
      %dma_start3A_119 = arith.constant 0 : i32
      %dma_start3A_120 = tpu.memref_slice %arg9[%dma_start3A_117, %dma_start3A_118, %dma_start3A_119] : memref<3x80x128xf32, #tpu.memory_space<vmem>> -> memref<1x80x128xf32, #tpu.memory_space<vmem>>
      %dma_start3A_121 = tpu.memref_squeeze %dma_start3A_120 : memref<1x80x128xf32, #tpu.memory_space<vmem>> -> memref<80x128xf32, #tpu.memory_space<vmem>>
      %dma_start3A_122 = tpu.memref_slice %arg8[%multiple_of3A_116] : memref<10080xi32, #tpu.memory_space<vmem>> -> memref<80xi32, #tpu.memory_space<vmem>>
      %dma_start3A_123 = arith.constant 0 : i32
      %dma_start3A_124 = arith.constant 0 : i32
      %dma_start3A_125 = tpu.memref_slice %arg10[%dma_start3A_123, %dma_start3A_124] : memref<10008x128xf32, #tpu.memory_space<vmem_shared>> -> memref<10008x128xf32, #tpu.memory_space<vmem_shared>>
      tpu.enqueue_indirect_dma source(%dma_start3A_121 : memref<80x128xf32, #tpu.memory_space<vmem>>) target(%dma_start3A_125 : memref<10008x128xf32, #tpu.memory_space<vmem_shared>>) offsets(%dma_start3A_122 : memref<80xi32, #tpu.memory_space<vmem>>) semaphore(%arg12 : memref<!tpu.dma_semaphore, #tpu.memory_space<semaphore_mem>>) {add = true}
      %add3A_126 = arith.constant 2 : i32
      %add3A_127 = arith.addi %add3A_69, %add3A_126 : i32
      %mul3A_128 = arith.constant 80 : i32
      %mul3A_129 = arith.muli %add3A_127, %mul3A_128 : i32
      %multiple_of3A_130 = tpu.assume_multiple %mul3A_129, 8 : i32
      %dma_wait3A_131 = arith.constant 2 : i32
      %dma_wait3A_132 = arith.constant 0 : i32
      %dma_wait3A_133 = arith.constant 0 : i32
      %dma_wait3A_134 = tpu.memref_slice %arg9[%dma_wait3A_131, %dma_wait3A_132, %dma_wait3A_133] : memref<3x80x128xf32, #tpu.memory_space<vmem>> -> memref<1x80x128xf32, #tpu.memory_space<vmem>>
      %dma_wait3A_135 = tpu.memref_squeeze %dma_wait3A_134 : memref<1x80x128xf32, #tpu.memory_space<vmem>> -> memref<80x128xf32, #tpu.memory_space<vmem>>
      %dma_wait3A_136 = tpu.memref_slice %arg7[%multiple_of3A_130] : memref<10080xi32, #tpu.memory_space<vmem>> -> memref<80xi32, #tpu.memory_space<vmem>>
      %dma_wait3A_137 = arith.constant 0 : i32
      %dma_wait3A_138 = arith.constant 0 : i32
      %dma_wait3A_139 = tpu.memref_slice %arg2[%dma_wait3A_137, %dma_wait3A_138] : memref<10000x128xf32, #tpu.memory_space<hbm>> -> memref<10000x128xf32, #tpu.memory_space<hbm>>
      tpu.wait_indirect_dma semaphore(%arg11 : memref<!tpu.dma_semaphore, #tpu.memory_space<semaphore_mem>>) src(%dma_wait3A_139 : memref<10000x128xf32, #tpu.memory_space<hbm>>) dst(%dma_wait3A_135 : memref<80x128xf32, #tpu.memory_space<vmem>>)
      %add3A_140 = arith.constant 2 : i32
      %add3A_141 = arith.addi %add3A_69, %add3A_140 : i32
      %mul3A_142 = arith.constant 80 : i32
      %mul3A_143 = arith.muli %add3A_141, %mul3A_142 : i32
      %multiple_of3A_144 = tpu.assume_multiple %mul3A_143, 8 : i32
      %dma_start3A_145 = arith.constant 2 : i32
      %dma_start3A_146 = arith.constant 0 : i32
      %dma_start3A_147 = arith.constant 0 : i32
      %dma_start3A_148 = tpu.memref_slice %arg9[%dma_start3A_145, %dma_start3A_146, %dma_start3A_147] : memref<3x80x128xf32, #tpu.memory_space<vmem>> -> memref<1x80x128xf32, #tpu.memory_space<vmem>>
      %dma_start3A_149 = tpu.memref_squeeze %dma_start3A_148 : memref<1x80x128xf32, #tpu.memory_space<vmem>> -> memref<80x128xf32, #tpu.memory_space<vmem>>
      %dma_start3A_150 = tpu.memref_slice %arg8[%multiple_of3A_144] : memref<10080xi32, #tpu.memory_space<vmem>> -> memref<80xi32, #tpu.memory_space<vmem>>
      %dma_start3A_151 = arith.constant 0 : i32
      %dma_start3A_152 = arith.constant 0 : i32
      %dma_start3A_153 = tpu.memref_slice %arg10[%dma_start3A_151, %dma_start3A_152] : memref<10008x128xf32, #tpu.memory_space<vmem_shared>> -> memref<10008x128xf32, #tpu.memory_space<vmem_shared>>
      tpu.enqueue_indirect_dma source(%dma_start3A_149 : memref<80x128xf32, #tpu.memory_space<vmem>>) target(%dma_start3A_153 : memref<10008x128xf32, #tpu.memory_space<vmem_shared>>) offsets(%dma_start3A_150 : memref<80xi32, #tpu.memory_space<vmem>>) semaphore(%arg12 : memref<!tpu.dma_semaphore, #tpu.memory_space<semaphore_mem>>) {add = true}
      %add3A_154 = arith.constant 0 : i32
      %add3A_155 = arith.addi %add3A_69, %add3A_154 : i32
      %mul3A_156 = arith.constant 80 : i32
      %mul3A_157 = arith.muli %add3A_155, %mul3A_156 : i32
      %multiple_of3A_158 = tpu.assume_multiple %mul3A_157, 8 : i32
      %dma_wait3A_159 = arith.constant 0 : i32
      %dma_wait3A_160 = arith.constant 0 : i32
      %dma_wait3A_161 = arith.constant 0 : i32
      %dma_wait3A_162 = tpu.memref_slice %arg9[%dma_wait3A_159, %dma_wait3A_160, %dma_wait3A_161] : memref<3x80x128xf32, #tpu.memory_space<vmem>> -> memref<1x80x128xf32, #tpu.memory_space<vmem>>
      %dma_wait3A_163 = tpu.memref_squeeze %dma_wait3A_162 : memref<1x80x128xf32, #tpu.memory_space<vmem>> -> memref<80x128xf32, #tpu.memory_space<vmem>>
      %dma_wait3A_164 = tpu.memref_slice %arg8[%multiple_of3A_158] : memref<10080xi32, #tpu.memory_space<vmem>> -> memref<80xi32, #tpu.memory_space<vmem>>
      %dma_wait3A_165 = arith.constant 0 : i32
      %dma_wait3A_166 = arith.constant 0 : i32
      %dma_wait3A_167 = tpu.memref_slice %arg10[%dma_wait3A_165, %dma_wait3A_166] : memref<10008x128xf32, #tpu.memory_space<vmem_shared>> -> memref<10008x128xf32, #tpu.memory_space<vmem_shared>>
      tpu.wait_indirect_dma semaphore(%arg12 : memref<!tpu.dma_semaphore, #tpu.memory_space<semaphore_mem>>) src(%dma_wait3A_163 : memref<80x128xf32, #tpu.memory_space<vmem>>) dst(%dma_wait3A_167 : memref<10008x128xf32, #tpu.memory_space<vmem_shared>>)
      %add3A_168 = arith.constant 0 : i32
      %add3A_169 = arith.addi %add3A_69, %add3A_168 : i32
      %add3A_170 = arith.constant 3 : i32
      %add3A_171 = arith.addi %add3A_169, %add3A_170 : i32
      %lt3A_172 = arith.constant 126 : i32
      %lt3A_173 = arith.cmpi slt, %add3A_171, %lt3A_172 : i32
      %convert_element_type3A_174 = arith.extui %lt3A_173 : i1 to i32
      %cond3A_175 = arith.constant 0 : i32
      %cond3A_176 = arith.cmpi ne, %convert_element_type3A_174, %cond3A_175 : i32
      scf.if %cond3A_176 {
        %add3A_223 = arith.constant 0 : i32
        %add3A_224 = arith.addi %add3A_69, %add3A_223 : i32
        %add3A_225 = arith.constant 3 : i32
        %add3A_226 = arith.addi %add3A_224, %add3A_225 : i32
        %mul3A_227 = arith.constant 80 : i32
        %mul3A_228 = arith.muli %add3A_226, %mul3A_227 : i32
        %multiple_of3A_229 = tpu.assume_multiple %mul3A_228, 8 : i32
        %dma_start3A_230 = arith.constant 0 : i32
        %dma_start3A_231 = arith.constant 0 : i32
        %dma_start3A_232 = arith.constant 0 : i32
        %dma_start3A_233 = tpu.memref_slice %arg9[%dma_start3A_230, %dma_start3A_231, %dma_start3A_232] : memref<3x80x128xf32, #tpu.memory_space<vmem>> -> memref<1x80x128xf32, #tpu.memory_space<vmem>>
        %dma_start3A_234 = tpu.memref_squeeze %dma_start3A_233 : memref<1x80x128xf32, #tpu.memory_space<vmem>> -> memref<80x128xf32, #tpu.memory_space<vmem>>
        %dma_start3A_235 = tpu.memref_slice %arg7[%multiple_of3A_229] : memref<10080xi32, #tpu.memory_space<vmem>> -> memref<80xi32, #tpu.memory_space<vmem>>
        %dma_start3A_236 = arith.constant 0 : i32
        %dma_start3A_237 = arith.constant 0 : i32
        %dma_start3A_238 = tpu.memref_slice %arg2[%dma_start3A_236, %dma_start3A_237] : memref<10000x128xf32, #tpu.memory_space<hbm>> -> memref<10000x128xf32, #tpu.memory_space<hbm>>
        tpu.enqueue_indirect_dma source(%dma_start3A_238 : memref<10000x128xf32, #tpu.memory_space<hbm>>) target(%dma_start3A_234 : memref<80x128xf32, #tpu.memory_space<vmem>>) offsets(%dma_start3A_235 : memref<80xi32, #tpu.memory_space<vmem>>) semaphore(%arg11 : memref<!tpu.dma_semaphore, #tpu.memory_space<semaphore_mem>>)
      } else {
      }
      %add3A_177 = arith.constant 1 : i32
      %add3A_178 = arith.addi %add3A_69, %add3A_177 : i32
      %mul3A_179 = arith.constant 80 : i32
      %mul3A_180 = arith.muli %add3A_178, %mul3A_179 : i32
      %multiple_of3A_181 = tpu.assume_multiple %mul3A_180, 8 : i32
      %dma_wait3A_182 = arith.constant 1 : i32
      %dma_wait3A_183 = arith.constant 0 : i32
      %dma_wait3A_184 = arith.constant 0 : i32
      %dma_wait3A_185 = tpu.memref_slice %arg9[%dma_wait3A_182, %dma_wait3A_183, %dma_wait3A_184] : memref<3x80x128xf32, #tpu.memory_space<vmem>> -> memref<1x80x128xf32, #tpu.memory_space<vmem>>
      %dma_wait3A_186 = tpu.memref_squeeze %dma_wait3A_185 : memref<1x80x128xf32, #tpu.memory_space<vmem>> -> memref<80x128xf32, #tpu.memory_space<vmem>>
      %dma_wait3A_187 = tpu.memref_slice %arg8[%multiple_of3A_181] : memref<10080xi32, #tpu.memory_space<vmem>> -> memref<80xi32, #tpu.memory_space<vmem>>
      %dma_wait3A_188 = arith.constant 0 : i32
      %dma_wait3A_189 = arith.constant 0 : i32
      %dma_wait3A_190 = tpu.memref_slice %arg10[%dma_wait3A_188, %dma_wait3A_189] : memref<10008x128xf32, #tpu.memory_space<vmem_shared>> -> memref<10008x128xf32, #tpu.memory_space<vmem_shared>>
      tpu.wait_indirect_dma semaphore(%arg12 : memref<!tpu.dma_semaphore, #tpu.memory_space<semaphore_mem>>) src(%dma_wait3A_186 : memref<80x128xf32, #tpu.memory_space<vmem>>) dst(%dma_wait3A_190 : memref<10008x128xf32, #tpu.memory_space<vmem_shared>>)
      %add3A_191 = arith.constant 1 : i32
      %add3A_192 = arith.addi %add3A_69, %add3A_191 : i32
      %add3A_193 = arith.constant 3 : i32
      %add3A_194 = arith.addi %add3A_192, %add3A_193 : i32
      %lt3A_195 = arith.constant 126 : i32
      %lt3A_196 = arith.cmpi slt, %add3A_194, %lt3A_195 : i32
      %convert_element_type3A_197 = arith.extui %lt3A_196 : i1 to i32
      %cond3A_198 = arith.constant 0 : i32
      %cond3A_199 = arith.cmpi ne, %convert_element_type3A_197, %cond3A_198 : i32
      scf.if %cond3A_199 {
        %add3A_223 = arith.constant 1 : i32
        %add3A_224 = arith.addi %add3A_69, %add3A_223 : i32
        %add3A_225 = arith.constant 3 : i32
        %add3A_226 = arith.addi %add3A_224, %add3A_225 : i32
        %mul3A_227 = arith.constant 80 : i32
        %mul3A_228 = arith.muli %add3A_226, %mul3A_227 : i32
        %multiple_of3A_229 = tpu.assume_multiple %mul3A_228, 8 : i32
        %dma_start3A_230 = arith.constant 1 : i32
        %dma_start3A_231 = arith.constant 0 : i32
        %dma_start3A_232 = arith.constant 0 : i32
        %dma_start3A_233 = tpu.memref_slice %arg9[%dma_start3A_230, %dma_start3A_231, %dma_start3A_232] : memref<3x80x128xf32, #tpu.memory_space<vmem>> -> memref<1x80x128xf32, #tpu.memory_space<vmem>>
        %dma_start3A_234 = tpu.memref_squeeze %dma_start3A_233 : memref<1x80x128xf32, #tpu.memory_space<vmem>> -> memref<80x128xf32, #tpu.memory_space<vmem>>
        %dma_start3A_235 = tpu.memref_slice %arg7[%multiple_of3A_229] : memref<10080xi32, #tpu.memory_space<vmem>> -> memref<80xi32, #tpu.memory_space<vmem>>
        %dma_start3A_236 = arith.constant 0 : i32
        %dma_start3A_237 = arith.constant 0 : i32
        %dma_start3A_238 = tpu.memref_slice %arg2[%dma_start3A_236, %dma_start3A_237] : memref<10000x128xf32, #tpu.memory_space<hbm>> -> memref<10000x128xf32, #tpu.memory_space<hbm>>
        tpu.enqueue_indirect_dma source(%dma_start3A_238 : memref<10000x128xf32, #tpu.memory_space<hbm>>) target(%dma_start3A_234 : memref<80x128xf32, #tpu.memory_space<vmem>>) offsets(%dma_start3A_235 : memref<80xi32, #tpu.memory_space<vmem>>) semaphore(%arg11 : memref<!tpu.dma_semaphore, #tpu.memory_space<semaphore_mem>>)
      } else {
      }
      %add3A_200 = arith.constant 2 : i32
      %add3A_201 = arith.addi %add3A_69, %add3A_200 : i32
      %mul3A_202 = arith.constant 80 : i32
      %mul3A_203 = arith.muli %add3A_201, %mul3A_202 : i32
      %multiple_of3A_204 = tpu.assume_multiple %mul3A_203, 8 : i32
      %dma_wait3A_205 = arith.constant 2 : i32
      %dma_wait3A_206 = arith.constant 0 : i32
      %dma_wait3A_207 = arith.constant 0 : i32
      %dma_wait3A_208 = tpu.memref_slice %arg9[%dma_wait3A_205, %dma_wait3A_206, %dma_wait3A_207] : memref<3x80x128xf32, #tpu.memory_space<vmem>> -> memref<1x80x128xf32, #tpu.memory_space<vmem>>
      %dma_wait3A_209 = tpu.memref_squeeze %dma_wait3A_208 : memref<1x80x128xf32, #tpu.memory_space<vmem>> -> memref<80x128xf32, #tpu.memory_space<vmem>>
      %dma_wait3A_210 = tpu.memref_slice %arg8[%multiple_of3A_204] : memref<10080xi32, #tpu.memory_space<vmem>> -> memref<80xi32, #tpu.memory_space<vmem>>
      %dma_wait3A_211 = arith.constant 0 : i32
      %dma_wait3A_212 = arith.constant 0 : i32
      %dma_wait3A_213 = tpu.memref_slice %arg10[%dma_wait3A_211, %dma_wait3A_212] : memref<10008x128xf32, #tpu.memory_space<vmem_shared>> -> memref<10008x128xf32, #tpu.memory_space<vmem_shared>>
      tpu.wait_indirect_dma semaphore(%arg12 : memref<!tpu.dma_semaphore, #tpu.memory_space<semaphore_mem>>) src(%dma_wait3A_209 : memref<80x128xf32, #tpu.memory_space<vmem>>) dst(%dma_wait3A_213 : memref<10008x128xf32, #tpu.memory_space<vmem_shared>>)
      %add3A_214 = arith.constant 2 : i32
      %add3A_215 = arith.addi %add3A_69, %add3A_214 : i32
      %add3A_216 = arith.constant 3 : i32
      %add3A_217 = arith.addi %add3A_215, %add3A_216 : i32
      %lt3A_218 = arith.constant 126 : i32
      %lt3A_219 = arith.cmpi slt, %add3A_217, %lt3A_218 : i32
      %convert_element_type3A_220 = arith.extui %lt3A_219 : i1 to i32
      %cond3A_221 = arith.constant 0 : i32
      %cond3A_222 = arith.cmpi ne, %convert_element_type3A_220, %cond3A_221 : i32
      scf.if %cond3A_222 {
        %add3A_223 = arith.constant 2 : i32
        %add3A_224 = arith.addi %add3A_69, %add3A_223 : i32
        %add3A_225 = arith.constant 3 : i32
        %add3A_226 = arith.addi %add3A_224, %add3A_225 : i32
        %mul3A_227 = arith.constant 80 : i32
        %mul3A_228 = arith.muli %add3A_226, %mul3A_227 : i32
        %multiple_of3A_229 = tpu.assume_multiple %mul3A_228, 8 : i32
        %dma_start3A_230 = arith.constant 2 : i32
        %dma_start3A_231 = arith.constant 0 : i32
        %dma_start3A_232 = arith.constant 0 : i32
        %dma_start3A_233 = tpu.memref_slice %arg9[%dma_start3A_230, %dma_start3A_231, %dma_start3A_232] : memref<3x80x128xf32, #tpu.memory_space<vmem>> -> memref<1x80x128xf32, #tpu.memory_space<vmem>>
        %dma_start3A_234 = tpu.memref_squeeze %dma_start3A_233 : memref<1x80x128xf32, #tpu.memory_space<vmem>> -> memref<80x128xf32, #tpu.memory_space<vmem>>
        %dma_start3A_235 = tpu.memref_slice %arg7[%multiple_of3A_229] : memref<10080xi32, #tpu.memory_space<vmem>> -> memref<80xi32, #tpu.memory_space<vmem>>
        %dma_start3A_236 = arith.constant 0 : i32
        %dma_start3A_237 = arith.constant 0 : i32
        %dma_start3A_238 = tpu.memref_slice %arg2[%dma_start3A_236, %dma_start3A_237] : memref<10000x128xf32, #tpu.memory_space<hbm>> -> memref<10000x128xf32, #tpu.memory_space<hbm>>
        tpu.enqueue_indirect_dma source(%dma_start3A_238 : memref<10000x128xf32, #tpu.memory_space<hbm>>) target(%dma_start3A_234 : memref<80x128xf32, #tpu.memory_space<vmem>>) offsets(%dma_start3A_235 : memref<80xi32, #tpu.memory_space<vmem>>) semaphore(%arg11 : memref<!tpu.dma_semaphore, #tpu.memory_space<semaphore_mem>>)
      } else {
      }
    }
    %scan3A_53 = arith.constant 42 : i32
    %barrier3A_54 = arith.constant 0 : index
    tpu.barrier barrier_id(%barrier3A_54)
    %lt3A_55 = arith.constant 15 : i32
    %lt3A_56 = arith.cmpi slt, %arg1, %lt3A_55 : i32
    %convert_element_type3A_57 = arith.extui %lt3A_56 : i1 to i32
    %cond3A_58 = arith.constant 0 : i32
    %cond3A_59 = arith.cmpi ne, %convert_element_type3A_57, %cond3A_58 : i32
    scf.if %cond3A_59 {
      "tpu.region"() ({
        %run_scoped3A = tpu.sem_alloc : memref<!tpu.dma_semaphore, #tpu.memory_space<semaphore_mem>>
        %dma_start3A_65 = arith.constant 0 : i32
        %dma_start3A_66 = tpu.memref_slice %arg6[%arg0, %mul3A_2, %dma_start3A_65] : memref<2x10000x128xf32, #tpu.memory_space<hbm>> -> memref<1x624x128xf32, #tpu.memory_space<hbm>>
        %dma_start3A_67 = tpu.memref_squeeze %dma_start3A_66 : memref<1x624x128xf32, #tpu.memory_space<hbm>> -> memref<624x128xf32, #tpu.memory_space<hbm>>
        %dma_start3A_68 = arith.constant 0 : i32
        %dma_start3A_69 = tpu.memref_slice %arg10[%mul3A_2, %dma_start3A_68] : memref<10008x128xf32, #tpu.memory_space<vmem_shared>> -> memref<624x128xf32, #tpu.memory_space<vmem_shared>>
        tpu.enqueue_dma source(%dma_start3A_69 : memref<624x128xf32, #tpu.memory_space<vmem_shared>>) target(%dma_start3A_67 : memref<624x128xf32, #tpu.memory_space<hbm>>) target_semaphore(%run_scoped3A : memref<!tpu.dma_semaphore, #tpu.memory_space<semaphore_mem>>)
        %dma_wait3A_70 = arith.constant 0 : i32
        %dma_wait3A_71 = tpu.memref_slice %arg6[%arg0, %mul3A_2, %dma_wait3A_70] : memref<2x10000x128xf32, #tpu.memory_space<hbm>> -> memref<1x624x128xf32, #tpu.memory_space<hbm>>
        %dma_wait3A_72 = tpu.memref_squeeze %dma_wait3A_71 : memref<1x624x128xf32, #tpu.memory_space<hbm>> -> memref<624x128xf32, #tpu.memory_space<hbm>>
        %dma_wait3A_73 = arith.constant 0 : i32
        %dma_wait3A_74 = tpu.memref_slice %arg10[%mul3A_2, %dma_wait3A_73] : memref<10008x128xf32, #tpu.memory_space<vmem_shared>> -> memref<624x128xf32, #tpu.memory_space<vmem_shared>>
        tpu.wait_dma2 semaphore(%run_scoped3A : memref<!tpu.dma_semaphore, #tpu.memory_space<semaphore_mem>>) src(%dma_wait3A_74 : memref<624x128xf32, #tpu.memory_space<vmem_shared>>) dst(%dma_wait3A_72 : memref<624x128xf32, #tpu.memory_space<hbm>>)
        tpu.yield
      }) : () -> ()
    } else {
    }
    %eq3A_60 = arith.constant 15 : i32
    %eq3A_61 = arith.cmpi eq, %arg1, %eq3A_60 : i32
    %convert_element_type3A_62 = arith.extui %eq3A_61 : i1 to i32
    %cond3A_63 = arith.constant 0 : i32
    %cond3A_64 = arith.cmpi ne, %convert_element_type3A_62, %cond3A_63 : i32
    scf.if %cond3A_64 {
      "tpu.region"() ({
        %run_scoped3A = tpu.sem_alloc : memref<!tpu.dma_semaphore, #tpu.memory_space<semaphore_mem>>
        %dma_start3A_65 = arith.constant 0 : i32
        %dma_start3A_66 = tpu.memref_slice %arg6[%arg0, %mul3A_2, %dma_start3A_65] : memref<2x10000x128xf32, #tpu.memory_space<hbm>> -> memref<1x640x128xf32, #tpu.memory_space<hbm>>
        %dma_start3A_67 = tpu.memref_squeeze %dma_start3A_66 : memref<1x640x128xf32, #tpu.memory_space<hbm>> -> memref<640x128xf32, #tpu.memory_space<hbm>>
        %dma_start3A_68 = arith.constant 0 : i32
        %dma_start3A_69 = tpu.memref_slice %arg10[%mul3A_2, %dma_start3A_68] : memref<10008x128xf32, #tpu.memory_space<vmem_shared>> -> memref<640x128xf32, #tpu.memory_space<vmem_shared>>
        tpu.enqueue_dma source(%dma_start3A_69 : memref<640x128xf32, #tpu.memory_space<vmem_shared>>) target(%dma_start3A_67 : memref<640x128xf32, #tpu.memory_space<hbm>>) target_semaphore(%run_scoped3A : memref<!tpu.dma_semaphore, #tpu.memory_space<semaphore_mem>>)
        %dma_wait3A_70 = arith.constant 0 : i32
        %dma_wait3A_71 = tpu.memref_slice %arg6[%arg0, %mul3A_2, %dma_wait3A_70] : memref<2x10000x128xf32, #tpu.memory_space<hbm>> -> memref<1x640x128xf32, #tpu.memory_space<hbm>>
        %dma_wait3A_72 = tpu.memref_squeeze %dma_wait3A_71 : memref<1x640x128xf32, #tpu.memory_space<hbm>> -> memref<640x128xf32, #tpu.memory_space<hbm>>
        %dma_wait3A_73 = arith.constant 0 : i32
        %dma_wait3A_74 = tpu.memref_slice %arg10[%mul3A_2, %dma_wait3A_73] : memref<10008x128xf32, #tpu.memory_space<vmem_shared>> -> memref<640x128xf32, #tpu.memory_space<vmem_shared>>
        tpu.wait_dma2 semaphore(%run_scoped3A : memref<!tpu.dma_semaphore, #tpu.memory_space<semaphore_mem>>) src(%dma_wait3A_74 : memref<640x128xf32, #tpu.memory_space<vmem_shared>>) dst(%dma_wait3A_72 : memref<640x128xf32, #tpu.memory_space<hbm>>)
        tpu.yield
      }) : () -> ()
    } else {
    }
    return
  }
}

#map = affine_map<(d0, d1) -> (0, 0)>
#map1 = affine_map<(d0, d1) -> (0)>
#map2 = affine_map<(d0, d1) -> (0, 0, 0)>
module attributes {stable_mosaic.version = 14 : i64} {
  func.func @k(%arg0: i32, %arg1: i32, %arg2: memref<10000x128xf32, #tpu.memory_space<hbm>>, %arg3: memref<322560xi32, #tpu.memory_space<hbm>>, %arg4: memref<322560xi32, #tpu.memory_space<hbm>>, %arg5: memref<640x128xf32, #tpu.memory_space<hbm>>, %arg6: memref<2x10000x128xf32, #tpu.memory_space<hbm>>, %arg7: memref<10080xi32, #tpu.memory_space<vmem>>, %arg8: memref<10080xi32, #tpu.memory_space<vmem>>, %arg9: memref<3x80x128xf32, #tpu.memory_space<vmem>>, %arg10: memref<10008x128xf32, #tpu.memory_space<vmem_shared>>, %arg11: memref<!tpu.dma_semaphore, #tpu.memory_space<semaphore_mem>>, %arg12: memref<!tpu.dma_semaphore, #tpu.memory_space<semaphore_mem>>) attributes {dimension_semantics = [#tpu.dimension_semantics<core_parallel>, #tpu.dimension_semantics<subcore_parallel>], iteration_bounds = array<i64: 2, 16>, scalar_prefetch = 0 : i64, scratch_operands = 6 : i64, tpu.core_type = #tpu.core_type<sc_vector_subcore>, window_params = [{transform_indices = #map}, {transform_indices = #map1}, {transform_indices = #map1}, {transform_indices = #map}, {transform_indices = #map2}]} {
    %mul3A = arith.constant 16 : i32
    %mul3A_0 = arith.muli %arg0, %mul3A : i32
    %add3A = arith.addi %mul3A_0, %arg1 : i32
    %mul3A_1 = arith.constant 624 : i32
    %mul3A_2 = arith.muli %arg1, %mul3A_1 : i32
    %mul3A_3 = arith.constant 10080 : i32
    %mul3A_4 = arith.muli %add3A, %mul3A_3 : i32
    %multiple_of3A = tpu.assume_multiple %mul3A_4, 8 : i32
    %dma_start3A = tpu.memref_slice %arg3[%multiple_of3A] : memref<322560xi32, #tpu.memory_space<hbm>> -> memref<10080xi32, #tpu.memory_space<hbm>>
    %dma_start3A_5 = tpu.memref_slice %arg3[%multiple_of3A] : memref<322560xi32, #tpu.memory_space<hbm>> -> memref<10080xi32, #tpu.memory_space<hbm>>
    tpu.enqueue_dma source(%dma_start3A_5 : memref<10080xi32, #tpu.memory_space<hbm>>) target(%arg7 : memref<10080xi32, #tpu.memory_space<vmem>>) target_semaphore(%arg11 : memref<!tpu.dma_semaphore, #tpu.memory_space<semaphore_mem>>)
    %dma_start3A_6 = tpu.memref_slice %arg4[%multiple_of3A] : memref<322560xi32, #tpu.memory_space<hbm>> -> memref<10080xi32, #tpu.memory_space<hbm>>
    %dma_start3A_7 = tpu.memref_slice %arg4[%multiple_of3A] : memref<322560xi32, #tpu.memory_space<hbm>> -> memref<10080xi32, #tpu.memory_space<hbm>>
    tpu.enqueue_dma source(%dma_start3A_7 : memref<10080xi32, #tpu.memory_space<hbm>>) target(%arg8 : memref<10080xi32, #tpu.memory_space<vmem>>) target_semaphore(%arg11 : memref<!tpu.dma_semaphore, #tpu.memory_space<semaphore_mem>>)
    %lt3A = arith.constant 15 : i32
    %lt3A_8 = arith.cmpi slt, %arg1, %lt3A : i32
    %convert_element_type3A = arith.extui %lt3A_8 : i1 to i32
    %cond3A = arith.constant 0 : i32
    %cond3A_9 = arith.cmpi ne, %convert_element_type3A, %cond3A : i32
    scf.if %cond3A_9 {
      %eq3A_65 = arith.constant 0 : i32
      %eq3A_66 = arith.cmpi eq, %arg0, %eq3A_65 : i32
      %convert_element_type3A_67 = arith.extui %eq3A_66 : i1 to i32
      %cond3A_68 = arith.constant 0 : i32
      %cond3A_69 = arith.cmpi ne, %convert_element_type3A_67, %cond3A_68 : i32
      scf.if %cond3A_69 {
        %dma_start3A_79 = arith.constant 0 : i32
        %dma_start3A_80 = tpu.memref_slice %arg10[%mul3A_2, %dma_start3A_79] : memref<10008x128xf32, #tpu.memory_space<vmem_shared>> -> memref<624x128xf32, #tpu.memory_space<vmem_shared>>
        %dma_start3A_81 = arith.constant 0 : i32
        %dma_start3A_82 = tpu.memref_slice %arg2[%mul3A_2, %dma_start3A_81] : memref<10000x128xf32, #tpu.memory_space<hbm>> -> memref<624x128xf32, #tpu.memory_space<hbm>>
        tpu.enqueue_dma source(%dma_start3A_82 : memref<624x128xf32, #tpu.memory_space<hbm>>) target(%dma_start3A_80 : memref<624x128xf32, #tpu.memory_space<vmem_shared>>) target_semaphore(%arg12 : memref<!tpu.dma_semaphore, #tpu.memory_space<semaphore_mem>>)
      } else {
      }
      %ne3A = arith.constant 0 : i32
      %ne3A_70 = arith.cmpi ne, %arg0, %ne3A : i32
      %convert_element_type3A_71 = arith.extui %ne3A_70 : i1 to i32
      %cond3A_72 = arith.constant 0 : i32
      %cond3A_73 = arith.cmpi ne, %convert_element_type3A_71, %cond3A_72 : i32
      scf.if %cond3A_73 {
        %dma_start3A_79 = arith.constant 0 : i32
        %dma_start3A_80 = tpu.memref_slice %arg10[%mul3A_2, %dma_start3A_79] : memref<10008x128xf32, #tpu.memory_space<vmem_shared>> -> memref<624x128xf32, #tpu.memory_space<vmem_shared>>
        %dma_start3A_81 = arith.constant 0 : i32
        %dma_start3A_82 = arith.constant 0 : i32
        %dma_start3A_83 = tpu.memref_slice %arg5[%dma_start3A_81, %dma_start3A_82] : memref<640x128xf32, #tpu.memory_space<hbm>> -> memref<624x128xf32, #tpu.memory_space<hbm>>
        tpu.enqueue_dma source(%dma_start3A_83 : memref<624x128xf32, #tpu.memory_space<hbm>>) target(%dma_start3A_80 : memref<624x128xf32, #tpu.memory_space<vmem_shared>>) target_semaphore(%arg12 : memref<!tpu.dma_semaphore, #tpu.memory_space<semaphore_mem>>)
      } else {
      }
      %dma_wait3A_74 = arith.constant 0 : i32
      %dma_wait3A_75 = tpu.memref_slice %arg10[%mul3A_2, %dma_wait3A_74] : memref<10008x128xf32, #tpu.memory_space<vmem_shared>> -> memref<624x128xf32, #tpu.memory_space<vmem_shared>>
      %dma_wait3A_76 = arith.constant 0 : i32
      %dma_wait3A_77 = arith.constant 0 : i32
      %dma_wait3A_78 = tpu.memref_slice %arg5[%dma_wait3A_76, %dma_wait3A_77] : memref<640x128xf32, #tpu.memory_space<hbm>> -> memref<624x128xf32, #tpu.memory_space<hbm>>
      tpu.wait_dma2 semaphore(%arg12 : memref<!tpu.dma_semaphore, #tpu.memory_space<semaphore_mem>>) src(%dma_wait3A_78 : memref<624x128xf32, #tpu.memory_space<hbm>>) dst(%dma_wait3A_75 : memref<624x128xf32, #tpu.memory_space<vmem_shared>>)
    } else {
    }
    %eq3A = arith.constant 15 : i32
    %eq3A_10 = arith.cmpi eq, %arg1, %eq3A : i32
    %convert_element_type3A_11 = arith.extui %eq3A_10 : i1 to i32
    %cond3A_12 = arith.constant 0 : i32
    %cond3A_13 = arith.cmpi ne, %convert_element_type3A_11, %cond3A_12 : i32
    scf.if %cond3A_13 {
      %eq3A_65 = arith.constant 0 : i32
      %eq3A_66 = arith.cmpi eq, %arg0, %eq3A_65 : i32
      %convert_element_type3A_67 = arith.extui %eq3A_66 : i1 to i32
      %cond3A_68 = arith.constant 0 : i32
      %cond3A_69 = arith.cmpi ne, %convert_element_type3A_67, %cond3A_68 : i32
      scf.if %cond3A_69 {
        %dma_start3A_79 = arith.constant 0 : i32
        %dma_start3A_80 = tpu.memref_slice %arg10[%mul3A_2, %dma_start3A_79] : memref<10008x128xf32, #tpu.memory_space<vmem_shared>> -> memref<640x128xf32, #tpu.memory_space<vmem_shared>>
        %dma_start3A_81 = arith.constant 0 : i32
        %dma_start3A_82 = tpu.memref_slice %arg2[%mul3A_2, %dma_start3A_81] : memref<10000x128xf32, #tpu.memory_space<hbm>> -> memref<640x128xf32, #tpu.memory_space<hbm>>
        tpu.enqueue_dma source(%dma_start3A_82 : memref<640x128xf32, #tpu.memory_space<hbm>>) target(%dma_start3A_80 : memref<640x128xf32, #tpu.memory_space<vmem_shared>>) target_semaphore(%arg12 : memref<!tpu.dma_semaphore, #tpu.memory_space<semaphore_mem>>)
      } else {
      }
      %ne3A = arith.constant 0 : i32
      %ne3A_70 = arith.cmpi ne, %arg0, %ne3A : i32
      %convert_element_type3A_71 = arith.extui %ne3A_70 : i1 to i32
      %cond3A_72 = arith.constant 0 : i32
      %cond3A_73 = arith.cmpi ne, %convert_element_type3A_71, %cond3A_72 : i32
      scf.if %cond3A_73 {
        %dma_start3A_79 = arith.constant 0 : i32
        %dma_start3A_80 = tpu.memref_slice %arg10[%mul3A_2, %dma_start3A_79] : memref<10008x128xf32, #tpu.memory_space<vmem_shared>> -> memref<640x128xf32, #tpu.memory_space<vmem_shared>>
        %dma_start3A_81 = arith.constant 0 : i32
        %dma_start3A_82 = arith.constant 0 : i32
        %dma_start3A_83 = tpu.memref_slice %arg5[%dma_start3A_81, %dma_start3A_82] : memref<640x128xf32, #tpu.memory_space<hbm>> -> memref<640x128xf32, #tpu.memory_space<hbm>>
        tpu.enqueue_dma source(%dma_start3A_83 : memref<640x128xf32, #tpu.memory_space<hbm>>) target(%dma_start3A_80 : memref<640x128xf32, #tpu.memory_space<vmem_shared>>) target_semaphore(%arg12 : memref<!tpu.dma_semaphore, #tpu.memory_space<semaphore_mem>>)
      } else {
      }
      %dma_wait3A_74 = arith.constant 0 : i32
      %dma_wait3A_75 = tpu.memref_slice %arg10[%mul3A_2, %dma_wait3A_74] : memref<10008x128xf32, #tpu.memory_space<vmem_shared>> -> memref<640x128xf32, #tpu.memory_space<vmem_shared>>
      %dma_wait3A_76 = arith.constant 0 : i32
      %dma_wait3A_77 = arith.constant 0 : i32
      %dma_wait3A_78 = tpu.memref_slice %arg5[%dma_wait3A_76, %dma_wait3A_77] : memref<640x128xf32, #tpu.memory_space<hbm>> -> memref<640x128xf32, #tpu.memory_space<hbm>>
      tpu.wait_dma2 semaphore(%arg12 : memref<!tpu.dma_semaphore, #tpu.memory_space<semaphore_mem>>) src(%dma_wait3A_78 : memref<640x128xf32, #tpu.memory_space<hbm>>) dst(%dma_wait3A_75 : memref<640x128xf32, #tpu.memory_space<vmem_shared>>)
    } else {
    }
    %dma_wait3A = tpu.memref_slice %arg3[%multiple_of3A] : memref<322560xi32, #tpu.memory_space<hbm>> -> memref<10080xi32, #tpu.memory_space<hbm>>
    %dma_wait3A_14 = tpu.memref_slice %arg3[%multiple_of3A] : memref<322560xi32, #tpu.memory_space<hbm>> -> memref<10080xi32, #tpu.memory_space<hbm>>
    tpu.wait_dma2 semaphore(%arg11 : memref<!tpu.dma_semaphore, #tpu.memory_space<semaphore_mem>>) src(%dma_wait3A_14 : memref<10080xi32, #tpu.memory_space<hbm>>) dst(%arg7 : memref<10080xi32, #tpu.memory_space<vmem>>)
    %dma_wait3A_15 = tpu.memref_slice %arg4[%multiple_of3A] : memref<322560xi32, #tpu.memory_space<hbm>> -> memref<10080xi32, #tpu.memory_space<hbm>>
    %dma_wait3A_16 = tpu.memref_slice %arg4[%multiple_of3A] : memref<322560xi32, #tpu.memory_space<hbm>> -> memref<10080xi32, #tpu.memory_space<hbm>>
    tpu.wait_dma2 semaphore(%arg11 : memref<!tpu.dma_semaphore, #tpu.memory_space<semaphore_mem>>) src(%dma_wait3A_16 : memref<10080xi32, #tpu.memory_space<hbm>>) dst(%arg8 : memref<10080xi32, #tpu.memory_space<vmem>>)
    %barrier3A = arith.constant 0 : index
    tpu.barrier barrier_id(%barrier3A)
    %multiple_of3A_17 = arith.constant 0 : i32
    %multiple_of3A_18 = tpu.assume_multiple %multiple_of3A_17, 8 : i32
    %dma_start3A_19 = arith.constant 0 : i32
    %dma_start3A_20 = arith.constant 0 : i32
    %dma_start3A_21 = arith.constant 0 : i32
    %dma_start3A_22 = tpu.memref_slice %arg9[%dma_start3A_19, %dma_start3A_20, %dma_start3A_21] : memref<3x80x128xf32, #tpu.memory_space<vmem>> -> memref<1x80x128xf32, #tpu.memory_space<vmem>>
    %dma_start3A_23 = tpu.memref_squeeze %dma_start3A_22 : memref<1x80x128xf32, #tpu.memory_space<vmem>> -> memref<80x128xf32, #tpu.memory_space<vmem>>
    %dma_start3A_24 = tpu.memref_slice %arg7[%multiple_of3A_18] : memref<10080xi32, #tpu.memory_space<vmem>> -> memref<80xi32, #tpu.memory_space<vmem>>
    %dma_start3A_25 = arith.constant 0 : i32
    %dma_start3A_26 = arith.constant 0 : i32
    %dma_start3A_27 = tpu.memref_slice %arg2[%dma_start3A_25, %dma_start3A_26] : memref<10000x128xf32, #tpu.memory_space<hbm>> -> memref<10000x128xf32, #tpu.memory_space<hbm>>
    tpu.enqueue_indirect_dma source(%dma_start3A_27 : memref<10000x128xf32, #tpu.memory_space<hbm>>) target(%dma_start3A_23 : memref<80x128xf32, #tpu.memory_space<vmem>>) offsets(%dma_start3A_24 : memref<80xi32, #tpu.memory_space<vmem>>) semaphore(%arg11 : memref<!tpu.dma_semaphore, #tpu.memory_space<semaphore_mem>>)
    %multiple_of3A_28 = arith.constant 80 : i32
    %multiple_of3A_29 = tpu.assume_multiple %multiple_of3A_28, 8 : i32
    %dma_start3A_30 = arith.constant 1 : i32
    %dma_start3A_31 = arith.constant 0 : i32
    %dma_start3A_32 = arith.constant 0 : i32
    %dma_start3A_33 = tpu.memref_slice %arg9[%dma_start3A_30, %dma_start3A_31, %dma_start3A_32] : memref<3x80x128xf32, #tpu.memory_space<vmem>> -> memref<1x80x128xf32, #tpu.memory_space<vmem>>
    %dma_start3A_34 = tpu.memref_squeeze %dma_start3A_33 : memref<1x80x128xf32, #tpu.memory_space<vmem>> -> memref<80x128xf32, #tpu.memory_space<vmem>>
    %dma_start3A_35 = tpu.memref_slice %arg7[%multiple_of3A_29] : memref<10080xi32, #tpu.memory_space<vmem>> -> memref<80xi32, #tpu.memory_space<vmem>>
    %dma_start3A_36 = arith.constant 0 : i32
    %dma_start3A_37 = arith.constant 0 : i32
    %dma_start3A_38 = tpu.memref_slice %arg2[%dma_start3A_36, %dma_start3A_37] : memref<10000x128xf32, #tpu.memory_space<hbm>> -> memref<10000x128xf32, #tpu.memory_space<hbm>>
    tpu.enqueue_indirect_dma source(%dma_start3A_38 : memref<10000x128xf32, #tpu.memory_space<hbm>>) target(%dma_start3A_34 : memref<80x128xf32, #tpu.memory_space<vmem>>) offsets(%dma_start3A_35 : memref<80xi32, #tpu.memory_space<vmem>>) semaphore(%arg11 : memref<!tpu.dma_semaphore, #tpu.memory_space<semaphore_mem>>)
    %multiple_of3A_39 = arith.constant 160 : i32
    %multiple_of3A_40 = tpu.assume_multiple %multiple_of3A_39, 8 : i32
    %dma_start3A_41 = arith.constant 2 : i32
    %dma_start3A_42 = arith.constant 0 : i32
    %dma_start3A_43 = arith.constant 0 : i32
    %dma_start3A_44 = tpu.memref_slice %arg9[%dma_start3A_41, %dma_start3A_42, %dma_start3A_43] : memref<3x80x128xf32, #tpu.memory_space<vmem>> -> memref<1x80x128xf32, #tpu.memory_space<vmem>>
    %dma_start3A_45 = tpu.memref_squeeze %dma_start3A_44 : memref<1x80x128xf32, #tpu.memory_space<vmem>> -> memref<80x128xf32, #tpu.memory_space<vmem>>
    %dma_start3A_46 = tpu.memref_slice %arg7[%multiple_of3A_40] : memref<10080xi32, #tpu.memory_space<vmem>> -> memref<80xi32, #tpu.memory_space<vmem>>
    %dma_start3A_47 = arith.constant 0 : i32
    %dma_start3A_48 = arith.constant 0 : i32
    %dma_start3A_49 = tpu.memref_slice %arg2[%dma_start3A_47, %dma_start3A_48] : memref<10000x128xf32, #tpu.memory_space<hbm>> -> memref<10000x128xf32, #tpu.memory_space<hbm>>
    tpu.enqueue_indirect_dma source(%dma_start3A_49 : memref<10000x128xf32, #tpu.memory_space<hbm>>) target(%dma_start3A_45 : memref<80x128xf32, #tpu.memory_space<vmem>>) offsets(%dma_start3A_46 : memref<80xi32, #tpu.memory_space<vmem>>) semaphore(%arg11 : memref<!tpu.dma_semaphore, #tpu.memory_space<semaphore_mem>>)
    %scan3A = arith.constant 0 : i32
    %scan3A_50 = arith.constant 42 : i32
    %scan3A_51 = arith.addi %scan3A, %scan3A_50 : i32
    %scan3A_52 = arith.constant 1 : i32
    scf.for %scan3A_65 = %scan3A to %scan3A_51 step %scan3A_52  : i32 {
      %mul3A_66 = arith.constant 3 : i32
      %mul3A_67 = arith.muli %scan3A_65, %mul3A_66 : i32
      %add3A_68 = arith.constant 0 : i32
      %add3A_69 = arith.addi %add3A_68, %mul3A_67 : i32
      %add3A_70 = arith.constant 0 : i32
      %add3A_71 = arith.addi %add3A_69, %add3A_70 : i32
      %mul3A_72 = arith.constant 80 : i32
      %mul3A_73 = arith.muli %add3A_71, %mul3A_72 : i32
      %multiple_of3A_74 = tpu.assume_multiple %mul3A_73, 8 : i32
      %dma_wait3A_75 = arith.constant 0 : i32
      %dma_wait3A_76 = arith.constant 0 : i32
      %dma_wait3A_77 = arith.constant 0 : i32
      %dma_wait3A_78 = tpu.memref_slice %arg9[%dma_wait3A_75, %dma_wait3A_76, %dma_wait3A_77] : memref<3x80x128xf32, #tpu.memory_space<vmem>> -> memref<1x80x128xf32, #tpu.memory_space<vmem>>
      %dma_wait3A_79 = tpu.memref_squeeze %dma_wait3A_78 : memref<1x80x128xf32, #tpu.memory_space<vmem>> -> memref<80x128xf32, #tpu.memory_space<vmem>>
      %dma_wait3A_80 = tpu.memref_slice %arg7[%multiple_of3A_74] : memref<10080xi32, #tpu.memory_space<vmem>> -> memref<80xi32, #tpu.memory_space<vmem>>
      %dma_wait3A_81 = arith.constant 0 : i32
      %dma_wait3A_82 = arith.constant 0 : i32
      %dma_wait3A_83 = tpu.memref_slice %arg2[%dma_wait3A_81, %dma_wait3A_82] : memref<10000x128xf32, #tpu.memory_space<hbm>> -> memref<10000x128xf32, #tpu.memory_space<hbm>>
      tpu.wait_indirect_dma semaphore(%arg11 : memref<!tpu.dma_semaphore, #tpu.memory_space<semaphore_mem>>) src(%dma_wait3A_83 : memref<10000x128xf32, #tpu.memory_space<hbm>>) dst(%dma_wait3A_79 : memref<80x128xf32, #tpu.memory_space<vmem>>)
      %add3A_84 = arith.constant 0 : i32
      %add3A_85 = arith.addi %add3A_69, %add3A_84 : i32
      %mul3A_86 = arith.constant 80 : i32
      %mul3A_87 = arith.muli %add3A_85, %mul3A_86 : i32
      %multiple_of3A_88 = tpu.assume_multiple %mul3A_87, 8 : i32
      %dma_start3A_89 = arith.constant 0 : i32
      %dma_start3A_90 = arith.constant 0 : i32
      %dma_start3A_91 = arith.constant 0 : i32
      %dma_start3A_92 = tpu.memref_slice %arg9[%dma_start3A_89, %dma_start3A_90, %dma_start3A_91] : memref<3x80x128xf32, #tpu.memory_space<vmem>> -> memref<1x80x128xf32, #tpu.memory_space<vmem>>
      %dma_start3A_93 = tpu.memref_squeeze %dma_start3A_92 : memref<1x80x128xf32, #tpu.memory_space<vmem>> -> memref<80x128xf32, #tpu.memory_space<vmem>>
      %dma_start3A_94 = tpu.memref_slice %arg8[%multiple_of3A_88] : memref<10080xi32, #tpu.memory_space<vmem>> -> memref<80xi32, #tpu.memory_space<vmem>>
      %dma_start3A_95 = arith.constant 0 : i32
      %dma_start3A_96 = arith.constant 0 : i32
      %dma_start3A_97 = tpu.memref_slice %arg10[%dma_start3A_95, %dma_start3A_96] : memref<10008x128xf32, #tpu.memory_space<vmem_shared>> -> memref<10008x128xf32, #tpu.memory_space<vmem_shared>>
      tpu.enqueue_indirect_dma source(%dma_start3A_93 : memref<80x128xf32, #tpu.memory_space<vmem>>) target(%dma_start3A_97 : memref<10008x128xf32, #tpu.memory_space<vmem_shared>>) offsets(%dma_start3A_94 : memref<80xi32, #tpu.memory_space<vmem>>) semaphore(%arg12 : memref<!tpu.dma_semaphore, #tpu.memory_space<semaphore_mem>>) {add = true}
      %add3A_98 = arith.constant 1 : i32
      %add3A_99 = arith.addi %add3A_69, %add3A_98 : i32
      %mul3A_100 = arith.constant 80 : i32
      %mul3A_101 = arith.muli %add3A_99, %mul3A_100 : i32
      %multiple_of3A_102 = tpu.assume_multiple %mul3A_101, 8 : i32
      %dma_wait3A_103 = arith.constant 1 : i32
      %dma_wait3A_104 = arith.constant 0 : i32
      %dma_wait3A_105 = arith.constant 0 : i32
      %dma_wait3A_106 = tpu.memref_slice %arg9[%dma_wait3A_103, %dma_wait3A_104, %dma_wait3A_105] : memref<3x80x128xf32, #tpu.memory_space<vmem>> -> memref<1x80x128xf32, #tpu.memory_space<vmem>>
      %dma_wait3A_107 = tpu.memref_squeeze %dma_wait3A_106 : memref<1x80x128xf32, #tpu.memory_space<vmem>> -> memref<80x128xf32, #tpu.memory_space<vmem>>
      %dma_wait3A_108 = tpu.memref_slice %arg7[%multiple_of3A_102] : memref<10080xi32, #tpu.memory_space<vmem>> -> memref<80xi32, #tpu.memory_space<vmem>>
      %dma_wait3A_109 = arith.constant 0 : i32
      %dma_wait3A_110 = arith.constant 0 : i32
      %dma_wait3A_111 = tpu.memref_slice %arg2[%dma_wait3A_109, %dma_wait3A_110] : memref<10000x128xf32, #tpu.memory_space<hbm>> -> memref<10000x128xf32, #tpu.memory_space<hbm>>
      tpu.wait_indirect_dma semaphore(%arg11 : memref<!tpu.dma_semaphore, #tpu.memory_space<semaphore_mem>>) src(%dma_wait3A_111 : memref<10000x128xf32, #tpu.memory_space<hbm>>) dst(%dma_wait3A_107 : memref<80x128xf32, #tpu.memory_space<vmem>>)
      %add3A_112 = arith.constant 1 : i32
      %add3A_113 = arith.addi %add3A_69, %add3A_112 : i32
      %mul3A_114 = arith.constant 80 : i32
      %mul3A_115 = arith.muli %add3A_113, %mul3A_114 : i32
      %multiple_of3A_116 = tpu.assume_multiple %mul3A_115, 8 : i32
      %dma_start3A_117 = arith.constant 1 : i32
      %dma_start3A_118 = arith.constant 0 : i32
      %dma_start3A_119 = arith.constant 0 : i32
      %dma_start3A_120 = tpu.memref_slice %arg9[%dma_start3A_117, %dma_start3A_118, %dma_start3A_119] : memref<3x80x128xf32, #tpu.memory_space<vmem>> -> memref<1x80x128xf32, #tpu.memory_space<vmem>>
      %dma_start3A_121 = tpu.memref_squeeze %dma_start3A_120 : memref<1x80x128xf32, #tpu.memory_space<vmem>> -> memref<80x128xf32, #tpu.memory_space<vmem>>
      %dma_start3A_122 = tpu.memref_slice %arg8[%multiple_of3A_116] : memref<10080xi32, #tpu.memory_space<vmem>> -> memref<80xi32, #tpu.memory_space<vmem>>
      %dma_start3A_123 = arith.constant 0 : i32
      %dma_start3A_124 = arith.constant 0 : i32
      %dma_start3A_125 = tpu.memref_slice %arg10[%dma_start3A_123, %dma_start3A_124] : memref<10008x128xf32, #tpu.memory_space<vmem_shared>> -> memref<10008x128xf32, #tpu.memory_space<vmem_shared>>
      tpu.enqueue_indirect_dma source(%dma_start3A_121 : memref<80x128xf32, #tpu.memory_space<vmem>>) target(%dma_start3A_125 : memref<10008x128xf32, #tpu.memory_space<vmem_shared>>) offsets(%dma_start3A_122 : memref<80xi32, #tpu.memory_space<vmem>>) semaphore(%arg12 : memref<!tpu.dma_semaphore, #tpu.memory_space<semaphore_mem>>) {add = true}
      %add3A_126 = arith.constant 2 : i32
      %add3A_127 = arith.addi %add3A_69, %add3A_126 : i32
      %mul3A_128 = arith.constant 80 : i32
      %mul3A_129 = arith.muli %add3A_127, %mul3A_128 : i32
      %multiple_of3A_130 = tpu.assume_multiple %mul3A_129, 8 : i32
      %dma_wait3A_131 = arith.constant 2 : i32
      %dma_wait3A_132 = arith.constant 0 : i32
      %dma_wait3A_133 = arith.constant 0 : i32
      %dma_wait3A_134 = tpu.memref_slice %arg9[%dma_wait3A_131, %dma_wait3A_132, %dma_wait3A_133] : memref<3x80x128xf32, #tpu.memory_space<vmem>> -> memref<1x80x128xf32, #tpu.memory_space<vmem>>
      %dma_wait3A_135 = tpu.memref_squeeze %dma_wait3A_134 : memref<1x80x128xf32, #tpu.memory_space<vmem>> -> memref<80x128xf32, #tpu.memory_space<vmem>>
      %dma_wait3A_136 = tpu.memref_slice %arg7[%multiple_of3A_130] : memref<10080xi32, #tpu.memory_space<vmem>> -> memref<80xi32, #tpu.memory_space<vmem>>
      %dma_wait3A_137 = arith.constant 0 : i32
      %dma_wait3A_138 = arith.constant 0 : i32
      %dma_wait3A_139 = tpu.memref_slice %arg2[%dma_wait3A_137, %dma_wait3A_138] : memref<10000x128xf32, #tpu.memory_space<hbm>> -> memref<10000x128xf32, #tpu.memory_space<hbm>>
      tpu.wait_indirect_dma semaphore(%arg11 : memref<!tpu.dma_semaphore, #tpu.memory_space<semaphore_mem>>) src(%dma_wait3A_139 : memref<10000x128xf32, #tpu.memory_space<hbm>>) dst(%dma_wait3A_135 : memref<80x128xf32, #tpu.memory_space<vmem>>)
      %add3A_140 = arith.constant 2 : i32
      %add3A_141 = arith.addi %add3A_69, %add3A_140 : i32
      %mul3A_142 = arith.constant 80 : i32
      %mul3A_143 = arith.muli %add3A_141, %mul3A_142 : i32
      %multiple_of3A_144 = tpu.assume_multiple %mul3A_143, 8 : i32
      %dma_start3A_145 = arith.constant 2 : i32
      %dma_start3A_146 = arith.constant 0 : i32
      %dma_start3A_147 = arith.constant 0 : i32
      %dma_start3A_148 = tpu.memref_slice %arg9[%dma_start3A_145, %dma_start3A_146, %dma_start3A_147] : memref<3x80x128xf32, #tpu.memory_space<vmem>> -> memref<1x80x128xf32, #tpu.memory_space<vmem>>
      %dma_start3A_149 = tpu.memref_squeeze %dma_start3A_148 : memref<1x80x128xf32, #tpu.memory_space<vmem>> -> memref<80x128xf32, #tpu.memory_space<vmem>>
      %dma_start3A_150 = tpu.memref_slice %arg8[%multiple_of3A_144] : memref<10080xi32, #tpu.memory_space<vmem>> -> memref<80xi32, #tpu.memory_space<vmem>>
      %dma_start3A_151 = arith.constant 0 : i32
      %dma_start3A_152 = arith.constant 0 : i32
      %dma_start3A_153 = tpu.memref_slice %arg10[%dma_start3A_151, %dma_start3A_152] : memref<10008x128xf32, #tpu.memory_space<vmem_shared>> -> memref<10008x128xf32, #tpu.memory_space<vmem_shared>>
      tpu.enqueue_indirect_dma source(%dma_start3A_149 : memref<80x128xf32, #tpu.memory_space<vmem>>) target(%dma_start3A_153 : memref<10008x128xf32, #tpu.memory_space<vmem_shared>>) offsets(%dma_start3A_150 : memref<80xi32, #tpu.memory_space<vmem>>) semaphore(%arg12 : memref<!tpu.dma_semaphore, #tpu.memory_space<semaphore_mem>>) {add = true}
      %add3A_154 = arith.constant 0 : i32
      %add3A_155 = arith.addi %add3A_69, %add3A_154 : i32
      %mul3A_156 = arith.constant 80 : i32
      %mul3A_157 = arith.muli %add3A_155, %mul3A_156 : i32
      %multiple_of3A_158 = tpu.assume_multiple %mul3A_157, 8 : i32
      %dma_wait3A_159 = arith.constant 0 : i32
      %dma_wait3A_160 = arith.constant 0 : i32
      %dma_wait3A_161 = arith.constant 0 : i32
      %dma_wait3A_162 = tpu.memref_slice %arg9[%dma_wait3A_159, %dma_wait3A_160, %dma_wait3A_161] : memref<3x80x128xf32, #tpu.memory_space<vmem>> -> memref<1x80x128xf32, #tpu.memory_space<vmem>>
      %dma_wait3A_163 = tpu.memref_squeeze %dma_wait3A_162 : memref<1x80x128xf32, #tpu.memory_space<vmem>> -> memref<80x128xf32, #tpu.memory_space<vmem>>
      %dma_wait3A_164 = tpu.memref_slice %arg8[%multiple_of3A_158] : memref<10080xi32, #tpu.memory_space<vmem>> -> memref<80xi32, #tpu.memory_space<vmem>>
      %dma_wait3A_165 = arith.constant 0 : i32
      %dma_wait3A_166 = arith.constant 0 : i32
      %dma_wait3A_167 = tpu.memref_slice %arg10[%dma_wait3A_165, %dma_wait3A_166] : memref<10008x128xf32, #tpu.memory_space<vmem_shared>> -> memref<10008x128xf32, #tpu.memory_space<vmem_shared>>
      tpu.wait_indirect_dma semaphore(%arg12 : memref<!tpu.dma_semaphore, #tpu.memory_space<semaphore_mem>>) src(%dma_wait3A_163 : memref<80x128xf32, #tpu.memory_space<vmem>>) dst(%dma_wait3A_167 : memref<10008x128xf32, #tpu.memory_space<vmem_shared>>)
      %add3A_168 = arith.constant 0 : i32
      %add3A_169 = arith.addi %add3A_69, %add3A_168 : i32
      %add3A_170 = arith.constant 3 : i32
      %add3A_171 = arith.addi %add3A_169, %add3A_170 : i32
      %lt3A_172 = arith.constant 126 : i32
      %lt3A_173 = arith.cmpi slt, %add3A_171, %lt3A_172 : i32
      %convert_element_type3A_174 = arith.extui %lt3A_173 : i1 to i32
      %cond3A_175 = arith.constant 0 : i32
      %cond3A_176 = arith.cmpi ne, %convert_element_type3A_174, %cond3A_175 : i32
      scf.if %cond3A_176 {
        %add3A_223 = arith.constant 0 : i32
        %add3A_224 = arith.addi %add3A_69, %add3A_223 : i32
        %add3A_225 = arith.constant 3 : i32
        %add3A_226 = arith.addi %add3A_224, %add3A_225 : i32
        %mul3A_227 = arith.constant 80 : i32
        %mul3A_228 = arith.muli %add3A_226, %mul3A_227 : i32
        %multiple_of3A_229 = tpu.assume_multiple %mul3A_228, 8 : i32
        %dma_start3A_230 = arith.constant 0 : i32
        %dma_start3A_231 = arith.constant 0 : i32
        %dma_start3A_232 = arith.constant 0 : i32
        %dma_start3A_233 = tpu.memref_slice %arg9[%dma_start3A_230, %dma_start3A_231, %dma_start3A_232] : memref<3x80x128xf32, #tpu.memory_space<vmem>> -> memref<1x80x128xf32, #tpu.memory_space<vmem>>
        %dma_start3A_234 = tpu.memref_squeeze %dma_start3A_233 : memref<1x80x128xf32, #tpu.memory_space<vmem>> -> memref<80x128xf32, #tpu.memory_space<vmem>>
        %dma_start3A_235 = tpu.memref_slice %arg7[%multiple_of3A_229] : memref<10080xi32, #tpu.memory_space<vmem>> -> memref<80xi32, #tpu.memory_space<vmem>>
        %dma_start3A_236 = arith.constant 0 : i32
        %dma_start3A_237 = arith.constant 0 : i32
        %dma_start3A_238 = tpu.memref_slice %arg2[%dma_start3A_236, %dma_start3A_237] : memref<10000x128xf32, #tpu.memory_space<hbm>> -> memref<10000x128xf32, #tpu.memory_space<hbm>>
        tpu.enqueue_indirect_dma source(%dma_start3A_238 : memref<10000x128xf32, #tpu.memory_space<hbm>>) target(%dma_start3A_234 : memref<80x128xf32, #tpu.memory_space<vmem>>) offsets(%dma_start3A_235 : memref<80xi32, #tpu.memory_space<vmem>>) semaphore(%arg11 : memref<!tpu.dma_semaphore, #tpu.memory_space<semaphore_mem>>)
      } else {
      }
      %add3A_177 = arith.constant 1 : i32
      %add3A_178 = arith.addi %add3A_69, %add3A_177 : i32
      %mul3A_179 = arith.constant 80 : i32
      %mul3A_180 = arith.muli %add3A_178, %mul3A_179 : i32
      %multiple_of3A_181 = tpu.assume_multiple %mul3A_180, 8 : i32
      %dma_wait3A_182 = arith.constant 1 : i32
      %dma_wait3A_183 = arith.constant 0 : i32
      %dma_wait3A_184 = arith.constant 0 : i32
      %dma_wait3A_185 = tpu.memref_slice %arg9[%dma_wait3A_182, %dma_wait3A_183, %dma_wait3A_184] : memref<3x80x128xf32, #tpu.memory_space<vmem>> -> memref<1x80x128xf32, #tpu.memory_space<vmem>>
      %dma_wait3A_186 = tpu.memref_squeeze %dma_wait3A_185 : memref<1x80x128xf32, #tpu.memory_space<vmem>> -> memref<80x128xf32, #tpu.memory_space<vmem>>
      %dma_wait3A_187 = tpu.memref_slice %arg8[%multiple_of3A_181] : memref<10080xi32, #tpu.memory_space<vmem>> -> memref<80xi32, #tpu.memory_space<vmem>>
      %dma_wait3A_188 = arith.constant 0 : i32
      %dma_wait3A_189 = arith.constant 0 : i32
      %dma_wait3A_190 = tpu.memref_slice %arg10[%dma_wait3A_188, %dma_wait3A_189] : memref<10008x128xf32, #tpu.memory_space<vmem_shared>> -> memref<10008x128xf32, #tpu.memory_space<vmem_shared>>
      tpu.wait_indirect_dma semaphore(%arg12 : memref<!tpu.dma_semaphore, #tpu.memory_space<semaphore_mem>>) src(%dma_wait3A_186 : memref<80x128xf32, #tpu.memory_space<vmem>>) dst(%dma_wait3A_190 : memref<10008x128xf32, #tpu.memory_space<vmem_shared>>)
      %add3A_191 = arith.constant 1 : i32
      %add3A_192 = arith.addi %add3A_69, %add3A_191 : i32
      %add3A_193 = arith.constant 3 : i32
      %add3A_194 = arith.addi %add3A_192, %add3A_193 : i32
      %lt3A_195 = arith.constant 126 : i32
      %lt3A_196 = arith.cmpi slt, %add3A_194, %lt3A_195 : i32
      %convert_element_type3A_197 = arith.extui %lt3A_196 : i1 to i32
      %cond3A_198 = arith.constant 0 : i32
      %cond3A_199 = arith.cmpi ne, %convert_element_type3A_197, %cond3A_198 : i32
      scf.if %cond3A_199 {
        %add3A_223 = arith.constant 1 : i32
        %add3A_224 = arith.addi %add3A_69, %add3A_223 : i32
        %add3A_225 = arith.constant 3 : i32
        %add3A_226 = arith.addi %add3A_224, %add3A_225 : i32
        %mul3A_227 = arith.constant 80 : i32
        %mul3A_228 = arith.muli %add3A_226, %mul3A_227 : i32
        %multiple_of3A_229 = tpu.assume_multiple %mul3A_228, 8 : i32
        %dma_start3A_230 = arith.constant 1 : i32
        %dma_start3A_231 = arith.constant 0 : i32
        %dma_start3A_232 = arith.constant 0 : i32
        %dma_start3A_233 = tpu.memref_slice %arg9[%dma_start3A_230, %dma_start3A_231, %dma_start3A_232] : memref<3x80x128xf32, #tpu.memory_space<vmem>> -> memref<1x80x128xf32, #tpu.memory_space<vmem>>
        %dma_start3A_234 = tpu.memref_squeeze %dma_start3A_233 : memref<1x80x128xf32, #tpu.memory_space<vmem>> -> memref<80x128xf32, #tpu.memory_space<vmem>>
        %dma_start3A_235 = tpu.memref_slice %arg7[%multiple_of3A_229] : memref<10080xi32, #tpu.memory_space<vmem>> -> memref<80xi32, #tpu.memory_space<vmem>>
        %dma_start3A_236 = arith.constant 0 : i32
        %dma_start3A_237 = arith.constant 0 : i32
        %dma_start3A_238 = tpu.memref_slice %arg2[%dma_start3A_236, %dma_start3A_237] : memref<10000x128xf32, #tpu.memory_space<hbm>> -> memref<10000x128xf32, #tpu.memory_space<hbm>>
        tpu.enqueue_indirect_dma source(%dma_start3A_238 : memref<10000x128xf32, #tpu.memory_space<hbm>>) target(%dma_start3A_234 : memref<80x128xf32, #tpu.memory_space<vmem>>) offsets(%dma_start3A_235 : memref<80xi32, #tpu.memory_space<vmem>>) semaphore(%arg11 : memref<!tpu.dma_semaphore, #tpu.memory_space<semaphore_mem>>)
      } else {
      }
      %add3A_200 = arith.constant 2 : i32
      %add3A_201 = arith.addi %add3A_69, %add3A_200 : i32
      %mul3A_202 = arith.constant 80 : i32
      %mul3A_203 = arith.muli %add3A_201, %mul3A_202 : i32
      %multiple_of3A_204 = tpu.assume_multiple %mul3A_203, 8 : i32
      %dma_wait3A_205 = arith.constant 2 : i32
      %dma_wait3A_206 = arith.constant 0 : i32
      %dma_wait3A_207 = arith.constant 0 : i32
      %dma_wait3A_208 = tpu.memref_slice %arg9[%dma_wait3A_205, %dma_wait3A_206, %dma_wait3A_207] : memref<3x80x128xf32, #tpu.memory_space<vmem>> -> memref<1x80x128xf32, #tpu.memory_space<vmem>>
      %dma_wait3A_209 = tpu.memref_squeeze %dma_wait3A_208 : memref<1x80x128xf32, #tpu.memory_space<vmem>> -> memref<80x128xf32, #tpu.memory_space<vmem>>
      %dma_wait3A_210 = tpu.memref_slice %arg8[%multiple_of3A_204] : memref<10080xi32, #tpu.memory_space<vmem>> -> memref<80xi32, #tpu.memory_space<vmem>>
      %dma_wait3A_211 = arith.constant 0 : i32
      %dma_wait3A_212 = arith.constant 0 : i32
      %dma_wait3A_213 = tpu.memref_slice %arg10[%dma_wait3A_211, %dma_wait3A_212] : memref<10008x128xf32, #tpu.memory_space<vmem_shared>> -> memref<10008x128xf32, #tpu.memory_space<vmem_shared>>
      tpu.wait_indirect_dma semaphore(%arg12 : memref<!tpu.dma_semaphore, #tpu.memory_space<semaphore_mem>>) src(%dma_wait3A_209 : memref<80x128xf32, #tpu.memory_space<vmem>>) dst(%dma_wait3A_213 : memref<10008x128xf32, #tpu.memory_space<vmem_shared>>)
      %add3A_214 = arith.constant 2 : i32
      %add3A_215 = arith.addi %add3A_69, %add3A_214 : i32
      %add3A_216 = arith.constant 3 : i32
      %add3A_217 = arith.addi %add3A_215, %add3A_216 : i32
      %lt3A_218 = arith.constant 126 : i32
      %lt3A_219 = arith.cmpi slt, %add3A_217, %lt3A_218 : i32
      %convert_element_type3A_220 = arith.extui %lt3A_219 : i1 to i32
      %cond3A_221 = arith.constant 0 : i32
      %cond3A_222 = arith.cmpi ne, %convert_element_type3A_220, %cond3A_221 : i32
      scf.if %cond3A_222 {
        %add3A_223 = arith.constant 2 : i32
        %add3A_224 = arith.addi %add3A_69, %add3A_223 : i32
        %add3A_225 = arith.constant 3 : i32
        %add3A_226 = arith.addi %add3A_224, %add3A_225 : i32
        %mul3A_227 = arith.constant 80 : i32
        %mul3A_228 = arith.muli %add3A_226, %mul3A_227 : i32
        %multiple_of3A_229 = tpu.assume_multiple %mul3A_228, 8 : i32
        %dma_start3A_230 = arith.constant 2 : i32
        %dma_start3A_231 = arith.constant 0 : i32
        %dma_start3A_232 = arith.constant 0 : i32
        %dma_start3A_233 = tpu.memref_slice %arg9[%dma_start3A_230, %dma_start3A_231, %dma_start3A_232] : memref<3x80x128xf32, #tpu.memory_space<vmem>> -> memref<1x80x128xf32, #tpu.memory_space<vmem>>
        %dma_start3A_234 = tpu.memref_squeeze %dma_start3A_233 : memref<1x80x128xf32, #tpu.memory_space<vmem>> -> memref<80x128xf32, #tpu.memory_space<vmem>>
        %dma_start3A_235 = tpu.memref_slice %arg7[%multiple_of3A_229] : memref<10080xi32, #tpu.memory_space<vmem>> -> memref<80xi32, #tpu.memory_space<vmem>>
        %dma_start3A_236 = arith.constant 0 : i32
        %dma_start3A_237 = arith.constant 0 : i32
        %dma_start3A_238 = tpu.memref_slice %arg2[%dma_start3A_236, %dma_start3A_237] : memref<10000x128xf32, #tpu.memory_space<hbm>> -> memref<10000x128xf32, #tpu.memory_space<hbm>>
        tpu.enqueue_indirect_dma source(%dma_start3A_238 : memref<10000x128xf32, #tpu.memory_space<hbm>>) target(%dma_start3A_234 : memref<80x128xf32, #tpu.memory_space<vmem>>) offsets(%dma_start3A_235 : memref<80xi32, #tpu.memory_space<vmem>>) semaphore(%arg11 : memref<!tpu.dma_semaphore, #tpu.memory_space<semaphore_mem>>)
      } else {
      }
    }
    %scan3A_53 = arith.constant 42 : i32
    %barrier3A_54 = arith.constant 0 : index
    tpu.barrier barrier_id(%barrier3A_54)
    %lt3A_55 = arith.constant 15 : i32
    %lt3A_56 = arith.cmpi slt, %arg1, %lt3A_55 : i32
    %convert_element_type3A_57 = arith.extui %lt3A_56 : i1 to i32
    %cond3A_58 = arith.constant 0 : i32
    %cond3A_59 = arith.cmpi ne, %convert_element_type3A_57, %cond3A_58 : i32
    scf.if %cond3A_59 {
      "tpu.region"() ({
        %run_scoped3A = tpu.sem_alloc : memref<!tpu.dma_semaphore, #tpu.memory_space<semaphore_mem>>
        %dma_start3A_65 = arith.constant 0 : i32
        %dma_start3A_66 = tpu.memref_slice %arg6[%arg0, %mul3A_2, %dma_start3A_65] : memref<2x10000x128xf32, #tpu.memory_space<hbm>> -> memref<1x624x128xf32, #tpu.memory_space<hbm>>
        %dma_start3A_67 = tpu.memref_squeeze %dma_start3A_66 : memref<1x624x128xf32, #tpu.memory_space<hbm>> -> memref<624x128xf32, #tpu.memory_space<hbm>>
        %dma_start3A_68 = arith.constant 0 : i32
        %dma_start3A_69 = tpu.memref_slice %arg10[%mul3A_2, %dma_start3A_68] : memref<10008x128xf32, #tpu.memory_space<vmem_shared>> -> memref<624x128xf32, #tpu.memory_space<vmem_shared>>
        tpu.enqueue_dma source(%dma_start3A_69 : memref<624x128xf32, #tpu.memory_space<vmem_shared>>) target(%dma_start3A_67 : memref<624x128xf32, #tpu.memory_space<hbm>>) target_semaphore(%run_scoped3A : memref<!tpu.dma_semaphore, #tpu.memory_space<semaphore_mem>>)
        %dma_wait3A_70 = arith.constant 0 : i32
        %dma_wait3A_71 = tpu.memref_slice %arg6[%arg0, %mul3A_2, %dma_wait3A_70] : memref<2x10000x128xf32, #tpu.memory_space<hbm>> -> memref<1x624x128xf32, #tpu.memory_space<hbm>>
        %dma_wait3A_72 = tpu.memref_squeeze %dma_wait3A_71 : memref<1x624x128xf32, #tpu.memory_space<hbm>> -> memref<624x128xf32, #tpu.memory_space<hbm>>
        %dma_wait3A_73 = arith.constant 0 : i32
        %dma_wait3A_74 = tpu.memref_slice %arg10[%mul3A_2, %dma_wait3A_73] : memref<10008x128xf32, #tpu.memory_space<vmem_shared>> -> memref<624x128xf32, #tpu.memory_space<vmem_shared>>
        tpu.wait_dma2 semaphore(%run_scoped3A : memref<!tpu.dma_semaphore, #tpu.memory_space<semaphore_mem>>) src(%dma_wait3A_74 : memref<624x128xf32, #tpu.memory_space<vmem_shared>>) dst(%dma_wait3A_72 : memref<624x128xf32, #tpu.memory_space<hbm>>)
        tpu.yield
      }) : () -> ()
    } else {
    }
    %eq3A_60 = arith.constant 15 : i32
    %eq3A_61 = arith.cmpi eq, %arg1, %eq3A_60 : i32
    %convert_element_type3A_62 = arith.extui %eq3A_61 : i1 to i32
    %cond3A_63 = arith.constant 0 : i32
    %cond3A_64 = arith.cmpi ne, %convert_element_type3A_62, %cond3A_63 : i32
    scf.if %cond3A_64 {
      "tpu.region"() ({
        %run_scoped3A = tpu.sem_alloc : memref<!tpu.dma_semaphore, #tpu.memory_space<semaphore_mem>>
        %dma_start3A_65 = arith.constant 0 : i32
        %dma_start3A_66 = tpu.memref_slice %arg6[%arg0, %mul3A_2, %dma_start3A_65] : memref<2x10000x128xf32, #tpu.memory_space<hbm>> -> memref<1x640x128xf32, #tpu.memory_space<hbm>>
        %dma_start3A_67 = tpu.memref_squeeze %dma_start3A_66 : memref<1x640x128xf32, #tpu.memory_space<hbm>> -> memref<640x128xf32, #tpu.memory_space<hbm>>
        %dma_start3A_68 = arith.constant 0 : i32
        %dma_start3A_69 = tpu.memref_slice %arg10[%mul3A_2, %dma_start3A_68] : memref<10008x128xf32, #tpu.memory_space<vmem_shared>> -> memref<640x128xf32, #tpu.memory_space<vmem_shared>>
        tpu.enqueue_dma source(%dma_start3A_69 : memref<640x128xf32, #tpu.memory_space<vmem_shared>>) target(%dma_start3A_67 : memref<640x128xf32, #tpu.memory_space<hbm>>) target_semaphore(%run_scoped3A : memref<!tpu.dma_semaphore, #tpu.memory_space<semaphore_mem>>)
        %dma_wait3A_70 = arith.constant 0 : i32
        %dma_wait3A_71 = tpu.memref_slice %arg6[%arg0, %mul3A_2, %dma_wait3A_70] : memref<2x10000x128xf32, #tpu.memory_space<hbm>> -> memref<1x640x128xf32, #tpu.memory_space<hbm>>
        %dma_wait3A_72 = tpu.memref_squeeze %dma_wait3A_71 : memref<1x640x128xf32, #tpu.memory_space<hbm>> -> memref<640x128xf32, #tpu.memory_space<hbm>>
        %dma_wait3A_73 = arith.constant 0 : i32
        %dma_wait3A_74 = tpu.memref_slice %arg10[%mul3A_2, %dma_wait3A_73] : memref<10008x128xf32, #tpu.memory_space<vmem_shared>> -> memref<640x128xf32, #tpu.memory_space<vmem_shared>>
        tpu.wait_dma2 semaphore(%run_scoped3A : memref<!tpu.dma_semaphore, #tpu.memory_space<semaphore_mem>>) src(%dma_wait3A_74 : memref<640x128xf32, #tpu.memory_space<vmem_shared>>) dst(%dma_wait3A_72 : memref<640x128xf32, #tpu.memory_space<hbm>>)
        tpu.yield
      }) : () -> ()
    } else {
    }
    return
  }
}

#map = affine_map<(d0, d1) -> (0, 0)>
#map1 = affine_map<(d0, d1) -> (0)>
#map2 = affine_map<(d0, d1) -> (0, 0, 0)>
module attributes {stable_mosaic.version = 14 : i64} {
  func.func @k(%arg0: i32, %arg1: i32, %arg2: memref<10000x128xf32, #tpu.memory_space<hbm>>, %arg3: memref<322560xi32, #tpu.memory_space<hbm>>, %arg4: memref<322560xi32, #tpu.memory_space<hbm>>, %arg5: memref<640x128xf32, #tpu.memory_space<hbm>>, %arg6: memref<2x10000x128xf32, #tpu.memory_space<hbm>>, %arg7: memref<10080xi32, #tpu.memory_space<vmem>>, %arg8: memref<10080xi32, #tpu.memory_space<vmem>>, %arg9: memref<3x80x128xf32, #tpu.memory_space<vmem>>, %arg10: memref<10008x128xf32, #tpu.memory_space<vmem_shared>>, %arg11: memref<!tpu.dma_semaphore, #tpu.memory_space<semaphore_mem>>, %arg12: memref<!tpu.dma_semaphore, #tpu.memory_space<semaphore_mem>>) attributes {dimension_semantics = [#tpu.dimension_semantics<core_parallel>, #tpu.dimension_semantics<subcore_parallel>], iteration_bounds = array<i64: 2, 16>, scalar_prefetch = 0 : i64, scratch_operands = 6 : i64, tpu.core_type = #tpu.core_type<sc_vector_subcore>, window_params = [{transform_indices = #map}, {transform_indices = #map1}, {transform_indices = #map1}, {transform_indices = #map}, {transform_indices = #map2}]} {
    %mul3A = arith.constant 16 : i32
    %mul3A_0 = arith.muli %arg0, %mul3A : i32
    %add3A = arith.addi %mul3A_0, %arg1 : i32
    %mul3A_1 = arith.constant 624 : i32
    %mul3A_2 = arith.muli %arg1, %mul3A_1 : i32
    %mul3A_3 = arith.constant 10080 : i32
    %mul3A_4 = arith.muli %add3A, %mul3A_3 : i32
    %multiple_of3A = tpu.assume_multiple %mul3A_4, 8 : i32
    %dma_start3A = tpu.memref_slice %arg3[%multiple_of3A] : memref<322560xi32, #tpu.memory_space<hbm>> -> memref<10080xi32, #tpu.memory_space<hbm>>
    %dma_start3A_5 = tpu.memref_slice %arg3[%multiple_of3A] : memref<322560xi32, #tpu.memory_space<hbm>> -> memref<10080xi32, #tpu.memory_space<hbm>>
    tpu.enqueue_dma source(%dma_start3A_5 : memref<10080xi32, #tpu.memory_space<hbm>>) target(%arg7 : memref<10080xi32, #tpu.memory_space<vmem>>) target_semaphore(%arg11 : memref<!tpu.dma_semaphore, #tpu.memory_space<semaphore_mem>>)
    %dma_start3A_6 = tpu.memref_slice %arg4[%multiple_of3A] : memref<322560xi32, #tpu.memory_space<hbm>> -> memref<10080xi32, #tpu.memory_space<hbm>>
    %dma_start3A_7 = tpu.memref_slice %arg4[%multiple_of3A] : memref<322560xi32, #tpu.memory_space<hbm>> -> memref<10080xi32, #tpu.memory_space<hbm>>
    tpu.enqueue_dma source(%dma_start3A_7 : memref<10080xi32, #tpu.memory_space<hbm>>) target(%arg8 : memref<10080xi32, #tpu.memory_space<vmem>>) target_semaphore(%arg11 : memref<!tpu.dma_semaphore, #tpu.memory_space<semaphore_mem>>)
    %lt3A = arith.constant 15 : i32
    %lt3A_8 = arith.cmpi slt, %arg1, %lt3A : i32
    %convert_element_type3A = arith.extui %lt3A_8 : i1 to i32
    %cond3A = arith.constant 0 : i32
    %cond3A_9 = arith.cmpi ne, %convert_element_type3A, %cond3A : i32
    scf.if %cond3A_9 {
      %eq3A_65 = arith.constant 0 : i32
      %eq3A_66 = arith.cmpi eq, %arg0, %eq3A_65 : i32
      %convert_element_type3A_67 = arith.extui %eq3A_66 : i1 to i32
      %cond3A_68 = arith.constant 0 : i32
      %cond3A_69 = arith.cmpi ne, %convert_element_type3A_67, %cond3A_68 : i32
      scf.if %cond3A_69 {
        %dma_start3A_79 = arith.constant 0 : i32
        %dma_start3A_80 = tpu.memref_slice %arg10[%mul3A_2, %dma_start3A_79] : memref<10008x128xf32, #tpu.memory_space<vmem_shared>> -> memref<624x128xf32, #tpu.memory_space<vmem_shared>>
        %dma_start3A_81 = arith.constant 0 : i32
        %dma_start3A_82 = tpu.memref_slice %arg2[%mul3A_2, %dma_start3A_81] : memref<10000x128xf32, #tpu.memory_space<hbm>> -> memref<624x128xf32, #tpu.memory_space<hbm>>
        tpu.enqueue_dma source(%dma_start3A_82 : memref<624x128xf32, #tpu.memory_space<hbm>>) target(%dma_start3A_80 : memref<624x128xf32, #tpu.memory_space<vmem_shared>>) target_semaphore(%arg12 : memref<!tpu.dma_semaphore, #tpu.memory_space<semaphore_mem>>)
      } else {
      }
      %ne3A = arith.constant 0 : i32
      %ne3A_70 = arith.cmpi ne, %arg0, %ne3A : i32
      %convert_element_type3A_71 = arith.extui %ne3A_70 : i1 to i32
      %cond3A_72 = arith.constant 0 : i32
      %cond3A_73 = arith.cmpi ne, %convert_element_type3A_71, %cond3A_72 : i32
      scf.if %cond3A_73 {
        %dma_start3A_79 = arith.constant 0 : i32
        %dma_start3A_80 = tpu.memref_slice %arg10[%mul3A_2, %dma_start3A_79] : memref<10008x128xf32, #tpu.memory_space<vmem_shared>> -> memref<624x128xf32, #tpu.memory_space<vmem_shared>>
        %dma_start3A_81 = arith.constant 0 : i32
        %dma_start3A_82 = arith.constant 0 : i32
        %dma_start3A_83 = tpu.memref_slice %arg5[%dma_start3A_81, %dma_start3A_82] : memref<640x128xf32, #tpu.memory_space<hbm>> -> memref<624x128xf32, #tpu.memory_space<hbm>>
        tpu.enqueue_dma source(%dma_start3A_83 : memref<624x128xf32, #tpu.memory_space<hbm>>) target(%dma_start3A_80 : memref<624x128xf32, #tpu.memory_space<vmem_shared>>) target_semaphore(%arg12 : memref<!tpu.dma_semaphore, #tpu.memory_space<semaphore_mem>>)
      } else {
      }
      %dma_wait3A_74 = arith.constant 0 : i32
      %dma_wait3A_75 = tpu.memref_slice %arg10[%mul3A_2, %dma_wait3A_74] : memref<10008x128xf32, #tpu.memory_space<vmem_shared>> -> memref<624x128xf32, #tpu.memory_space<vmem_shared>>
      %dma_wait3A_76 = arith.constant 0 : i32
      %dma_wait3A_77 = arith.constant 0 : i32
      %dma_wait3A_78 = tpu.memref_slice %arg5[%dma_wait3A_76, %dma_wait3A_77] : memref<640x128xf32, #tpu.memory_space<hbm>> -> memref<624x128xf32, #tpu.memory_space<hbm>>
      tpu.wait_dma2 semaphore(%arg12 : memref<!tpu.dma_semaphore, #tpu.memory_space<semaphore_mem>>) src(%dma_wait3A_78 : memref<624x128xf32, #tpu.memory_space<hbm>>) dst(%dma_wait3A_75 : memref<624x128xf32, #tpu.memory_space<vmem_shared>>)
    } else {
    }
    %eq3A = arith.constant 15 : i32
    %eq3A_10 = arith.cmpi eq, %arg1, %eq3A : i32
    %convert_element_type3A_11 = arith.extui %eq3A_10 : i1 to i32
    %cond3A_12 = arith.constant 0 : i32
    %cond3A_13 = arith.cmpi ne, %convert_element_type3A_11, %cond3A_12 : i32
    scf.if %cond3A_13 {
      %eq3A_65 = arith.constant 0 : i32
      %eq3A_66 = arith.cmpi eq, %arg0, %eq3A_65 : i32
      %convert_element_type3A_67 = arith.extui %eq3A_66 : i1 to i32
      %cond3A_68 = arith.constant 0 : i32
      %cond3A_69 = arith.cmpi ne, %convert_element_type3A_67, %cond3A_68 : i32
      scf.if %cond3A_69 {
        %dma_start3A_79 = arith.constant 0 : i32
        %dma_start3A_80 = tpu.memref_slice %arg10[%mul3A_2, %dma_start3A_79] : memref<10008x128xf32, #tpu.memory_space<vmem_shared>> -> memref<640x128xf32, #tpu.memory_space<vmem_shared>>
        %dma_start3A_81 = arith.constant 0 : i32
        %dma_start3A_82 = tpu.memref_slice %arg2[%mul3A_2, %dma_start3A_81] : memref<10000x128xf32, #tpu.memory_space<hbm>> -> memref<640x128xf32, #tpu.memory_space<hbm>>
        tpu.enqueue_dma source(%dma_start3A_82 : memref<640x128xf32, #tpu.memory_space<hbm>>) target(%dma_start3A_80 : memref<640x128xf32, #tpu.memory_space<vmem_shared>>) target_semaphore(%arg12 : memref<!tpu.dma_semaphore, #tpu.memory_space<semaphore_mem>>)
      } else {
      }
      %ne3A = arith.constant 0 : i32
      %ne3A_70 = arith.cmpi ne, %arg0, %ne3A : i32
      %convert_element_type3A_71 = arith.extui %ne3A_70 : i1 to i32
      %cond3A_72 = arith.constant 0 : i32
      %cond3A_73 = arith.cmpi ne, %convert_element_type3A_71, %cond3A_72 : i32
      scf.if %cond3A_73 {
        %dma_start3A_79 = arith.constant 0 : i32
        %dma_start3A_80 = tpu.memref_slice %arg10[%mul3A_2, %dma_start3A_79] : memref<10008x128xf32, #tpu.memory_space<vmem_shared>> -> memref<640x128xf32, #tpu.memory_space<vmem_shared>>
        %dma_start3A_81 = arith.constant 0 : i32
        %dma_start3A_82 = arith.constant 0 : i32
        %dma_start3A_83 = tpu.memref_slice %arg5[%dma_start3A_81, %dma_start3A_82] : memref<640x128xf32, #tpu.memory_space<hbm>> -> memref<640x128xf32, #tpu.memory_space<hbm>>
        tpu.enqueue_dma source(%dma_start3A_83 : memref<640x128xf32, #tpu.memory_space<hbm>>) target(%dma_start3A_80 : memref<640x128xf32, #tpu.memory_space<vmem_shared>>) target_semaphore(%arg12 : memref<!tpu.dma_semaphore, #tpu.memory_space<semaphore_mem>>)
      } else {
      }
      %dma_wait3A_74 = arith.constant 0 : i32
      %dma_wait3A_75 = tpu.memref_slice %arg10[%mul3A_2, %dma_wait3A_74] : memref<10008x128xf32, #tpu.memory_space<vmem_shared>> -> memref<640x128xf32, #tpu.memory_space<vmem_shared>>
      %dma_wait3A_76 = arith.constant 0 : i32
      %dma_wait3A_77 = arith.constant 0 : i32
      %dma_wait3A_78 = tpu.memref_slice %arg5[%dma_wait3A_76, %dma_wait3A_77] : memref<640x128xf32, #tpu.memory_space<hbm>> -> memref<640x128xf32, #tpu.memory_space<hbm>>
      tpu.wait_dma2 semaphore(%arg12 : memref<!tpu.dma_semaphore, #tpu.memory_space<semaphore_mem>>) src(%dma_wait3A_78 : memref<640x128xf32, #tpu.memory_space<hbm>>) dst(%dma_wait3A_75 : memref<640x128xf32, #tpu.memory_space<vmem_shared>>)
    } else {
    }
    %dma_wait3A = tpu.memref_slice %arg3[%multiple_of3A] : memref<322560xi32, #tpu.memory_space<hbm>> -> memref<10080xi32, #tpu.memory_space<hbm>>
    %dma_wait3A_14 = tpu.memref_slice %arg3[%multiple_of3A] : memref<322560xi32, #tpu.memory_space<hbm>> -> memref<10080xi32, #tpu.memory_space<hbm>>
    tpu.wait_dma2 semaphore(%arg11 : memref<!tpu.dma_semaphore, #tpu.memory_space<semaphore_mem>>) src(%dma_wait3A_14 : memref<10080xi32, #tpu.memory_space<hbm>>) dst(%arg7 : memref<10080xi32, #tpu.memory_space<vmem>>)
    %dma_wait3A_15 = tpu.memref_slice %arg4[%multiple_of3A] : memref<322560xi32, #tpu.memory_space<hbm>> -> memref<10080xi32, #tpu.memory_space<hbm>>
    %dma_wait3A_16 = tpu.memref_slice %arg4[%multiple_of3A] : memref<322560xi32, #tpu.memory_space<hbm>> -> memref<10080xi32, #tpu.memory_space<hbm>>
    tpu.wait_dma2 semaphore(%arg11 : memref<!tpu.dma_semaphore, #tpu.memory_space<semaphore_mem>>) src(%dma_wait3A_16 : memref<10080xi32, #tpu.memory_space<hbm>>) dst(%arg8 : memref<10080xi32, #tpu.memory_space<vmem>>)
    %barrier3A = arith.constant 0 : index
    tpu.barrier barrier_id(%barrier3A)
    %multiple_of3A_17 = arith.constant 0 : i32
    %multiple_of3A_18 = tpu.assume_multiple %multiple_of3A_17, 8 : i32
    %dma_start3A_19 = arith.constant 0 : i32
    %dma_start3A_20 = arith.constant 0 : i32
    %dma_start3A_21 = arith.constant 0 : i32
    %dma_start3A_22 = tpu.memref_slice %arg9[%dma_start3A_19, %dma_start3A_20, %dma_start3A_21] : memref<3x80x128xf32, #tpu.memory_space<vmem>> -> memref<1x80x128xf32, #tpu.memory_space<vmem>>
    %dma_start3A_23 = tpu.memref_squeeze %dma_start3A_22 : memref<1x80x128xf32, #tpu.memory_space<vmem>> -> memref<80x128xf32, #tpu.memory_space<vmem>>
    %dma_start3A_24 = tpu.memref_slice %arg7[%multiple_of3A_18] : memref<10080xi32, #tpu.memory_space<vmem>> -> memref<80xi32, #tpu.memory_space<vmem>>
    %dma_start3A_25 = arith.constant 0 : i32
    %dma_start3A_26 = arith.constant 0 : i32
    %dma_start3A_27 = tpu.memref_slice %arg2[%dma_start3A_25, %dma_start3A_26] : memref<10000x128xf32, #tpu.memory_space<hbm>> -> memref<10000x128xf32, #tpu.memory_space<hbm>>
    tpu.enqueue_indirect_dma source(%dma_start3A_27 : memref<10000x128xf32, #tpu.memory_space<hbm>>) target(%dma_start3A_23 : memref<80x128xf32, #tpu.memory_space<vmem>>) offsets(%dma_start3A_24 : memref<80xi32, #tpu.memory_space<vmem>>) semaphore(%arg11 : memref<!tpu.dma_semaphore, #tpu.memory_space<semaphore_mem>>)
    %multiple_of3A_28 = arith.constant 80 : i32
    %multiple_of3A_29 = tpu.assume_multiple %multiple_of3A_28, 8 : i32
    %dma_start3A_30 = arith.constant 1 : i32
    %dma_start3A_31 = arith.constant 0 : i32
    %dma_start3A_32 = arith.constant 0 : i32
    %dma_start3A_33 = tpu.memref_slice %arg9[%dma_start3A_30, %dma_start3A_31, %dma_start3A_32] : memref<3x80x128xf32, #tpu.memory_space<vmem>> -> memref<1x80x128xf32, #tpu.memory_space<vmem>>
    %dma_start3A_34 = tpu.memref_squeeze %dma_start3A_33 : memref<1x80x128xf32, #tpu.memory_space<vmem>> -> memref<80x128xf32, #tpu.memory_space<vmem>>
    %dma_start3A_35 = tpu.memref_slice %arg7[%multiple_of3A_29] : memref<10080xi32, #tpu.memory_space<vmem>> -> memref<80xi32, #tpu.memory_space<vmem>>
    %dma_start3A_36 = arith.constant 0 : i32
    %dma_start3A_37 = arith.constant 0 : i32
    %dma_start3A_38 = tpu.memref_slice %arg2[%dma_start3A_36, %dma_start3A_37] : memref<10000x128xf32, #tpu.memory_space<hbm>> -> memref<10000x128xf32, #tpu.memory_space<hbm>>
    tpu.enqueue_indirect_dma source(%dma_start3A_38 : memref<10000x128xf32, #tpu.memory_space<hbm>>) target(%dma_start3A_34 : memref<80x128xf32, #tpu.memory_space<vmem>>) offsets(%dma_start3A_35 : memref<80xi32, #tpu.memory_space<vmem>>) semaphore(%arg11 : memref<!tpu.dma_semaphore, #tpu.memory_space<semaphore_mem>>)
    %multiple_of3A_39 = arith.constant 160 : i32
    %multiple_of3A_40 = tpu.assume_multiple %multiple_of3A_39, 8 : i32
    %dma_start3A_41 = arith.constant 2 : i32
    %dma_start3A_42 = arith.constant 0 : i32
    %dma_start3A_43 = arith.constant 0 : i32
    %dma_start3A_44 = tpu.memref_slice %arg9[%dma_start3A_41, %dma_start3A_42, %dma_start3A_43] : memref<3x80x128xf32, #tpu.memory_space<vmem>> -> memref<1x80x128xf32, #tpu.memory_space<vmem>>
    %dma_start3A_45 = tpu.memref_squeeze %dma_start3A_44 : memref<1x80x128xf32, #tpu.memory_space<vmem>> -> memref<80x128xf32, #tpu.memory_space<vmem>>
    %dma_start3A_46 = tpu.memref_slice %arg7[%multiple_of3A_40] : memref<10080xi32, #tpu.memory_space<vmem>> -> memref<80xi32, #tpu.memory_space<vmem>>
    %dma_start3A_47 = arith.constant 0 : i32
    %dma_start3A_48 = arith.constant 0 : i32
    %dma_start3A_49 = tpu.memref_slice %arg2[%dma_start3A_47, %dma_start3A_48] : memref<10000x128xf32, #tpu.memory_space<hbm>> -> memref<10000x128xf32, #tpu.memory_space<hbm>>
    tpu.enqueue_indirect_dma source(%dma_start3A_49 : memref<10000x128xf32, #tpu.memory_space<hbm>>) target(%dma_start3A_45 : memref<80x128xf32, #tpu.memory_space<vmem>>) offsets(%dma_start3A_46 : memref<80xi32, #tpu.memory_space<vmem>>) semaphore(%arg11 : memref<!tpu.dma_semaphore, #tpu.memory_space<semaphore_mem>>)
    %scan3A = arith.constant 0 : i32
    %scan3A_50 = arith.constant 42 : i32
    %scan3A_51 = arith.addi %scan3A, %scan3A_50 : i32
    %scan3A_52 = arith.constant 1 : i32
    scf.for %scan3A_65 = %scan3A to %scan3A_51 step %scan3A_52  : i32 {
      %mul3A_66 = arith.constant 3 : i32
      %mul3A_67 = arith.muli %scan3A_65, %mul3A_66 : i32
      %add3A_68 = arith.constant 0 : i32
      %add3A_69 = arith.addi %add3A_68, %mul3A_67 : i32
      %add3A_70 = arith.constant 0 : i32
      %add3A_71 = arith.addi %add3A_69, %add3A_70 : i32
      %mul3A_72 = arith.constant 80 : i32
      %mul3A_73 = arith.muli %add3A_71, %mul3A_72 : i32
      %multiple_of3A_74 = tpu.assume_multiple %mul3A_73, 8 : i32
      %dma_wait3A_75 = arith.constant 0 : i32
      %dma_wait3A_76 = arith.constant 0 : i32
      %dma_wait3A_77 = arith.constant 0 : i32
      %dma_wait3A_78 = tpu.memref_slice %arg9[%dma_wait3A_75, %dma_wait3A_76, %dma_wait3A_77] : memref<3x80x128xf32, #tpu.memory_space<vmem>> -> memref<1x80x128xf32, #tpu.memory_space<vmem>>
      %dma_wait3A_79 = tpu.memref_squeeze %dma_wait3A_78 : memref<1x80x128xf32, #tpu.memory_space<vmem>> -> memref<80x128xf32, #tpu.memory_space<vmem>>
      %dma_wait3A_80 = tpu.memref_slice %arg7[%multiple_of3A_74] : memref<10080xi32, #tpu.memory_space<vmem>> -> memref<80xi32, #tpu.memory_space<vmem>>
      %dma_wait3A_81 = arith.constant 0 : i32
      %dma_wait3A_82 = arith.constant 0 : i32
      %dma_wait3A_83 = tpu.memref_slice %arg2[%dma_wait3A_81, %dma_wait3A_82] : memref<10000x128xf32, #tpu.memory_space<hbm>> -> memref<10000x128xf32, #tpu.memory_space<hbm>>
      tpu.wait_indirect_dma semaphore(%arg11 : memref<!tpu.dma_semaphore, #tpu.memory_space<semaphore_mem>>) src(%dma_wait3A_83 : memref<10000x128xf32, #tpu.memory_space<hbm>>) dst(%dma_wait3A_79 : memref<80x128xf32, #tpu.memory_space<vmem>>)
      %add3A_84 = arith.constant 0 : i32
      %add3A_85 = arith.addi %add3A_69, %add3A_84 : i32
      %mul3A_86 = arith.constant 80 : i32
      %mul3A_87 = arith.muli %add3A_85, %mul3A_86 : i32
      %multiple_of3A_88 = tpu.assume_multiple %mul3A_87, 8 : i32
      %dma_start3A_89 = arith.constant 0 : i32
      %dma_start3A_90 = arith.constant 0 : i32
      %dma_start3A_91 = arith.constant 0 : i32
      %dma_start3A_92 = tpu.memref_slice %arg9[%dma_start3A_89, %dma_start3A_90, %dma_start3A_91] : memref<3x80x128xf32, #tpu.memory_space<vmem>> -> memref<1x80x128xf32, #tpu.memory_space<vmem>>
      %dma_start3A_93 = tpu.memref_squeeze %dma_start3A_92 : memref<1x80x128xf32, #tpu.memory_space<vmem>> -> memref<80x128xf32, #tpu.memory_space<vmem>>
      %dma_start3A_94 = tpu.memref_slice %arg8[%multiple_of3A_88] : memref<10080xi32, #tpu.memory_space<vmem>> -> memref<80xi32, #tpu.memory_space<vmem>>
      %dma_start3A_95 = arith.constant 0 : i32
      %dma_start3A_96 = arith.constant 0 : i32
      %dma_start3A_97 = tpu.memref_slice %arg10[%dma_start3A_95, %dma_start3A_96] : memref<10008x128xf32, #tpu.memory_space<vmem_shared>> -> memref<10008x128xf32, #tpu.memory_space<vmem_shared>>
      tpu.enqueue_indirect_dma source(%dma_start3A_93 : memref<80x128xf32, #tpu.memory_space<vmem>>) target(%dma_start3A_97 : memref<10008x128xf32, #tpu.memory_space<vmem_shared>>) offsets(%dma_start3A_94 : memref<80xi32, #tpu.memory_space<vmem>>) semaphore(%arg12 : memref<!tpu.dma_semaphore, #tpu.memory_space<semaphore_mem>>) {add = true}
      %add3A_98 = arith.constant 1 : i32
      %add3A_99 = arith.addi %add3A_69, %add3A_98 : i32
      %mul3A_100 = arith.constant 80 : i32
      %mul3A_101 = arith.muli %add3A_99, %mul3A_100 : i32
      %multiple_of3A_102 = tpu.assume_multiple %mul3A_101, 8 : i32
      %dma_wait3A_103 = arith.constant 1 : i32
      %dma_wait3A_104 = arith.constant 0 : i32
      %dma_wait3A_105 = arith.constant 0 : i32
      %dma_wait3A_106 = tpu.memref_slice %arg9[%dma_wait3A_103, %dma_wait3A_104, %dma_wait3A_105] : memref<3x80x128xf32, #tpu.memory_space<vmem>> -> memref<1x80x128xf32, #tpu.memory_space<vmem>>
      %dma_wait3A_107 = tpu.memref_squeeze %dma_wait3A_106 : memref<1x80x128xf32, #tpu.memory_space<vmem>> -> memref<80x128xf32, #tpu.memory_space<vmem>>
      %dma_wait3A_108 = tpu.memref_slice %arg7[%multiple_of3A_102] : memref<10080xi32, #tpu.memory_space<vmem>> -> memref<80xi32, #tpu.memory_space<vmem>>
      %dma_wait3A_109 = arith.constant 0 : i32
      %dma_wait3A_110 = arith.constant 0 : i32
      %dma_wait3A_111 = tpu.memref_slice %arg2[%dma_wait3A_109, %dma_wait3A_110] : memref<10000x128xf32, #tpu.memory_space<hbm>> -> memref<10000x128xf32, #tpu.memory_space<hbm>>
      tpu.wait_indirect_dma semaphore(%arg11 : memref<!tpu.dma_semaphore, #tpu.memory_space<semaphore_mem>>) src(%dma_wait3A_111 : memref<10000x128xf32, #tpu.memory_space<hbm>>) dst(%dma_wait3A_107 : memref<80x128xf32, #tpu.memory_space<vmem>>)
      %add3A_112 = arith.constant 1 : i32
      %add3A_113 = arith.addi %add3A_69, %add3A_112 : i32
      %mul3A_114 = arith.constant 80 : i32
      %mul3A_115 = arith.muli %add3A_113, %mul3A_114 : i32
      %multiple_of3A_116 = tpu.assume_multiple %mul3A_115, 8 : i32
      %dma_start3A_117 = arith.constant 1 : i32
      %dma_start3A_118 = arith.constant 0 : i32
      %dma_start3A_119 = arith.constant 0 : i32
      %dma_start3A_120 = tpu.memref_slice %arg9[%dma_start3A_117, %dma_start3A_118, %dma_start3A_119] : memref<3x80x128xf32, #tpu.memory_space<vmem>> -> memref<1x80x128xf32, #tpu.memory_space<vmem>>
      %dma_start3A_121 = tpu.memref_squeeze %dma_start3A_120 : memref<1x80x128xf32, #tpu.memory_space<vmem>> -> memref<80x128xf32, #tpu.memory_space<vmem>>
      %dma_start3A_122 = tpu.memref_slice %arg8[%multiple_of3A_116] : memref<10080xi32, #tpu.memory_space<vmem>> -> memref<80xi32, #tpu.memory_space<vmem>>
      %dma_start3A_123 = arith.constant 0 : i32
      %dma_start3A_124 = arith.constant 0 : i32
      %dma_start3A_125 = tpu.memref_slice %arg10[%dma_start3A_123, %dma_start3A_124] : memref<10008x128xf32, #tpu.memory_space<vmem_shared>> -> memref<10008x128xf32, #tpu.memory_space<vmem_shared>>
      tpu.enqueue_indirect_dma source(%dma_start3A_121 : memref<80x128xf32, #tpu.memory_space<vmem>>) target(%dma_start3A_125 : memref<10008x128xf32, #tpu.memory_space<vmem_shared>>) offsets(%dma_start3A_122 : memref<80xi32, #tpu.memory_space<vmem>>) semaphore(%arg12 : memref<!tpu.dma_semaphore, #tpu.memory_space<semaphore_mem>>) {add = true}
      %add3A_126 = arith.constant 2 : i32
      %add3A_127 = arith.addi %add3A_69, %add3A_126 : i32
      %mul3A_128 = arith.constant 80 : i32
      %mul3A_129 = arith.muli %add3A_127, %mul3A_128 : i32
      %multiple_of3A_130 = tpu.assume_multiple %mul3A_129, 8 : i32
      %dma_wait3A_131 = arith.constant 2 : i32
      %dma_wait3A_132 = arith.constant 0 : i32
      %dma_wait3A_133 = arith.constant 0 : i32
      %dma_wait3A_134 = tpu.memref_slice %arg9[%dma_wait3A_131, %dma_wait3A_132, %dma_wait3A_133] : memref<3x80x128xf32, #tpu.memory_space<vmem>> -> memref<1x80x128xf32, #tpu.memory_space<vmem>>
      %dma_wait3A_135 = tpu.memref_squeeze %dma_wait3A_134 : memref<1x80x128xf32, #tpu.memory_space<vmem>> -> memref<80x128xf32, #tpu.memory_space<vmem>>
      %dma_wait3A_136 = tpu.memref_slice %arg7[%multiple_of3A_130] : memref<10080xi32, #tpu.memory_space<vmem>> -> memref<80xi32, #tpu.memory_space<vmem>>
      %dma_wait3A_137 = arith.constant 0 : i32
      %dma_wait3A_138 = arith.constant 0 : i32
      %dma_wait3A_139 = tpu.memref_slice %arg2[%dma_wait3A_137, %dma_wait3A_138] : memref<10000x128xf32, #tpu.memory_space<hbm>> -> memref<10000x128xf32, #tpu.memory_space<hbm>>
      tpu.wait_indirect_dma semaphore(%arg11 : memref<!tpu.dma_semaphore, #tpu.memory_space<semaphore_mem>>) src(%dma_wait3A_139 : memref<10000x128xf32, #tpu.memory_space<hbm>>) dst(%dma_wait3A_135 : memref<80x128xf32, #tpu.memory_space<vmem>>)
      %add3A_140 = arith.constant 2 : i32
      %add3A_141 = arith.addi %add3A_69, %add3A_140 : i32
      %mul3A_142 = arith.constant 80 : i32
      %mul3A_143 = arith.muli %add3A_141, %mul3A_142 : i32
      %multiple_of3A_144 = tpu.assume_multiple %mul3A_143, 8 : i32
      %dma_start3A_145 = arith.constant 2 : i32
      %dma_start3A_146 = arith.constant 0 : i32
      %dma_start3A_147 = arith.constant 0 : i32
      %dma_start3A_148 = tpu.memref_slice %arg9[%dma_start3A_145, %dma_start3A_146, %dma_start3A_147] : memref<3x80x128xf32, #tpu.memory_space<vmem>> -> memref<1x80x128xf32, #tpu.memory_space<vmem>>
      %dma_start3A_149 = tpu.memref_squeeze %dma_start3A_148 : memref<1x80x128xf32, #tpu.memory_space<vmem>> -> memref<80x128xf32, #tpu.memory_space<vmem>>
      %dma_start3A_150 = tpu.memref_slice %arg8[%multiple_of3A_144] : memref<10080xi32, #tpu.memory_space<vmem>> -> memref<80xi32, #tpu.memory_space<vmem>>
      %dma_start3A_151 = arith.constant 0 : i32
      %dma_start3A_152 = arith.constant 0 : i32
      %dma_start3A_153 = tpu.memref_slice %arg10[%dma_start3A_151, %dma_start3A_152] : memref<10008x128xf32, #tpu.memory_space<vmem_shared>> -> memref<10008x128xf32, #tpu.memory_space<vmem_shared>>
      tpu.enqueue_indirect_dma source(%dma_start3A_149 : memref<80x128xf32, #tpu.memory_space<vmem>>) target(%dma_start3A_153 : memref<10008x128xf32, #tpu.memory_space<vmem_shared>>) offsets(%dma_start3A_150 : memref<80xi32, #tpu.memory_space<vmem>>) semaphore(%arg12 : memref<!tpu.dma_semaphore, #tpu.memory_space<semaphore_mem>>) {add = true}
      %add3A_154 = arith.constant 0 : i32
      %add3A_155 = arith.addi %add3A_69, %add3A_154 : i32
      %mul3A_156 = arith.constant 80 : i32
      %mul3A_157 = arith.muli %add3A_155, %mul3A_156 : i32
      %multiple_of3A_158 = tpu.assume_multiple %mul3A_157, 8 : i32
      %dma_wait3A_159 = arith.constant 0 : i32
      %dma_wait3A_160 = arith.constant 0 : i32
      %dma_wait3A_161 = arith.constant 0 : i32
      %dma_wait3A_162 = tpu.memref_slice %arg9[%dma_wait3A_159, %dma_wait3A_160, %dma_wait3A_161] : memref<3x80x128xf32, #tpu.memory_space<vmem>> -> memref<1x80x128xf32, #tpu.memory_space<vmem>>
      %dma_wait3A_163 = tpu.memref_squeeze %dma_wait3A_162 : memref<1x80x128xf32, #tpu.memory_space<vmem>> -> memref<80x128xf32, #tpu.memory_space<vmem>>
      %dma_wait3A_164 = tpu.memref_slice %arg8[%multiple_of3A_158] : memref<10080xi32, #tpu.memory_space<vmem>> -> memref<80xi32, #tpu.memory_space<vmem>>
      %dma_wait3A_165 = arith.constant 0 : i32
      %dma_wait3A_166 = arith.constant 0 : i32
      %dma_wait3A_167 = tpu.memref_slice %arg10[%dma_wait3A_165, %dma_wait3A_166] : memref<10008x128xf32, #tpu.memory_space<vmem_shared>> -> memref<10008x128xf32, #tpu.memory_space<vmem_shared>>
      tpu.wait_indirect_dma semaphore(%arg12 : memref<!tpu.dma_semaphore, #tpu.memory_space<semaphore_mem>>) src(%dma_wait3A_163 : memref<80x128xf32, #tpu.memory_space<vmem>>) dst(%dma_wait3A_167 : memref<10008x128xf32, #tpu.memory_space<vmem_shared>>)
      %add3A_168 = arith.constant 0 : i32
      %add3A_169 = arith.addi %add3A_69, %add3A_168 : i32
      %add3A_170 = arith.constant 3 : i32
      %add3A_171 = arith.addi %add3A_169, %add3A_170 : i32
      %lt3A_172 = arith.constant 126 : i32
      %lt3A_173 = arith.cmpi slt, %add3A_171, %lt3A_172 : i32
      %convert_element_type3A_174 = arith.extui %lt3A_173 : i1 to i32
      %cond3A_175 = arith.constant 0 : i32
      %cond3A_176 = arith.cmpi ne, %convert_element_type3A_174, %cond3A_175 : i32
      scf.if %cond3A_176 {
        %add3A_223 = arith.constant 0 : i32
        %add3A_224 = arith.addi %add3A_69, %add3A_223 : i32
        %add3A_225 = arith.constant 3 : i32
        %add3A_226 = arith.addi %add3A_224, %add3A_225 : i32
        %mul3A_227 = arith.constant 80 : i32
        %mul3A_228 = arith.muli %add3A_226, %mul3A_227 : i32
        %multiple_of3A_229 = tpu.assume_multiple %mul3A_228, 8 : i32
        %dma_start3A_230 = arith.constant 0 : i32
        %dma_start3A_231 = arith.constant 0 : i32
        %dma_start3A_232 = arith.constant 0 : i32
        %dma_start3A_233 = tpu.memref_slice %arg9[%dma_start3A_230, %dma_start3A_231, %dma_start3A_232] : memref<3x80x128xf32, #tpu.memory_space<vmem>> -> memref<1x80x128xf32, #tpu.memory_space<vmem>>
        %dma_start3A_234 = tpu.memref_squeeze %dma_start3A_233 : memref<1x80x128xf32, #tpu.memory_space<vmem>> -> memref<80x128xf32, #tpu.memory_space<vmem>>
        %dma_start3A_235 = tpu.memref_slice %arg7[%multiple_of3A_229] : memref<10080xi32, #tpu.memory_space<vmem>> -> memref<80xi32, #tpu.memory_space<vmem>>
        %dma_start3A_236 = arith.constant 0 : i32
        %dma_start3A_237 = arith.constant 0 : i32
        %dma_start3A_238 = tpu.memref_slice %arg2[%dma_start3A_236, %dma_start3A_237] : memref<10000x128xf32, #tpu.memory_space<hbm>> -> memref<10000x128xf32, #tpu.memory_space<hbm>>
        tpu.enqueue_indirect_dma source(%dma_start3A_238 : memref<10000x128xf32, #tpu.memory_space<hbm>>) target(%dma_start3A_234 : memref<80x128xf32, #tpu.memory_space<vmem>>) offsets(%dma_start3A_235 : memref<80xi32, #tpu.memory_space<vmem>>) semaphore(%arg11 : memref<!tpu.dma_semaphore, #tpu.memory_space<semaphore_mem>>)
      } else {
      }
      %add3A_177 = arith.constant 1 : i32
      %add3A_178 = arith.addi %add3A_69, %add3A_177 : i32
      %mul3A_179 = arith.constant 80 : i32
      %mul3A_180 = arith.muli %add3A_178, %mul3A_179 : i32
      %multiple_of3A_181 = tpu.assume_multiple %mul3A_180, 8 : i32
      %dma_wait3A_182 = arith.constant 1 : i32
      %dma_wait3A_183 = arith.constant 0 : i32
      %dma_wait3A_184 = arith.constant 0 : i32
      %dma_wait3A_185 = tpu.memref_slice %arg9[%dma_wait3A_182, %dma_wait3A_183, %dma_wait3A_184] : memref<3x80x128xf32, #tpu.memory_space<vmem>> -> memref<1x80x128xf32, #tpu.memory_space<vmem>>
      %dma_wait3A_186 = tpu.memref_squeeze %dma_wait3A_185 : memref<1x80x128xf32, #tpu.memory_space<vmem>> -> memref<80x128xf32, #tpu.memory_space<vmem>>
      %dma_wait3A_187 = tpu.memref_slice %arg8[%multiple_of3A_181] : memref<10080xi32, #tpu.memory_space<vmem>> -> memref<80xi32, #tpu.memory_space<vmem>>
      %dma_wait3A_188 = arith.constant 0 : i32
      %dma_wait3A_189 = arith.constant 0 : i32
      %dma_wait3A_190 = tpu.memref_slice %arg10[%dma_wait3A_188, %dma_wait3A_189] : memref<10008x128xf32, #tpu.memory_space<vmem_shared>> -> memref<10008x128xf32, #tpu.memory_space<vmem_shared>>
      tpu.wait_indirect_dma semaphore(%arg12 : memref<!tpu.dma_semaphore, #tpu.memory_space<semaphore_mem>>) src(%dma_wait3A_186 : memref<80x128xf32, #tpu.memory_space<vmem>>) dst(%dma_wait3A_190 : memref<10008x128xf32, #tpu.memory_space<vmem_shared>>)
      %add3A_191 = arith.constant 1 : i32
      %add3A_192 = arith.addi %add3A_69, %add3A_191 : i32
      %add3A_193 = arith.constant 3 : i32
      %add3A_194 = arith.addi %add3A_192, %add3A_193 : i32
      %lt3A_195 = arith.constant 126 : i32
      %lt3A_196 = arith.cmpi slt, %add3A_194, %lt3A_195 : i32
      %convert_element_type3A_197 = arith.extui %lt3A_196 : i1 to i32
      %cond3A_198 = arith.constant 0 : i32
      %cond3A_199 = arith.cmpi ne, %convert_element_type3A_197, %cond3A_198 : i32
      scf.if %cond3A_199 {
        %add3A_223 = arith.constant 1 : i32
        %add3A_224 = arith.addi %add3A_69, %add3A_223 : i32
        %add3A_225 = arith.constant 3 : i32
        %add3A_226 = arith.addi %add3A_224, %add3A_225 : i32
        %mul3A_227 = arith.constant 80 : i32
        %mul3A_228 = arith.muli %add3A_226, %mul3A_227 : i32
        %multiple_of3A_229 = tpu.assume_multiple %mul3A_228, 8 : i32
        %dma_start3A_230 = arith.constant 1 : i32
        %dma_start3A_231 = arith.constant 0 : i32
        %dma_start3A_232 = arith.constant 0 : i32
        %dma_start3A_233 = tpu.memref_slice %arg9[%dma_start3A_230, %dma_start3A_231, %dma_start3A_232] : memref<3x80x128xf32, #tpu.memory_space<vmem>> -> memref<1x80x128xf32, #tpu.memory_space<vmem>>
        %dma_start3A_234 = tpu.memref_squeeze %dma_start3A_233 : memref<1x80x128xf32, #tpu.memory_space<vmem>> -> memref<80x128xf32, #tpu.memory_space<vmem>>
        %dma_start3A_235 = tpu.memref_slice %arg7[%multiple_of3A_229] : memref<10080xi32, #tpu.memory_space<vmem>> -> memref<80xi32, #tpu.memory_space<vmem>>
        %dma_start3A_236 = arith.constant 0 : i32
        %dma_start3A_237 = arith.constant 0 : i32
        %dma_start3A_238 = tpu.memref_slice %arg2[%dma_start3A_236, %dma_start3A_237] : memref<10000x128xf32, #tpu.memory_space<hbm>> -> memref<10000x128xf32, #tpu.memory_space<hbm>>
        tpu.enqueue_indirect_dma source(%dma_start3A_238 : memref<10000x128xf32, #tpu.memory_space<hbm>>) target(%dma_start3A_234 : memref<80x128xf32, #tpu.memory_space<vmem>>) offsets(%dma_start3A_235 : memref<80xi32, #tpu.memory_space<vmem>>) semaphore(%arg11 : memref<!tpu.dma_semaphore, #tpu.memory_space<semaphore_mem>>)
      } else {
      }
      %add3A_200 = arith.constant 2 : i32
      %add3A_201 = arith.addi %add3A_69, %add3A_200 : i32
      %mul3A_202 = arith.constant 80 : i32
      %mul3A_203 = arith.muli %add3A_201, %mul3A_202 : i32
      %multiple_of3A_204 = tpu.assume_multiple %mul3A_203, 8 : i32
      %dma_wait3A_205 = arith.constant 2 : i32
      %dma_wait3A_206 = arith.constant 0 : i32
      %dma_wait3A_207 = arith.constant 0 : i32
      %dma_wait3A_208 = tpu.memref_slice %arg9[%dma_wait3A_205, %dma_wait3A_206, %dma_wait3A_207] : memref<3x80x128xf32, #tpu.memory_space<vmem>> -> memref<1x80x128xf32, #tpu.memory_space<vmem>>
      %dma_wait3A_209 = tpu.memref_squeeze %dma_wait3A_208 : memref<1x80x128xf32, #tpu.memory_space<vmem>> -> memref<80x128xf32, #tpu.memory_space<vmem>>
      %dma_wait3A_210 = tpu.memref_slice %arg8[%multiple_of3A_204] : memref<10080xi32, #tpu.memory_space<vmem>> -> memref<80xi32, #tpu.memory_space<vmem>>
      %dma_wait3A_211 = arith.constant 0 : i32
      %dma_wait3A_212 = arith.constant 0 : i32
      %dma_wait3A_213 = tpu.memref_slice %arg10[%dma_wait3A_211, %dma_wait3A_212] : memref<10008x128xf32, #tpu.memory_space<vmem_shared>> -> memref<10008x128xf32, #tpu.memory_space<vmem_shared>>
      tpu.wait_indirect_dma semaphore(%arg12 : memref<!tpu.dma_semaphore, #tpu.memory_space<semaphore_mem>>) src(%dma_wait3A_209 : memref<80x128xf32, #tpu.memory_space<vmem>>) dst(%dma_wait3A_213 : memref<10008x128xf32, #tpu.memory_space<vmem_shared>>)
      %add3A_214 = arith.constant 2 : i32
      %add3A_215 = arith.addi %add3A_69, %add3A_214 : i32
      %add3A_216 = arith.constant 3 : i32
      %add3A_217 = arith.addi %add3A_215, %add3A_216 : i32
      %lt3A_218 = arith.constant 126 : i32
      %lt3A_219 = arith.cmpi slt, %add3A_217, %lt3A_218 : i32
      %convert_element_type3A_220 = arith.extui %lt3A_219 : i1 to i32
      %cond3A_221 = arith.constant 0 : i32
      %cond3A_222 = arith.cmpi ne, %convert_element_type3A_220, %cond3A_221 : i32
      scf.if %cond3A_222 {
        %add3A_223 = arith.constant 2 : i32
        %add3A_224 = arith.addi %add3A_69, %add3A_223 : i32
        %add3A_225 = arith.constant 3 : i32
        %add3A_226 = arith.addi %add3A_224, %add3A_225 : i32
        %mul3A_227 = arith.constant 80 : i32
        %mul3A_228 = arith.muli %add3A_226, %mul3A_227 : i32
        %multiple_of3A_229 = tpu.assume_multiple %mul3A_228, 8 : i32
        %dma_start3A_230 = arith.constant 2 : i32
        %dma_start3A_231 = arith.constant 0 : i32
        %dma_start3A_232 = arith.constant 0 : i32
        %dma_start3A_233 = tpu.memref_slice %arg9[%dma_start3A_230, %dma_start3A_231, %dma_start3A_232] : memref<3x80x128xf32, #tpu.memory_space<vmem>> -> memref<1x80x128xf32, #tpu.memory_space<vmem>>
        %dma_start3A_234 = tpu.memref_squeeze %dma_start3A_233 : memref<1x80x128xf32, #tpu.memory_space<vmem>> -> memref<80x128xf32, #tpu.memory_space<vmem>>
        %dma_start3A_235 = tpu.memref_slice %arg7[%multiple_of3A_229] : memref<10080xi32, #tpu.memory_space<vmem>> -> memref<80xi32, #tpu.memory_space<vmem>>
        %dma_start3A_236 = arith.constant 0 : i32
        %dma_start3A_237 = arith.constant 0 : i32
        %dma_start3A_238 = tpu.memref_slice %arg2[%dma_start3A_236, %dma_start3A_237] : memref<10000x128xf32, #tpu.memory_space<hbm>> -> memref<10000x128xf32, #tpu.memory_space<hbm>>
        tpu.enqueue_indirect_dma source(%dma_start3A_238 : memref<10000x128xf32, #tpu.memory_space<hbm>>) target(%dma_start3A_234 : memref<80x128xf32, #tpu.memory_space<vmem>>) offsets(%dma_start3A_235 : memref<80xi32, #tpu.memory_space<vmem>>) semaphore(%arg11 : memref<!tpu.dma_semaphore, #tpu.memory_space<semaphore_mem>>)
      } else {
      }
    }
    %scan3A_53 = arith.constant 42 : i32
    %barrier3A_54 = arith.constant 0 : index
    tpu.barrier barrier_id(%barrier3A_54)
    %lt3A_55 = arith.constant 15 : i32
    %lt3A_56 = arith.cmpi slt, %arg1, %lt3A_55 : i32
    %convert_element_type3A_57 = arith.extui %lt3A_56 : i1 to i32
    %cond3A_58 = arith.constant 0 : i32
    %cond3A_59 = arith.cmpi ne, %convert_element_type3A_57, %cond3A_58 : i32
    scf.if %cond3A_59 {
      "tpu.region"() ({
        %run_scoped3A = tpu.sem_alloc : memref<!tpu.dma_semaphore, #tpu.memory_space<semaphore_mem>>
        %dma_start3A_65 = arith.constant 0 : i32
        %dma_start3A_66 = tpu.memref_slice %arg6[%arg0, %mul3A_2, %dma_start3A_65] : memref<2x10000x128xf32, #tpu.memory_space<hbm>> -> memref<1x624x128xf32, #tpu.memory_space<hbm>>
        %dma_start3A_67 = tpu.memref_squeeze %dma_start3A_66 : memref<1x624x128xf32, #tpu.memory_space<hbm>> -> memref<624x128xf32, #tpu.memory_space<hbm>>
        %dma_start3A_68 = arith.constant 0 : i32
        %dma_start3A_69 = tpu.memref_slice %arg10[%mul3A_2, %dma_start3A_68] : memref<10008x128xf32, #tpu.memory_space<vmem_shared>> -> memref<624x128xf32, #tpu.memory_space<vmem_shared>>
        tpu.enqueue_dma source(%dma_start3A_69 : memref<624x128xf32, #tpu.memory_space<vmem_shared>>) target(%dma_start3A_67 : memref<624x128xf32, #tpu.memory_space<hbm>>) target_semaphore(%run_scoped3A : memref<!tpu.dma_semaphore, #tpu.memory_space<semaphore_mem>>)
        %dma_wait3A_70 = arith.constant 0 : i32
        %dma_wait3A_71 = tpu.memref_slice %arg6[%arg0, %mul3A_2, %dma_wait3A_70] : memref<2x10000x128xf32, #tpu.memory_space<hbm>> -> memref<1x624x128xf32, #tpu.memory_space<hbm>>
        %dma_wait3A_72 = tpu.memref_squeeze %dma_wait3A_71 : memref<1x624x128xf32, #tpu.memory_space<hbm>> -> memref<624x128xf32, #tpu.memory_space<hbm>>
        %dma_wait3A_73 = arith.constant 0 : i32
        %dma_wait3A_74 = tpu.memref_slice %arg10[%mul3A_2, %dma_wait3A_73] : memref<10008x128xf32, #tpu.memory_space<vmem_shared>> -> memref<624x128xf32, #tpu.memory_space<vmem_shared>>
        tpu.wait_dma2 semaphore(%run_scoped3A : memref<!tpu.dma_semaphore, #tpu.memory_space<semaphore_mem>>) src(%dma_wait3A_74 : memref<624x128xf32, #tpu.memory_space<vmem_shared>>) dst(%dma_wait3A_72 : memref<624x128xf32, #tpu.memory_space<hbm>>)
        tpu.yield
      }) : () -> ()
    } else {
    }
    %eq3A_60 = arith.constant 15 : i32
    %eq3A_61 = arith.cmpi eq, %arg1, %eq3A_60 : i32
    %convert_element_type3A_62 = arith.extui %eq3A_61 : i1 to i32
    %cond3A_63 = arith.constant 0 : i32
    %cond3A_64 = arith.cmpi ne, %convert_element_type3A_62, %cond3A_63 : i32
    scf.if %cond3A_64 {
      "tpu.region"() ({
        %run_scoped3A = tpu.sem_alloc : memref<!tpu.dma_semaphore, #tpu.memory_space<semaphore_mem>>
        %dma_start3A_65 = arith.constant 0 : i32
        %dma_start3A_66 = tpu.memref_slice %arg6[%arg0, %mul3A_2, %dma_start3A_65] : memref<2x10000x128xf32, #tpu.memory_space<hbm>> -> memref<1x640x128xf32, #tpu.memory_space<hbm>>
        %dma_start3A_67 = tpu.memref_squeeze %dma_start3A_66 : memref<1x640x128xf32, #tpu.memory_space<hbm>> -> memref<640x128xf32, #tpu.memory_space<hbm>>
        %dma_start3A_68 = arith.constant 0 : i32
        %dma_start3A_69 = tpu.memref_slice %arg10[%mul3A_2, %dma_start3A_68] : memref<10008x128xf32, #tpu.memory_space<vmem_shared>> -> memref<640x128xf32, #tpu.memory_space<vmem_shared>>
        tpu.enqueue_dma source(%dma_start3A_69 : memref<640x128xf32, #tpu.memory_space<vmem_shared>>) target(%dma_start3A_67 : memref<640x128xf32, #tpu.memory_space<hbm>>) target_semaphore(%run_scoped3A : memref<!tpu.dma_semaphore, #tpu.memory_space<semaphore_mem>>)
        %dma_wait3A_70 = arith.constant 0 : i32
        %dma_wait3A_71 = tpu.memref_slice %arg6[%arg0, %mul3A_2, %dma_wait3A_70] : memref<2x10000x128xf32, #tpu.memory_space<hbm>> -> memref<1x640x128xf32, #tpu.memory_space<hbm>>
        %dma_wait3A_72 = tpu.memref_squeeze %dma_wait3A_71 : memref<1x640x128xf32, #tpu.memory_space<hbm>> -> memref<640x128xf32, #tpu.memory_space<hbm>>
        %dma_wait3A_73 = arith.constant 0 : i32
        %dma_wait3A_74 = tpu.memref_slice %arg10[%mul3A_2, %dma_wait3A_73] : memref<10008x128xf32, #tpu.memory_space<vmem_shared>> -> memref<640x128xf32, #tpu.memory_space<vmem_shared>>
        tpu.wait_dma2 semaphore(%run_scoped3A : memref<!tpu.dma_semaphore, #tpu.memory_space<semaphore_mem>>) src(%dma_wait3A_74 : memref<640x128xf32, #tpu.memory_space<vmem_shared>>) dst(%dma_wait3A_72 : memref<640x128xf32, #tpu.memory_space<hbm>>)
        tpu.yield
      }) : () -> ()
    } else {
    }
    return
  }
}

#map = affine_map<(d0, d1) -> (0, 0)>
#map1 = affine_map<(d0, d1) -> (0)>
#map2 = affine_map<(d0, d1) -> (0, 0, 0)>
module attributes {stable_mosaic.version = 14 : i64} {
  func.func @k(%arg0: i32, %arg1: i32, %arg2: memref<10000x128xf32, #tpu.memory_space<hbm>>, %arg3: memref<322560xi32, #tpu.memory_space<hbm>>, %arg4: memref<322560xi32, #tpu.memory_space<hbm>>, %arg5: memref<640x128xf32, #tpu.memory_space<hbm>>, %arg6: memref<2x10000x128xf32, #tpu.memory_space<hbm>>, %arg7: memref<10080xi32, #tpu.memory_space<vmem>>, %arg8: memref<10080xi32, #tpu.memory_space<vmem>>, %arg9: memref<3x80x128xf32, #tpu.memory_space<vmem>>, %arg10: memref<10008x128xf32, #tpu.memory_space<vmem_shared>>, %arg11: memref<!tpu.dma_semaphore, #tpu.memory_space<semaphore_mem>>, %arg12: memref<!tpu.dma_semaphore, #tpu.memory_space<semaphore_mem>>) attributes {dimension_semantics = [#tpu.dimension_semantics<core_parallel>, #tpu.dimension_semantics<subcore_parallel>], iteration_bounds = array<i64: 2, 16>, scalar_prefetch = 0 : i64, scratch_operands = 6 : i64, tpu.core_type = #tpu.core_type<sc_vector_subcore>, window_params = [{transform_indices = #map}, {transform_indices = #map1}, {transform_indices = #map1}, {transform_indices = #map}, {transform_indices = #map2}]} {
    %mul3A = arith.constant 16 : i32
    %mul3A_0 = arith.muli %arg0, %mul3A : i32
    %add3A = arith.addi %mul3A_0, %arg1 : i32
    %mul3A_1 = arith.constant 624 : i32
    %mul3A_2 = arith.muli %arg1, %mul3A_1 : i32
    %mul3A_3 = arith.constant 10080 : i32
    %mul3A_4 = arith.muli %add3A, %mul3A_3 : i32
    %multiple_of3A = tpu.assume_multiple %mul3A_4, 8 : i32
    %dma_start3A = tpu.memref_slice %arg3[%multiple_of3A] : memref<322560xi32, #tpu.memory_space<hbm>> -> memref<10080xi32, #tpu.memory_space<hbm>>
    %dma_start3A_5 = tpu.memref_slice %arg3[%multiple_of3A] : memref<322560xi32, #tpu.memory_space<hbm>> -> memref<10080xi32, #tpu.memory_space<hbm>>
    tpu.enqueue_dma source(%dma_start3A_5 : memref<10080xi32, #tpu.memory_space<hbm>>) target(%arg7 : memref<10080xi32, #tpu.memory_space<vmem>>) target_semaphore(%arg11 : memref<!tpu.dma_semaphore, #tpu.memory_space<semaphore_mem>>)
    %dma_start3A_6 = tpu.memref_slice %arg4[%multiple_of3A] : memref<322560xi32, #tpu.memory_space<hbm>> -> memref<10080xi32, #tpu.memory_space<hbm>>
    %dma_start3A_7 = tpu.memref_slice %arg4[%multiple_of3A] : memref<322560xi32, #tpu.memory_space<hbm>> -> memref<10080xi32, #tpu.memory_space<hbm>>
    tpu.enqueue_dma source(%dma_start3A_7 : memref<10080xi32, #tpu.memory_space<hbm>>) target(%arg8 : memref<10080xi32, #tpu.memory_space<vmem>>) target_semaphore(%arg11 : memref<!tpu.dma_semaphore, #tpu.memory_space<semaphore_mem>>)
    %lt3A = arith.constant 15 : i32
    %lt3A_8 = arith.cmpi slt, %arg1, %lt3A : i32
    %convert_element_type3A = arith.extui %lt3A_8 : i1 to i32
    %cond3A = arith.constant 0 : i32
    %cond3A_9 = arith.cmpi ne, %convert_element_type3A, %cond3A : i32
    scf.if %cond3A_9 {
      %eq3A_65 = arith.constant 0 : i32
      %eq3A_66 = arith.cmpi eq, %arg0, %eq3A_65 : i32
      %convert_element_type3A_67 = arith.extui %eq3A_66 : i1 to i32
      %cond3A_68 = arith.constant 0 : i32
      %cond3A_69 = arith.cmpi ne, %convert_element_type3A_67, %cond3A_68 : i32
      scf.if %cond3A_69 {
        %dma_start3A_79 = arith.constant 0 : i32
        %dma_start3A_80 = tpu.memref_slice %arg10[%mul3A_2, %dma_start3A_79] : memref<10008x128xf32, #tpu.memory_space<vmem_shared>> -> memref<624x128xf32, #tpu.memory_space<vmem_shared>>
        %dma_start3A_81 = arith.constant 0 : i32
        %dma_start3A_82 = tpu.memref_slice %arg2[%mul3A_2, %dma_start3A_81] : memref<10000x128xf32, #tpu.memory_space<hbm>> -> memref<624x128xf32, #tpu.memory_space<hbm>>
        tpu.enqueue_dma source(%dma_start3A_82 : memref<624x128xf32, #tpu.memory_space<hbm>>) target(%dma_start3A_80 : memref<624x128xf32, #tpu.memory_space<vmem_shared>>) target_semaphore(%arg12 : memref<!tpu.dma_semaphore, #tpu.memory_space<semaphore_mem>>)
      } else {
      }
      %ne3A = arith.constant 0 : i32
      %ne3A_70 = arith.cmpi ne, %arg0, %ne3A : i32
      %convert_element_type3A_71 = arith.extui %ne3A_70 : i1 to i32
      %cond3A_72 = arith.constant 0 : i32
      %cond3A_73 = arith.cmpi ne, %convert_element_type3A_71, %cond3A_72 : i32
      scf.if %cond3A_73 {
        %dma_start3A_79 = arith.constant 0 : i32
        %dma_start3A_80 = tpu.memref_slice %arg10[%mul3A_2, %dma_start3A_79] : memref<10008x128xf32, #tpu.memory_space<vmem_shared>> -> memref<624x128xf32, #tpu.memory_space<vmem_shared>>
        %dma_start3A_81 = arith.constant 0 : i32
        %dma_start3A_82 = arith.constant 0 : i32
        %dma_start3A_83 = tpu.memref_slice %arg5[%dma_start3A_81, %dma_start3A_82] : memref<640x128xf32, #tpu.memory_space<hbm>> -> memref<624x128xf32, #tpu.memory_space<hbm>>
        tpu.enqueue_dma source(%dma_start3A_83 : memref<624x128xf32, #tpu.memory_space<hbm>>) target(%dma_start3A_80 : memref<624x128xf32, #tpu.memory_space<vmem_shared>>) target_semaphore(%arg12 : memref<!tpu.dma_semaphore, #tpu.memory_space<semaphore_mem>>)
      } else {
      }
      %dma_wait3A_74 = arith.constant 0 : i32
      %dma_wait3A_75 = tpu.memref_slice %arg10[%mul3A_2, %dma_wait3A_74] : memref<10008x128xf32, #tpu.memory_space<vmem_shared>> -> memref<624x128xf32, #tpu.memory_space<vmem_shared>>
      %dma_wait3A_76 = arith.constant 0 : i32
      %dma_wait3A_77 = arith.constant 0 : i32
      %dma_wait3A_78 = tpu.memref_slice %arg5[%dma_wait3A_76, %dma_wait3A_77] : memref<640x128xf32, #tpu.memory_space<hbm>> -> memref<624x128xf32, #tpu.memory_space<hbm>>
      tpu.wait_dma2 semaphore(%arg12 : memref<!tpu.dma_semaphore, #tpu.memory_space<semaphore_mem>>) src(%dma_wait3A_78 : memref<624x128xf32, #tpu.memory_space<hbm>>) dst(%dma_wait3A_75 : memref<624x128xf32, #tpu.memory_space<vmem_shared>>)
    } else {
    }
    %eq3A = arith.constant 15 : i32
    %eq3A_10 = arith.cmpi eq, %arg1, %eq3A : i32
    %convert_element_type3A_11 = arith.extui %eq3A_10 : i1 to i32
    %cond3A_12 = arith.constant 0 : i32
    %cond3A_13 = arith.cmpi ne, %convert_element_type3A_11, %cond3A_12 : i32
    scf.if %cond3A_13 {
      %eq3A_65 = arith.constant 0 : i32
      %eq3A_66 = arith.cmpi eq, %arg0, %eq3A_65 : i32
      %convert_element_type3A_67 = arith.extui %eq3A_66 : i1 to i32
      %cond3A_68 = arith.constant 0 : i32
      %cond3A_69 = arith.cmpi ne, %convert_element_type3A_67, %cond3A_68 : i32
      scf.if %cond3A_69 {
        %dma_start3A_79 = arith.constant 0 : i32
        %dma_start3A_80 = tpu.memref_slice %arg10[%mul3A_2, %dma_start3A_79] : memref<10008x128xf32, #tpu.memory_space<vmem_shared>> -> memref<640x128xf32, #tpu.memory_space<vmem_shared>>
        %dma_start3A_81 = arith.constant 0 : i32
        %dma_start3A_82 = tpu.memref_slice %arg2[%mul3A_2, %dma_start3A_81] : memref<10000x128xf32, #tpu.memory_space<hbm>> -> memref<640x128xf32, #tpu.memory_space<hbm>>
        tpu.enqueue_dma source(%dma_start3A_82 : memref<640x128xf32, #tpu.memory_space<hbm>>) target(%dma_start3A_80 : memref<640x128xf32, #tpu.memory_space<vmem_shared>>) target_semaphore(%arg12 : memref<!tpu.dma_semaphore, #tpu.memory_space<semaphore_mem>>)
      } else {
      }
      %ne3A = arith.constant 0 : i32
      %ne3A_70 = arith.cmpi ne, %arg0, %ne3A : i32
      %convert_element_type3A_71 = arith.extui %ne3A_70 : i1 to i32
      %cond3A_72 = arith.constant 0 : i32
      %cond3A_73 = arith.cmpi ne, %convert_element_type3A_71, %cond3A_72 : i32
      scf.if %cond3A_73 {
        %dma_start3A_79 = arith.constant 0 : i32
        %dma_start3A_80 = tpu.memref_slice %arg10[%mul3A_2, %dma_start3A_79] : memref<10008x128xf32, #tpu.memory_space<vmem_shared>> -> memref<640x128xf32, #tpu.memory_space<vmem_shared>>
        %dma_start3A_81 = arith.constant 0 : i32
        %dma_start3A_82 = arith.constant 0 : i32
        %dma_start3A_83 = tpu.memref_slice %arg5[%dma_start3A_81, %dma_start3A_82] : memref<640x128xf32, #tpu.memory_space<hbm>> -> memref<640x128xf32, #tpu.memory_space<hbm>>
        tpu.enqueue_dma source(%dma_start3A_83 : memref<640x128xf32, #tpu.memory_space<hbm>>) target(%dma_start3A_80 : memref<640x128xf32, #tpu.memory_space<vmem_shared>>) target_semaphore(%arg12 : memref<!tpu.dma_semaphore, #tpu.memory_space<semaphore_mem>>)
      } else {
      }
      %dma_wait3A_74 = arith.constant 0 : i32
      %dma_wait3A_75 = tpu.memref_slice %arg10[%mul3A_2, %dma_wait3A_74] : memref<10008x128xf32, #tpu.memory_space<vmem_shared>> -> memref<640x128xf32, #tpu.memory_space<vmem_shared>>
      %dma_wait3A_76 = arith.constant 0 : i32
      %dma_wait3A_77 = arith.constant 0 : i32
      %dma_wait3A_78 = tpu.memref_slice %arg5[%dma_wait3A_76, %dma_wait3A_77] : memref<640x128xf32, #tpu.memory_space<hbm>> -> memref<640x128xf32, #tpu.memory_space<hbm>>
      tpu.wait_dma2 semaphore(%arg12 : memref<!tpu.dma_semaphore, #tpu.memory_space<semaphore_mem>>) src(%dma_wait3A_78 : memref<640x128xf32, #tpu.memory_space<hbm>>) dst(%dma_wait3A_75 : memref<640x128xf32, #tpu.memory_space<vmem_shared>>)
    } else {
    }
    %dma_wait3A = tpu.memref_slice %arg3[%multiple_of3A] : memref<322560xi32, #tpu.memory_space<hbm>> -> memref<10080xi32, #tpu.memory_space<hbm>>
    %dma_wait3A_14 = tpu.memref_slice %arg3[%multiple_of3A] : memref<322560xi32, #tpu.memory_space<hbm>> -> memref<10080xi32, #tpu.memory_space<hbm>>
    tpu.wait_dma2 semaphore(%arg11 : memref<!tpu.dma_semaphore, #tpu.memory_space<semaphore_mem>>) src(%dma_wait3A_14 : memref<10080xi32, #tpu.memory_space<hbm>>) dst(%arg7 : memref<10080xi32, #tpu.memory_space<vmem>>)
    %dma_wait3A_15 = tpu.memref_slice %arg4[%multiple_of3A] : memref<322560xi32, #tpu.memory_space<hbm>> -> memref<10080xi32, #tpu.memory_space<hbm>>
    %dma_wait3A_16 = tpu.memref_slice %arg4[%multiple_of3A] : memref<322560xi32, #tpu.memory_space<hbm>> -> memref<10080xi32, #tpu.memory_space<hbm>>
    tpu.wait_dma2 semaphore(%arg11 : memref<!tpu.dma_semaphore, #tpu.memory_space<semaphore_mem>>) src(%dma_wait3A_16 : memref<10080xi32, #tpu.memory_space<hbm>>) dst(%arg8 : memref<10080xi32, #tpu.memory_space<vmem>>)
    %barrier3A = arith.constant 0 : index
    tpu.barrier barrier_id(%barrier3A)
    %multiple_of3A_17 = arith.constant 0 : i32
    %multiple_of3A_18 = tpu.assume_multiple %multiple_of3A_17, 8 : i32
    %dma_start3A_19 = arith.constant 0 : i32
    %dma_start3A_20 = arith.constant 0 : i32
    %dma_start3A_21 = arith.constant 0 : i32
    %dma_start3A_22 = tpu.memref_slice %arg9[%dma_start3A_19, %dma_start3A_20, %dma_start3A_21] : memref<3x80x128xf32, #tpu.memory_space<vmem>> -> memref<1x80x128xf32, #tpu.memory_space<vmem>>
    %dma_start3A_23 = tpu.memref_squeeze %dma_start3A_22 : memref<1x80x128xf32, #tpu.memory_space<vmem>> -> memref<80x128xf32, #tpu.memory_space<vmem>>
    %dma_start3A_24 = tpu.memref_slice %arg7[%multiple_of3A_18] : memref<10080xi32, #tpu.memory_space<vmem>> -> memref<80xi32, #tpu.memory_space<vmem>>
    %dma_start3A_25 = arith.constant 0 : i32
    %dma_start3A_26 = arith.constant 0 : i32
    %dma_start3A_27 = tpu.memref_slice %arg2[%dma_start3A_25, %dma_start3A_26] : memref<10000x128xf32, #tpu.memory_space<hbm>> -> memref<10000x128xf32, #tpu.memory_space<hbm>>
    tpu.enqueue_indirect_dma source(%dma_start3A_27 : memref<10000x128xf32, #tpu.memory_space<hbm>>) target(%dma_start3A_23 : memref<80x128xf32, #tpu.memory_space<vmem>>) offsets(%dma_start3A_24 : memref<80xi32, #tpu.memory_space<vmem>>) semaphore(%arg11 : memref<!tpu.dma_semaphore, #tpu.memory_space<semaphore_mem>>)
    %multiple_of3A_28 = arith.constant 80 : i32
    %multiple_of3A_29 = tpu.assume_multiple %multiple_of3A_28, 8 : i32
    %dma_start3A_30 = arith.constant 1 : i32
    %dma_start3A_31 = arith.constant 0 : i32
    %dma_start3A_32 = arith.constant 0 : i32
    %dma_start3A_33 = tpu.memref_slice %arg9[%dma_start3A_30, %dma_start3A_31, %dma_start3A_32] : memref<3x80x128xf32, #tpu.memory_space<vmem>> -> memref<1x80x128xf32, #tpu.memory_space<vmem>>
    %dma_start3A_34 = tpu.memref_squeeze %dma_start3A_33 : memref<1x80x128xf32, #tpu.memory_space<vmem>> -> memref<80x128xf32, #tpu.memory_space<vmem>>
    %dma_start3A_35 = tpu.memref_slice %arg7[%multiple_of3A_29] : memref<10080xi32, #tpu.memory_space<vmem>> -> memref<80xi32, #tpu.memory_space<vmem>>
    %dma_start3A_36 = arith.constant 0 : i32
    %dma_start3A_37 = arith.constant 0 : i32
    %dma_start3A_38 = tpu.memref_slice %arg2[%dma_start3A_36, %dma_start3A_37] : memref<10000x128xf32, #tpu.memory_space<hbm>> -> memref<10000x128xf32, #tpu.memory_space<hbm>>
    tpu.enqueue_indirect_dma source(%dma_start3A_38 : memref<10000x128xf32, #tpu.memory_space<hbm>>) target(%dma_start3A_34 : memref<80x128xf32, #tpu.memory_space<vmem>>) offsets(%dma_start3A_35 : memref<80xi32, #tpu.memory_space<vmem>>) semaphore(%arg11 : memref<!tpu.dma_semaphore, #tpu.memory_space<semaphore_mem>>)
    %multiple_of3A_39 = arith.constant 160 : i32
    %multiple_of3A_40 = tpu.assume_multiple %multiple_of3A_39, 8 : i32
    %dma_start3A_41 = arith.constant 2 : i32
    %dma_start3A_42 = arith.constant 0 : i32
    %dma_start3A_43 = arith.constant 0 : i32
    %dma_start3A_44 = tpu.memref_slice %arg9[%dma_start3A_41, %dma_start3A_42, %dma_start3A_43] : memref<3x80x128xf32, #tpu.memory_space<vmem>> -> memref<1x80x128xf32, #tpu.memory_space<vmem>>
    %dma_start3A_45 = tpu.memref_squeeze %dma_start3A_44 : memref<1x80x128xf32, #tpu.memory_space<vmem>> -> memref<80x128xf32, #tpu.memory_space<vmem>>
    %dma_start3A_46 = tpu.memref_slice %arg7[%multiple_of3A_40] : memref<10080xi32, #tpu.memory_space<vmem>> -> memref<80xi32, #tpu.memory_space<vmem>>
    %dma_start3A_47 = arith.constant 0 : i32
    %dma_start3A_48 = arith.constant 0 : i32
    %dma_start3A_49 = tpu.memref_slice %arg2[%dma_start3A_47, %dma_start3A_48] : memref<10000x128xf32, #tpu.memory_space<hbm>> -> memref<10000x128xf32, #tpu.memory_space<hbm>>
    tpu.enqueue_indirect_dma source(%dma_start3A_49 : memref<10000x128xf32, #tpu.memory_space<hbm>>) target(%dma_start3A_45 : memref<80x128xf32, #tpu.memory_space<vmem>>) offsets(%dma_start3A_46 : memref<80xi32, #tpu.memory_space<vmem>>) semaphore(%arg11 : memref<!tpu.dma_semaphore, #tpu.memory_space<semaphore_mem>>)
    %scan3A = arith.constant 0 : i32
    %scan3A_50 = arith.constant 42 : i32
    %scan3A_51 = arith.addi %scan3A, %scan3A_50 : i32
    %scan3A_52 = arith.constant 1 : i32
    scf.for %scan3A_65 = %scan3A to %scan3A_51 step %scan3A_52  : i32 {
      %mul3A_66 = arith.constant 3 : i32
      %mul3A_67 = arith.muli %scan3A_65, %mul3A_66 : i32
      %add3A_68 = arith.constant 0 : i32
      %add3A_69 = arith.addi %add3A_68, %mul3A_67 : i32
      %add3A_70 = arith.constant 0 : i32
      %add3A_71 = arith.addi %add3A_69, %add3A_70 : i32
      %mul3A_72 = arith.constant 80 : i32
      %mul3A_73 = arith.muli %add3A_71, %mul3A_72 : i32
      %multiple_of3A_74 = tpu.assume_multiple %mul3A_73, 8 : i32
      %dma_wait3A_75 = arith.constant 0 : i32
      %dma_wait3A_76 = arith.constant 0 : i32
      %dma_wait3A_77 = arith.constant 0 : i32
      %dma_wait3A_78 = tpu.memref_slice %arg9[%dma_wait3A_75, %dma_wait3A_76, %dma_wait3A_77] : memref<3x80x128xf32, #tpu.memory_space<vmem>> -> memref<1x80x128xf32, #tpu.memory_space<vmem>>
      %dma_wait3A_79 = tpu.memref_squeeze %dma_wait3A_78 : memref<1x80x128xf32, #tpu.memory_space<vmem>> -> memref<80x128xf32, #tpu.memory_space<vmem>>
      %dma_wait3A_80 = tpu.memref_slice %arg7[%multiple_of3A_74] : memref<10080xi32, #tpu.memory_space<vmem>> -> memref<80xi32, #tpu.memory_space<vmem>>
      %dma_wait3A_81 = arith.constant 0 : i32
      %dma_wait3A_82 = arith.constant 0 : i32
      %dma_wait3A_83 = tpu.memref_slice %arg2[%dma_wait3A_81, %dma_wait3A_82] : memref<10000x128xf32, #tpu.memory_space<hbm>> -> memref<10000x128xf32, #tpu.memory_space<hbm>>
      tpu.wait_indirect_dma semaphore(%arg11 : memref<!tpu.dma_semaphore, #tpu.memory_space<semaphore_mem>>) src(%dma_wait3A_83 : memref<10000x128xf32, #tpu.memory_space<hbm>>) dst(%dma_wait3A_79 : memref<80x128xf32, #tpu.memory_space<vmem>>)
      %add3A_84 = arith.constant 0 : i32
      %add3A_85 = arith.addi %add3A_69, %add3A_84 : i32
      %mul3A_86 = arith.constant 80 : i32
      %mul3A_87 = arith.muli %add3A_85, %mul3A_86 : i32
      %multiple_of3A_88 = tpu.assume_multiple %mul3A_87, 8 : i32
      %dma_start3A_89 = arith.constant 0 : i32
      %dma_start3A_90 = arith.constant 0 : i32
      %dma_start3A_91 = arith.constant 0 : i32
      %dma_start3A_92 = tpu.memref_slice %arg9[%dma_start3A_89, %dma_start3A_90, %dma_start3A_91] : memref<3x80x128xf32, #tpu.memory_space<vmem>> -> memref<1x80x128xf32, #tpu.memory_space<vmem>>
      %dma_start3A_93 = tpu.memref_squeeze %dma_start3A_92 : memref<1x80x128xf32, #tpu.memory_space<vmem>> -> memref<80x128xf32, #tpu.memory_space<vmem>>
      %dma_start3A_94 = tpu.memref_slice %arg8[%multiple_of3A_88] : memref<10080xi32, #tpu.memory_space<vmem>> -> memref<80xi32, #tpu.memory_space<vmem>>
      %dma_start3A_95 = arith.constant 0 : i32
      %dma_start3A_96 = arith.constant 0 : i32
      %dma_start3A_97 = tpu.memref_slice %arg10[%dma_start3A_95, %dma_start3A_96] : memref<10008x128xf32, #tpu.memory_space<vmem_shared>> -> memref<10008x128xf32, #tpu.memory_space<vmem_shared>>
      tpu.enqueue_indirect_dma source(%dma_start3A_93 : memref<80x128xf32, #tpu.memory_space<vmem>>) target(%dma_start3A_97 : memref<10008x128xf32, #tpu.memory_space<vmem_shared>>) offsets(%dma_start3A_94 : memref<80xi32, #tpu.memory_space<vmem>>) semaphore(%arg12 : memref<!tpu.dma_semaphore, #tpu.memory_space<semaphore_mem>>) {add = true}
      %add3A_98 = arith.constant 1 : i32
      %add3A_99 = arith.addi %add3A_69, %add3A_98 : i32
      %mul3A_100 = arith.constant 80 : i32
      %mul3A_101 = arith.muli %add3A_99, %mul3A_100 : i32
      %multiple_of3A_102 = tpu.assume_multiple %mul3A_101, 8 : i32
      %dma_wait3A_103 = arith.constant 1 : i32
      %dma_wait3A_104 = arith.constant 0 : i32
      %dma_wait3A_105 = arith.constant 0 : i32
      %dma_wait3A_106 = tpu.memref_slice %arg9[%dma_wait3A_103, %dma_wait3A_104, %dma_wait3A_105] : memref<3x80x128xf32, #tpu.memory_space<vmem>> -> memref<1x80x128xf32, #tpu.memory_space<vmem>>
      %dma_wait3A_107 = tpu.memref_squeeze %dma_wait3A_106 : memref<1x80x128xf32, #tpu.memory_space<vmem>> -> memref<80x128xf32, #tpu.memory_space<vmem>>
      %dma_wait3A_108 = tpu.memref_slice %arg7[%multiple_of3A_102] : memref<10080xi32, #tpu.memory_space<vmem>> -> memref<80xi32, #tpu.memory_space<vmem>>
      %dma_wait3A_109 = arith.constant 0 : i32
      %dma_wait3A_110 = arith.constant 0 : i32
      %dma_wait3A_111 = tpu.memref_slice %arg2[%dma_wait3A_109, %dma_wait3A_110] : memref<10000x128xf32, #tpu.memory_space<hbm>> -> memref<10000x128xf32, #tpu.memory_space<hbm>>
      tpu.wait_indirect_dma semaphore(%arg11 : memref<!tpu.dma_semaphore, #tpu.memory_space<semaphore_mem>>) src(%dma_wait3A_111 : memref<10000x128xf32, #tpu.memory_space<hbm>>) dst(%dma_wait3A_107 : memref<80x128xf32, #tpu.memory_space<vmem>>)
      %add3A_112 = arith.constant 1 : i32
      %add3A_113 = arith.addi %add3A_69, %add3A_112 : i32
      %mul3A_114 = arith.constant 80 : i32
      %mul3A_115 = arith.muli %add3A_113, %mul3A_114 : i32
      %multiple_of3A_116 = tpu.assume_multiple %mul3A_115, 8 : i32
      %dma_start3A_117 = arith.constant 1 : i32
      %dma_start3A_118 = arith.constant 0 : i32
      %dma_start3A_119 = arith.constant 0 : i32
      %dma_start3A_120 = tpu.memref_slice %arg9[%dma_start3A_117, %dma_start3A_118, %dma_start3A_119] : memref<3x80x128xf32, #tpu.memory_space<vmem>> -> memref<1x80x128xf32, #tpu.memory_space<vmem>>
      %dma_start3A_121 = tpu.memref_squeeze %dma_start3A_120 : memref<1x80x128xf32, #tpu.memory_space<vmem>> -> memref<80x128xf32, #tpu.memory_space<vmem>>
      %dma_start3A_122 = tpu.memref_slice %arg8[%multiple_of3A_116] : memref<10080xi32, #tpu.memory_space<vmem>> -> memref<80xi32, #tpu.memory_space<vmem>>
      %dma_start3A_123 = arith.constant 0 : i32
      %dma_start3A_124 = arith.constant 0 : i32
      %dma_start3A_125 = tpu.memref_slice %arg10[%dma_start3A_123, %dma_start3A_124] : memref<10008x128xf32, #tpu.memory_space<vmem_shared>> -> memref<10008x128xf32, #tpu.memory_space<vmem_shared>>
      tpu.enqueue_indirect_dma source(%dma_start3A_121 : memref<80x128xf32, #tpu.memory_space<vmem>>) target(%dma_start3A_125 : memref<10008x128xf32, #tpu.memory_space<vmem_shared>>) offsets(%dma_start3A_122 : memref<80xi32, #tpu.memory_space<vmem>>) semaphore(%arg12 : memref<!tpu.dma_semaphore, #tpu.memory_space<semaphore_mem>>) {add = true}
      %add3A_126 = arith.constant 2 : i32
      %add3A_127 = arith.addi %add3A_69, %add3A_126 : i32
      %mul3A_128 = arith.constant 80 : i32
      %mul3A_129 = arith.muli %add3A_127, %mul3A_128 : i32
      %multiple_of3A_130 = tpu.assume_multiple %mul3A_129, 8 : i32
      %dma_wait3A_131 = arith.constant 2 : i32
      %dma_wait3A_132 = arith.constant 0 : i32
      %dma_wait3A_133 = arith.constant 0 : i32
      %dma_wait3A_134 = tpu.memref_slice %arg9[%dma_wait3A_131, %dma_wait3A_132, %dma_wait3A_133] : memref<3x80x128xf32, #tpu.memory_space<vmem>> -> memref<1x80x128xf32, #tpu.memory_space<vmem>>
      %dma_wait3A_135 = tpu.memref_squeeze %dma_wait3A_134 : memref<1x80x128xf32, #tpu.memory_space<vmem>> -> memref<80x128xf32, #tpu.memory_space<vmem>>
      %dma_wait3A_136 = tpu.memref_slice %arg7[%multiple_of3A_130] : memref<10080xi32, #tpu.memory_space<vmem>> -> memref<80xi32, #tpu.memory_space<vmem>>
      %dma_wait3A_137 = arith.constant 0 : i32
      %dma_wait3A_138 = arith.constant 0 : i32
      %dma_wait3A_139 = tpu.memref_slice %arg2[%dma_wait3A_137, %dma_wait3A_138] : memref<10000x128xf32, #tpu.memory_space<hbm>> -> memref<10000x128xf32, #tpu.memory_space<hbm>>
      tpu.wait_indirect_dma semaphore(%arg11 : memref<!tpu.dma_semaphore, #tpu.memory_space<semaphore_mem>>) src(%dma_wait3A_139 : memref<10000x128xf32, #tpu.memory_space<hbm>>) dst(%dma_wait3A_135 : memref<80x128xf32, #tpu.memory_space<vmem>>)
      %add3A_140 = arith.constant 2 : i32
      %add3A_141 = arith.addi %add3A_69, %add3A_140 : i32
      %mul3A_142 = arith.constant 80 : i32
      %mul3A_143 = arith.muli %add3A_141, %mul3A_142 : i32
      %multiple_of3A_144 = tpu.assume_multiple %mul3A_143, 8 : i32
      %dma_start3A_145 = arith.constant 2 : i32
      %dma_start3A_146 = arith.constant 0 : i32
      %dma_start3A_147 = arith.constant 0 : i32
      %dma_start3A_148 = tpu.memref_slice %arg9[%dma_start3A_145, %dma_start3A_146, %dma_start3A_147] : memref<3x80x128xf32, #tpu.memory_space<vmem>> -> memref<1x80x128xf32, #tpu.memory_space<vmem>>
      %dma_start3A_149 = tpu.memref_squeeze %dma_start3A_148 : memref<1x80x128xf32, #tpu.memory_space<vmem>> -> memref<80x128xf32, #tpu.memory_space<vmem>>
      %dma_start3A_150 = tpu.memref_slice %arg8[%multiple_of3A_144] : memref<10080xi32, #tpu.memory_space<vmem>> -> memref<80xi32, #tpu.memory_space<vmem>>
      %dma_start3A_151 = arith.constant 0 : i32
      %dma_start3A_152 = arith.constant 0 : i32
      %dma_start3A_153 = tpu.memref_slice %arg10[%dma_start3A_151, %dma_start3A_152] : memref<10008x128xf32, #tpu.memory_space<vmem_shared>> -> memref<10008x128xf32, #tpu.memory_space<vmem_shared>>
      tpu.enqueue_indirect_dma source(%dma_start3A_149 : memref<80x128xf32, #tpu.memory_space<vmem>>) target(%dma_start3A_153 : memref<10008x128xf32, #tpu.memory_space<vmem_shared>>) offsets(%dma_start3A_150 : memref<80xi32, #tpu.memory_space<vmem>>) semaphore(%arg12 : memref<!tpu.dma_semaphore, #tpu.memory_space<semaphore_mem>>) {add = true}
      %add3A_154 = arith.constant 0 : i32
      %add3A_155 = arith.addi %add3A_69, %add3A_154 : i32
      %mul3A_156 = arith.constant 80 : i32
      %mul3A_157 = arith.muli %add3A_155, %mul3A_156 : i32
      %multiple_of3A_158 = tpu.assume_multiple %mul3A_157, 8 : i32
      %dma_wait3A_159 = arith.constant 0 : i32
      %dma_wait3A_160 = arith.constant 0 : i32
      %dma_wait3A_161 = arith.constant 0 : i32
      %dma_wait3A_162 = tpu.memref_slice %arg9[%dma_wait3A_159, %dma_wait3A_160, %dma_wait3A_161] : memref<3x80x128xf32, #tpu.memory_space<vmem>> -> memref<1x80x128xf32, #tpu.memory_space<vmem>>
      %dma_wait3A_163 = tpu.memref_squeeze %dma_wait3A_162 : memref<1x80x128xf32, #tpu.memory_space<vmem>> -> memref<80x128xf32, #tpu.memory_space<vmem>>
      %dma_wait3A_164 = tpu.memref_slice %arg8[%multiple_of3A_158] : memref<10080xi32, #tpu.memory_space<vmem>> -> memref<80xi32, #tpu.memory_space<vmem>>
      %dma_wait3A_165 = arith.constant 0 : i32
      %dma_wait3A_166 = arith.constant 0 : i32
      %dma_wait3A_167 = tpu.memref_slice %arg10[%dma_wait3A_165, %dma_wait3A_166] : memref<10008x128xf32, #tpu.memory_space<vmem_shared>> -> memref<10008x128xf32, #tpu.memory_space<vmem_shared>>
      tpu.wait_indirect_dma semaphore(%arg12 : memref<!tpu.dma_semaphore, #tpu.memory_space<semaphore_mem>>) src(%dma_wait3A_163 : memref<80x128xf32, #tpu.memory_space<vmem>>) dst(%dma_wait3A_167 : memref<10008x128xf32, #tpu.memory_space<vmem_shared>>)
      %add3A_168 = arith.constant 0 : i32
      %add3A_169 = arith.addi %add3A_69, %add3A_168 : i32
      %add3A_170 = arith.constant 3 : i32
      %add3A_171 = arith.addi %add3A_169, %add3A_170 : i32
      %lt3A_172 = arith.constant 126 : i32
      %lt3A_173 = arith.cmpi slt, %add3A_171, %lt3A_172 : i32
      %convert_element_type3A_174 = arith.extui %lt3A_173 : i1 to i32
      %cond3A_175 = arith.constant 0 : i32
      %cond3A_176 = arith.cmpi ne, %convert_element_type3A_174, %cond3A_175 : i32
      scf.if %cond3A_176 {
        %add3A_223 = arith.constant 0 : i32
        %add3A_224 = arith.addi %add3A_69, %add3A_223 : i32
        %add3A_225 = arith.constant 3 : i32
        %add3A_226 = arith.addi %add3A_224, %add3A_225 : i32
        %mul3A_227 = arith.constant 80 : i32
        %mul3A_228 = arith.muli %add3A_226, %mul3A_227 : i32
        %multiple_of3A_229 = tpu.assume_multiple %mul3A_228, 8 : i32
        %dma_start3A_230 = arith.constant 0 : i32
        %dma_start3A_231 = arith.constant 0 : i32
        %dma_start3A_232 = arith.constant 0 : i32
        %dma_start3A_233 = tpu.memref_slice %arg9[%dma_start3A_230, %dma_start3A_231, %dma_start3A_232] : memref<3x80x128xf32, #tpu.memory_space<vmem>> -> memref<1x80x128xf32, #tpu.memory_space<vmem>>
        %dma_start3A_234 = tpu.memref_squeeze %dma_start3A_233 : memref<1x80x128xf32, #tpu.memory_space<vmem>> -> memref<80x128xf32, #tpu.memory_space<vmem>>
        %dma_start3A_235 = tpu.memref_slice %arg7[%multiple_of3A_229] : memref<10080xi32, #tpu.memory_space<vmem>> -> memref<80xi32, #tpu.memory_space<vmem>>
        %dma_start3A_236 = arith.constant 0 : i32
        %dma_start3A_237 = arith.constant 0 : i32
        %dma_start3A_238 = tpu.memref_slice %arg2[%dma_start3A_236, %dma_start3A_237] : memref<10000x128xf32, #tpu.memory_space<hbm>> -> memref<10000x128xf32, #tpu.memory_space<hbm>>
        tpu.enqueue_indirect_dma source(%dma_start3A_238 : memref<10000x128xf32, #tpu.memory_space<hbm>>) target(%dma_start3A_234 : memref<80x128xf32, #tpu.memory_space<vmem>>) offsets(%dma_start3A_235 : memref<80xi32, #tpu.memory_space<vmem>>) semaphore(%arg11 : memref<!tpu.dma_semaphore, #tpu.memory_space<semaphore_mem>>)
      } else {
      }
      %add3A_177 = arith.constant 1 : i32
      %add3A_178 = arith.addi %add3A_69, %add3A_177 : i32
      %mul3A_179 = arith.constant 80 : i32
      %mul3A_180 = arith.muli %add3A_178, %mul3A_179 : i32
      %multiple_of3A_181 = tpu.assume_multiple %mul3A_180, 8 : i32
      %dma_wait3A_182 = arith.constant 1 : i32
      %dma_wait3A_183 = arith.constant 0 : i32
      %dma_wait3A_184 = arith.constant 0 : i32
      %dma_wait3A_185 = tpu.memref_slice %arg9[%dma_wait3A_182, %dma_wait3A_183, %dma_wait3A_184] : memref<3x80x128xf32, #tpu.memory_space<vmem>> -> memref<1x80x128xf32, #tpu.memory_space<vmem>>
      %dma_wait3A_186 = tpu.memref_squeeze %dma_wait3A_185 : memref<1x80x128xf32, #tpu.memory_space<vmem>> -> memref<80x128xf32, #tpu.memory_space<vmem>>
      %dma_wait3A_187 = tpu.memref_slice %arg8[%multiple_of3A_181] : memref<10080xi32, #tpu.memory_space<vmem>> -> memref<80xi32, #tpu.memory_space<vmem>>
      %dma_wait3A_188 = arith.constant 0 : i32
      %dma_wait3A_189 = arith.constant 0 : i32
      %dma_wait3A_190 = tpu.memref_slice %arg10[%dma_wait3A_188, %dma_wait3A_189] : memref<10008x128xf32, #tpu.memory_space<vmem_shared>> -> memref<10008x128xf32, #tpu.memory_space<vmem_shared>>
      tpu.wait_indirect_dma semaphore(%arg12 : memref<!tpu.dma_semaphore, #tpu.memory_space<semaphore_mem>>) src(%dma_wait3A_186 : memref<80x128xf32, #tpu.memory_space<vmem>>) dst(%dma_wait3A_190 : memref<10008x128xf32, #tpu.memory_space<vmem_shared>>)
      %add3A_191 = arith.constant 1 : i32
      %add3A_192 = arith.addi %add3A_69, %add3A_191 : i32
      %add3A_193 = arith.constant 3 : i32
      %add3A_194 = arith.addi %add3A_192, %add3A_193 : i32
      %lt3A_195 = arith.constant 126 : i32
      %lt3A_196 = arith.cmpi slt, %add3A_194, %lt3A_195 : i32
      %convert_element_type3A_197 = arith.extui %lt3A_196 : i1 to i32
      %cond3A_198 = arith.constant 0 : i32
      %cond3A_199 = arith.cmpi ne, %convert_element_type3A_197, %cond3A_198 : i32
      scf.if %cond3A_199 {
        %add3A_223 = arith.constant 1 : i32
        %add3A_224 = arith.addi %add3A_69, %add3A_223 : i32
        %add3A_225 = arith.constant 3 : i32
        %add3A_226 = arith.addi %add3A_224, %add3A_225 : i32
        %mul3A_227 = arith.constant 80 : i32
        %mul3A_228 = arith.muli %add3A_226, %mul3A_227 : i32
        %multiple_of3A_229 = tpu.assume_multiple %mul3A_228, 8 : i32
        %dma_start3A_230 = arith.constant 1 : i32
        %dma_start3A_231 = arith.constant 0 : i32
        %dma_start3A_232 = arith.constant 0 : i32
        %dma_start3A_233 = tpu.memref_slice %arg9[%dma_start3A_230, %dma_start3A_231, %dma_start3A_232] : memref<3x80x128xf32, #tpu.memory_space<vmem>> -> memref<1x80x128xf32, #tpu.memory_space<vmem>>
        %dma_start3A_234 = tpu.memref_squeeze %dma_start3A_233 : memref<1x80x128xf32, #tpu.memory_space<vmem>> -> memref<80x128xf32, #tpu.memory_space<vmem>>
        %dma_start3A_235 = tpu.memref_slice %arg7[%multiple_of3A_229] : memref<10080xi32, #tpu.memory_space<vmem>> -> memref<80xi32, #tpu.memory_space<vmem>>
        %dma_start3A_236 = arith.constant 0 : i32
        %dma_start3A_237 = arith.constant 0 : i32
        %dma_start3A_238 = tpu.memref_slice %arg2[%dma_start3A_236, %dma_start3A_237] : memref<10000x128xf32, #tpu.memory_space<hbm>> -> memref<10000x128xf32, #tpu.memory_space<hbm>>
        tpu.enqueue_indirect_dma source(%dma_start3A_238 : memref<10000x128xf32, #tpu.memory_space<hbm>>) target(%dma_start3A_234 : memref<80x128xf32, #tpu.memory_space<vmem>>) offsets(%dma_start3A_235 : memref<80xi32, #tpu.memory_space<vmem>>) semaphore(%arg11 : memref<!tpu.dma_semaphore, #tpu.memory_space<semaphore_mem>>)
      } else {
      }
      %add3A_200 = arith.constant 2 : i32
      %add3A_201 = arith.addi %add3A_69, %add3A_200 : i32
      %mul3A_202 = arith.constant 80 : i32
      %mul3A_203 = arith.muli %add3A_201, %mul3A_202 : i32
      %multiple_of3A_204 = tpu.assume_multiple %mul3A_203, 8 : i32
      %dma_wait3A_205 = arith.constant 2 : i32
      %dma_wait3A_206 = arith.constant 0 : i32
      %dma_wait3A_207 = arith.constant 0 : i32
      %dma_wait3A_208 = tpu.memref_slice %arg9[%dma_wait3A_205, %dma_wait3A_206, %dma_wait3A_207] : memref<3x80x128xf32, #tpu.memory_space<vmem>> -> memref<1x80x128xf32, #tpu.memory_space<vmem>>
      %dma_wait3A_209 = tpu.memref_squeeze %dma_wait3A_208 : memref<1x80x128xf32, #tpu.memory_space<vmem>> -> memref<80x128xf32, #tpu.memory_space<vmem>>
      %dma_wait3A_210 = tpu.memref_slice %arg8[%multiple_of3A_204] : memref<10080xi32, #tpu.memory_space<vmem>> -> memref<80xi32, #tpu.memory_space<vmem>>
      %dma_wait3A_211 = arith.constant 0 : i32
      %dma_wait3A_212 = arith.constant 0 : i32
      %dma_wait3A_213 = tpu.memref_slice %arg10[%dma_wait3A_211, %dma_wait3A_212] : memref<10008x128xf32, #tpu.memory_space<vmem_shared>> -> memref<10008x128xf32, #tpu.memory_space<vmem_shared>>
      tpu.wait_indirect_dma semaphore(%arg12 : memref<!tpu.dma_semaphore, #tpu.memory_space<semaphore_mem>>) src(%dma_wait3A_209 : memref<80x128xf32, #tpu.memory_space<vmem>>) dst(%dma_wait3A_213 : memref<10008x128xf32, #tpu.memory_space<vmem_shared>>)
      %add3A_214 = arith.constant 2 : i32
      %add3A_215 = arith.addi %add3A_69, %add3A_214 : i32
      %add3A_216 = arith.constant 3 : i32
      %add3A_217 = arith.addi %add3A_215, %add3A_216 : i32
      %lt3A_218 = arith.constant 126 : i32
      %lt3A_219 = arith.cmpi slt, %add3A_217, %lt3A_218 : i32
      %convert_element_type3A_220 = arith.extui %lt3A_219 : i1 to i32
      %cond3A_221 = arith.constant 0 : i32
      %cond3A_222 = arith.cmpi ne, %convert_element_type3A_220, %cond3A_221 : i32
      scf.if %cond3A_222 {
        %add3A_223 = arith.constant 2 : i32
        %add3A_224 = arith.addi %add3A_69, %add3A_223 : i32
        %add3A_225 = arith.constant 3 : i32
        %add3A_226 = arith.addi %add3A_224, %add3A_225 : i32
        %mul3A_227 = arith.constant 80 : i32
        %mul3A_228 = arith.muli %add3A_226, %mul3A_227 : i32
        %multiple_of3A_229 = tpu.assume_multiple %mul3A_228, 8 : i32
        %dma_start3A_230 = arith.constant 2 : i32
        %dma_start3A_231 = arith.constant 0 : i32
        %dma_start3A_232 = arith.constant 0 : i32
        %dma_start3A_233 = tpu.memref_slice %arg9[%dma_start3A_230, %dma_start3A_231, %dma_start3A_232] : memref<3x80x128xf32, #tpu.memory_space<vmem>> -> memref<1x80x128xf32, #tpu.memory_space<vmem>>
        %dma_start3A_234 = tpu.memref_squeeze %dma_start3A_233 : memref<1x80x128xf32, #tpu.memory_space<vmem>> -> memref<80x128xf32, #tpu.memory_space<vmem>>
        %dma_start3A_235 = tpu.memref_slice %arg7[%multiple_of3A_229] : memref<10080xi32, #tpu.memory_space<vmem>> -> memref<80xi32, #tpu.memory_space<vmem>>
        %dma_start3A_236 = arith.constant 0 : i32
        %dma_start3A_237 = arith.constant 0 : i32
        %dma_start3A_238 = tpu.memref_slice %arg2[%dma_start3A_236, %dma_start3A_237] : memref<10000x128xf32, #tpu.memory_space<hbm>> -> memref<10000x128xf32, #tpu.memory_space<hbm>>
        tpu.enqueue_indirect_dma source(%dma_start3A_238 : memref<10000x128xf32, #tpu.memory_space<hbm>>) target(%dma_start3A_234 : memref<80x128xf32, #tpu.memory_space<vmem>>) offsets(%dma_start3A_235 : memref<80xi32, #tpu.memory_space<vmem>>) semaphore(%arg11 : memref<!tpu.dma_semaphore, #tpu.memory_space<semaphore_mem>>)
      } else {
      }
    }
    %scan3A_53 = arith.constant 42 : i32
    %barrier3A_54 = arith.constant 0 : index
    tpu.barrier barrier_id(%barrier3A_54)
    %lt3A_55 = arith.constant 15 : i32
    %lt3A_56 = arith.cmpi slt, %arg1, %lt3A_55 : i32
    %convert_element_type3A_57 = arith.extui %lt3A_56 : i1 to i32
    %cond3A_58 = arith.constant 0 : i32
    %cond3A_59 = arith.cmpi ne, %convert_element_type3A_57, %cond3A_58 : i32
    scf.if %cond3A_59 {
      "tpu.region"() ({
        %run_scoped3A = tpu.sem_alloc : memref<!tpu.dma_semaphore, #tpu.memory_space<semaphore_mem>>
        %dma_start3A_65 = arith.constant 0 : i32
        %dma_start3A_66 = tpu.memref_slice %arg6[%arg0, %mul3A_2, %dma_start3A_65] : memref<2x10000x128xf32, #tpu.memory_space<hbm>> -> memref<1x624x128xf32, #tpu.memory_space<hbm>>
        %dma_start3A_67 = tpu.memref_squeeze %dma_start3A_66 : memref<1x624x128xf32, #tpu.memory_space<hbm>> -> memref<624x128xf32, #tpu.memory_space<hbm>>
        %dma_start3A_68 = arith.constant 0 : i32
        %dma_start3A_69 = tpu.memref_slice %arg10[%mul3A_2, %dma_start3A_68] : memref<10008x128xf32, #tpu.memory_space<vmem_shared>> -> memref<624x128xf32, #tpu.memory_space<vmem_shared>>
        tpu.enqueue_dma source(%dma_start3A_69 : memref<624x128xf32, #tpu.memory_space<vmem_shared>>) target(%dma_start3A_67 : memref<624x128xf32, #tpu.memory_space<hbm>>) target_semaphore(%run_scoped3A : memref<!tpu.dma_semaphore, #tpu.memory_space<semaphore_mem>>)
        %dma_wait3A_70 = arith.constant 0 : i32
        %dma_wait3A_71 = tpu.memref_slice %arg6[%arg0, %mul3A_2, %dma_wait3A_70] : memref<2x10000x128xf32, #tpu.memory_space<hbm>> -> memref<1x624x128xf32, #tpu.memory_space<hbm>>
        %dma_wait3A_72 = tpu.memref_squeeze %dma_wait3A_71 : memref<1x624x128xf32, #tpu.memory_space<hbm>> -> memref<624x128xf32, #tpu.memory_space<hbm>>
        %dma_wait3A_73 = arith.constant 0 : i32
        %dma_wait3A_74 = tpu.memref_slice %arg10[%mul3A_2, %dma_wait3A_73] : memref<10008x128xf32, #tpu.memory_space<vmem_shared>> -> memref<624x128xf32, #tpu.memory_space<vmem_shared>>
        tpu.wait_dma2 semaphore(%run_scoped3A : memref<!tpu.dma_semaphore, #tpu.memory_space<semaphore_mem>>) src(%dma_wait3A_74 : memref<624x128xf32, #tpu.memory_space<vmem_shared>>) dst(%dma_wait3A_72 : memref<624x128xf32, #tpu.memory_space<hbm>>)
        tpu.yield
      }) : () -> ()
    } else {
    }
    %eq3A_60 = arith.constant 15 : i32
    %eq3A_61 = arith.cmpi eq, %arg1, %eq3A_60 : i32
    %convert_element_type3A_62 = arith.extui %eq3A_61 : i1 to i32
    %cond3A_63 = arith.constant 0 : i32
    %cond3A_64 = arith.cmpi ne, %convert_element_type3A_62, %cond3A_63 : i32
    scf.if %cond3A_64 {
      "tpu.region"() ({
        %run_scoped3A = tpu.sem_alloc : memref<!tpu.dma_semaphore, #tpu.memory_space<semaphore_mem>>
        %dma_start3A_65 = arith.constant 0 : i32
        %dma_start3A_66 = tpu.memref_slice %arg6[%arg0, %mul3A_2, %dma_start3A_65] : memref<2x10000x128xf32, #tpu.memory_space<hbm>> -> memref<1x640x128xf32, #tpu.memory_space<hbm>>
        %dma_start3A_67 = tpu.memref_squeeze %dma_start3A_66 : memref<1x640x128xf32, #tpu.memory_space<hbm>> -> memref<640x128xf32, #tpu.memory_space<hbm>>
        %dma_start3A_68 = arith.constant 0 : i32
        %dma_start3A_69 = tpu.memref_slice %arg10[%mul3A_2, %dma_start3A_68] : memref<10008x128xf32, #tpu.memory_space<vmem_shared>> -> memref<640x128xf32, #tpu.memory_space<vmem_shared>>
        tpu.enqueue_dma source(%dma_start3A_69 : memref<640x128xf32, #tpu.memory_space<vmem_shared>>) target(%dma_start3A_67 : memref<640x128xf32, #tpu.memory_space<hbm>>) target_semaphore(%run_scoped3A : memref<!tpu.dma_semaphore, #tpu.memory_space<semaphore_mem>>)
        %dma_wait3A_70 = arith.constant 0 : i32
        %dma_wait3A_71 = tpu.memref_slice %arg6[%arg0, %mul3A_2, %dma_wait3A_70] : memref<2x10000x128xf32, #tpu.memory_space<hbm>> -> memref<1x640x128xf32, #tpu.memory_space<hbm>>
        %dma_wait3A_72 = tpu.memref_squeeze %dma_wait3A_71 : memref<1x640x128xf32, #tpu.memory_space<hbm>> -> memref<640x128xf32, #tpu.memory_space<hbm>>
        %dma_wait3A_73 = arith.constant 0 : i32
        %dma_wait3A_74 = tpu.memref_slice %arg10[%mul3A_2, %dma_wait3A_73] : memref<10008x128xf32, #tpu.memory_space<vmem_shared>> -> memref<640x128xf32, #tpu.memory_space<vmem_shared>>
        tpu.wait_dma2 semaphore(%run_scoped3A : memref<!tpu.dma_semaphore, #tpu.memory_space<semaphore_mem>>) src(%dma_wait3A_74 : memref<640x128xf32, #tpu.memory_space<vmem_shared>>) dst(%dma_wait3A_72 : memref<640x128xf32, #tpu.memory_space<hbm>>)
        tpu.yield
      }) : () -> ()
    } else {
    }
    return
  }
}

module attributes {stable_mosaic.version = 14 : i64} {
  func.func @body(%arg0: i32, %arg1: memref<1x1000x128xf32, #tpu.memory_space<vmem>>, %arg2: memref<1x1000x128xf32, #tpu.memory_space<vmem>>, %arg3: memref<128x256xf32, #tpu.memory_space<vmem>>, %arg4: memref<256x128xf32, #tpu.memory_space<vmem>>, %arg5: memref<1000x128xf32, #tpu.memory_space<vmem>>) attributes {dimension_semantics = [#tpu.dimension_semantics<arbitrary>], iteration_bounds = array<i64: 10>, scalar_prefetch = 0 : i64, scratch_operands = 0 : i64, tpu.core_type = #tpu.core_type<tc>, window_params = [{transform_indices = @transform_0, window_bounds = array<i64: 1, 1000, 128>}, {transform_indices = @transform_1, window_bounds = array<i64: 1, 1000, 128>}, {pipeline_mode = #tpu.pipeline_mode<synchronous>, transform_indices = @transform_2, window_bounds = array<i64: 128, 256>}, {pipeline_mode = #tpu.pipeline_mode<synchronous>, transform_indices = @transform_3, window_bounds = array<i64: 256, 128>}, {transform_indices = @transform_4, window_bounds = array<i64: 1000, 128>}]} {
    %get3A = arith.constant 0 : index
    %get3A_0 = arith.constant 0 : index
    %get3A_1 = arith.constant 0 : index
    %get3A_2 = vector.load %arg1[%get3A, %get3A_0, %get3A_1] : memref<1x1000x128xf32, #tpu.memory_space<vmem>>, vector<1x1000x128xf32>
    %get3A_3 = vector.shape_cast %get3A_2 : vector<1x1000x128xf32> to vector<1000x128xf32>
    %get3A_4 = arith.constant 0 : index
    %get3A_5 = arith.constant 0 : index
    %get3A_6 = arith.constant 0 : index
    %get3A_7 = vector.load %arg2[%get3A_4, %get3A_5, %get3A_6] : memref<1x1000x128xf32, #tpu.memory_space<vmem>>, vector<1x1000x128xf32>
    %get3A_8 = vector.shape_cast %get3A_7 : vector<1x1000x128xf32> to vector<1000x128xf32>
    %add3A = arith.addf %get3A_3, %get3A_8 : vector<1000x128xf32>
    %get3A_9 = arith.constant 0 : index
    %get3A_10 = arith.constant 0 : index
    %get3A_11 = vector.load %arg3[%get3A_9, %get3A_10] : memref<128x256xf32, #tpu.memory_space<vmem>>, vector<128x256xf32>
    %dot_general3A = arith.constant dense<0.000000e+00> : vector<1000x256xf32>
    %dot_general3A_12 = tpu.matmul %add3A, %get3A_11, %dot_general3A {dimension_numbers = #tpu.dot_dimension_numbers<[1], [0], [0], [1], [0, 0, 1, 1], [], []>, transpose_lhs_hint = false} : vector<1000x128xf32>, vector<128x256xf32>, vector<1000x256xf32> -> vector<1000x256xf32>
    %max3A = arith.constant 0.000000e+00 : f32
    %max3A_13 = vector.broadcast %max3A : f32 to vector<1000x256xf32>
    %max3A_14 = arith.maximumf %dot_general3A_12, %max3A_13 : vector<1000x256xf32>
    %get3A_15 = arith.constant 0 : index
    %get3A_16 = arith.constant 0 : index
    %get3A_17 = vector.load %arg4[%get3A_15, %get3A_16] : memref<256x128xf32, #tpu.memory_space<vmem>>, vector<256x128xf32>
    %dot_general3A_18 = arith.constant dense<0.000000e+00> : vector<1000x128xf32>
    %dot_general3A_19 = tpu.matmul %max3A_14, %get3A_17, %dot_general3A_18 {dimension_numbers = #tpu.dot_dimension_numbers<[1], [0], [0], [1], [0, 0, 1, 1], [], []>, transpose_lhs_hint = false} : vector<1000x256xf32>, vector<256x128xf32>, vector<1000x128xf32> -> vector<1000x128xf32>
    %max3A_20 = arith.constant 0.000000e+00 : f32
    %max3A_21 = vector.broadcast %max3A_20 : f32 to vector<1000x128xf32>
    %max3A_22 = arith.maximumf %dot_general3A_19, %max3A_21 : vector<1000x128xf32>
    %swap3A = arith.constant 0 : index
    %swap3A_23 = arith.constant 0 : index
    %swap3A_24 = vector.load %arg5[%swap3A, %swap3A_23] : memref<1000x128xf32, #tpu.memory_space<vmem>>, vector<1000x128xf32>
    tpu.vector_store %arg5[%swap3A, %swap3A_23], %max3A_22 {strides = array<i32>} : memref<1000x128xf32, #tpu.memory_space<vmem>>, vector<1000x128xf32>,
    return
  }
  func.func @transform_0(%arg0: i32) -> (i32, i32, i32) {
    %c0_i32 = arith.constant 0 : i32
    %c0_i32_0 = arith.constant 0 : i32
    %c0_i32_1 = arith.constant 0 : i32
    return %c0_i32, %arg0, %c0_i32_0 : i32, i32, i32
  }
  func.func @transform_1(%arg0: i32) -> (i32, i32, i32) {
    %c1_i32 = arith.constant 1 : i32
    %c0_i32 = arith.constant 0 : i32
    %c0_i32_0 = arith.constant 0 : i32
    return %c1_i32, %arg0, %c0_i32 : i32, i32, i32
  }
  func.func @transform_2(%arg0: i32) -> (i32, i32) {
    %c0_i32 = arith.constant 0 : i32
    %c0_i32_0 = arith.constant 0 : i32
    %c0_i32_1 = arith.constant 0 : i32
    return %c0_i32, %c0_i32_0 : i32, i32
  }
  func.func @transform_3(%arg0: i32) -> (i32, i32) {
    %c0_i32 = arith.constant 0 : i32
    %c0_i32_0 = arith.constant 0 : i32
    %c0_i32_1 = arith.constant 0 : i32
    return %c0_i32, %c0_i32_0 : i32, i32
  }
  func.func @transform_4(%arg0: i32) -> (i32, i32) {
    %c0_i32 = arith.constant 0 : i32
    %c0_i32_0 = arith.constant 0 : i32
    return %arg0, %c0_i32 : i32, i32
  }
}

module attributes {stable_mosaic.version = 14 : i64} {
  func.func @body(%arg0: i32, %arg1: memref<1x1000x128xf32, #tpu.memory_space<vmem>>, %arg2: memref<1x1000x128xf32, #tpu.memory_space<vmem>>, %arg3: memref<1000x1xi32, #tpu.memory_space<vmem>>, %arg4: memref<128x256xf32, #tpu.memory_space<vmem>>, %arg5: memref<256x128xf32, #tpu.memory_space<vmem>>, %arg6: memref<128x10xf32, #tpu.memory_space<vmem>>, %arg7: memref<1x10xf32, #tpu.memory_space<vmem>>, %arg8: memref<64x10xf32, #tpu.memory_space<vmem>>, %arg9: memref<64x128xf32, #tpu.memory_space<vmem>>) attributes {dimension_semantics = [#tpu.dimension_semantics<arbitrary>], iteration_bounds = array<i64: 10>, scalar_prefetch = 0 : i64, scratch_operands = 1 : i64, tpu.core_type = #tpu.core_type<tc>, window_params = [{transform_indices = @transform_0, window_bounds = array<i64: 1, 1000, 128>}, {transform_indices = @transform_1, window_bounds = array<i64: 1, 1000, 128>}, {transform_indices = @transform_2, window_bounds = array<i64: 1000, 1>}, {pipeline_mode = #tpu.pipeline_mode<synchronous>, transform_indices = @transform_3, window_bounds = array<i64: 128, 256>}, {pipeline_mode = #tpu.pipeline_mode<synchronous>, transform_indices = @transform_4, window_bounds = array<i64: 256, 128>}, {pipeline_mode = #tpu.pipeline_mode<synchronous>, transform_indices = @transform_5, window_bounds = array<i64: 128, 10>}, {pipeline_mode = #tpu.pipeline_mode<synchronous>, transform_indices = @transform_6, window_bounds = array<i64: 1, 10>}, {pipeline_mode = #tpu.pipeline_mode<synchronous>, transform_indices = @transform_7, window_bounds = array<i64: 64, 10>}]} {
    %eq3A = arith.constant 0 : i32
    %eq3A_0 = arith.cmpi eq, %arg0, %eq3A : i32
    %convert_element_type3A = arith.extui %eq3A_0 : i1 to i32
    %cond3A = arith.constant 0 : i32
    %cond3A_1 = arith.cmpi ne, %convert_element_type3A, %cond3A : i32
    scf.if %cond3A_1 {
      %broadcast_in_dim3A = arith.constant 0.000000e+00 : f32
      %broadcast_in_dim3A_45 = vector.broadcast %broadcast_in_dim3A : f32 to vector<64x128xf32>
      %swap3A_46 = arith.constant 0 : index
      %swap3A_47 = arith.constant 0 : index
      %swap3A_48 = vector.load %arg9[%swap3A_46, %swap3A_47] : memref<64x128xf32, #tpu.memory_space<vmem>>, vector<64x128xf32>
      tpu.vector_store %arg9[%swap3A_46, %swap3A_47], %broadcast_in_dim3A_45 {strides = array<i32>} : memref<64x128xf32, #tpu.memory_space<vmem>>, vector<64x128xf32>,
    } else {
    }
    %get3A = arith.constant 0 : index
    %get3A_2 = arith.constant 0 : index
    %get3A_3 = arith.constant 0 : index
    %get3A_4 = vector.load %arg1[%get3A, %get3A_2, %get3A_3] : memref<1x1000x128xf32, #tpu.memory_space<vmem>>, vector<1x1000x128xf32>
    %get3A_5 = vector.shape_cast %get3A_4 : vector<1x1000x128xf32> to vector<1000x128xf32>
    %get3A_6 = arith.constant 0 : index
    %get3A_7 = arith.constant 0 : index
    %get3A_8 = arith.constant 0 : index
    %get3A_9 = vector.load %arg2[%get3A_6, %get3A_7, %get3A_8] : memref<1x1000x128xf32, #tpu.memory_space<vmem>>, vector<1x1000x128xf32>
    %get3A_10 = vector.shape_cast %get3A_9 : vector<1x1000x128xf32> to vector<1000x128xf32>
    %add3A = arith.addf %get3A_5, %get3A_10 : vector<1000x128xf32>
    %get3A_11 = arith.constant 0 : index
    %get3A_12 = arith.constant 0 : index
    %get3A_13 = vector.load %arg4[%get3A_11, %get3A_12] : memref<128x256xf32, #tpu.memory_space<vmem>>, vector<128x256xf32>
    %dot_general3A = arith.constant dense<0.000000e+00> : vector<1000x256xf32>
    %dot_general3A_14 = tpu.matmul %add3A, %get3A_13, %dot_general3A {dimension_numbers = #tpu.dot_dimension_numbers<[1], [0], [0], [1], [0, 0, 1, 1], [], []>, transpose_lhs_hint = false} : vector<1000x128xf32>, vector<128x256xf32>, vector<1000x256xf32> -> vector<1000x256xf32>
    %max3A = arith.constant 0.000000e+00 : f32
    %max3A_15 = vector.broadcast %max3A : f32 to vector<1000x256xf32>
    %max3A_16 = arith.maximumf %dot_general3A_14, %max3A_15 : vector<1000x256xf32>
    %get3A_17 = arith.constant 0 : index
    %get3A_18 = arith.constant 0 : index
    %get3A_19 = vector.load %arg5[%get3A_17, %get3A_18] : memref<256x128xf32, #tpu.memory_space<vmem>>, vector<256x128xf32>
    %dot_general3A_20 = arith.constant dense<0.000000e+00> : vector<1000x128xf32>
    %dot_general3A_21 = tpu.matmul %max3A_16, %get3A_19, %dot_general3A_20 {dimension_numbers = #tpu.dot_dimension_numbers<[1], [0], [0], [1], [0, 0, 1, 1], [], []>, transpose_lhs_hint = false} : vector<1000x256xf32>, vector<256x128xf32>, vector<1000x128xf32> -> vector<1000x128xf32>
    %max3A_22 = arith.constant 0.000000e+00 : f32
    %max3A_23 = vector.broadcast %max3A_22 : f32 to vector<1000x128xf32>
    %max3A_24 = arith.maximumf %dot_general3A_21, %max3A_23 : vector<1000x128xf32>
    %iota3A = tpu.iota {dimensions = array<i32: 1>} : vector<1000x64xi32>
    %get3A_25 = arith.constant 0 : index
    %get3A_26 = arith.constant 0 : index
    %get3A_27 = vector.load %arg3[%get3A_25, %get3A_26] : memref<1000x1xi32, #tpu.memory_space<vmem>>, vector<1000x1xi32>
    %eq3A_28 = vector.broadcast %get3A_27 : vector<1000x1xi32> to vector<1000x64xi32>
    %eq3A_29 = arith.cmpi eq, %eq3A_28, %iota3A : vector<1000x64xi32>
    %convert_element_type3A_30 = arith.extui %eq3A_29 : vector<1000x64xi1> to vector<1000x64xi32>
    %convert_element_type3A_31 = arith.sitofp %convert_element_type3A_30 : vector<1000x64xi32> to vector<1000x64xf32>
    %get3A_32 = arith.constant 0 : index
    %get3A_33 = arith.constant 0 : index
    %get3A_34 = vector.load %arg9[%get3A_32, %get3A_33] : memref<64x128xf32, #tpu.memory_space<vmem>>, vector<64x128xf32>
    %dot_general3A_35 = arith.constant dense<0.000000e+00> : vector<64x128xf32>
    %dot_general3A_36 = tpu.matmul %convert_element_type3A_31, %max3A_24, %dot_general3A_35 {dimension_numbers = #tpu.dot_dimension_numbers<[0], [0], [1], [1], [0, 1, 1, 1], [], []>, transpose_lhs_hint = false} : vector<1000x64xf32>, vector<1000x128xf32>, vector<64x128xf32> -> vector<64x128xf32>
    %add3A_37 = arith.addf %get3A_34, %dot_general3A_36 : vector<64x128xf32>
    %swap3A = arith.constant 0 : index
    %swap3A_38 = arith.constant 0 : index
    %swap3A_39 = vector.load %arg9[%swap3A, %swap3A_38] : memref<64x128xf32, #tpu.memory_space<vmem>>, vector<64x128xf32>
    tpu.vector_store %arg9[%swap3A, %swap3A_38], %add3A_37 {strides = array<i32>} : memref<64x128xf32, #tpu.memory_space<vmem>>, vector<64x128xf32>,
    %eq3A_40 = arith.constant 9 : i32
    %eq3A_41 = arith.cmpi eq, %arg0, %eq3A_40 : i32
    %convert_element_type3A_42 = arith.extui %eq3A_41 : i1 to i32
    %cond3A_43 = arith.constant 0 : i32
    %cond3A_44 = arith.cmpi ne, %convert_element_type3A_42, %cond3A_43 : i32
    scf.if %cond3A_44 {
      %get3A_45 = arith.constant 0 : index
      %get3A_46 = arith.constant 0 : index
      %get3A_47 = vector.load %arg9[%get3A_45, %get3A_46] : memref<64x128xf32, #tpu.memory_space<vmem>>, vector<64x128xf32>
      %get3A_48 = arith.constant 0 : index
      %get3A_49 = arith.constant 0 : index
      %get3A_50 = vector.load %arg6[%get3A_48, %get3A_49] : memref<128x10xf32, #tpu.memory_space<vmem>>, vector<128x10xf32>
      %dot_general3A_51 = arith.constant dense<0.000000e+00> : vector<64x10xf32>
      %dot_general3A_52 = tpu.matmul %get3A_47, %get3A_50, %dot_general3A_51 {dimension_numbers = #tpu.dot_dimension_numbers<[1], [0], [0], [1], [0, 0, 1, 1], [], []>, transpose_lhs_hint = false} : vector<64x128xf32>, vector<128x10xf32>, vector<64x10xf32> -> vector<64x10xf32>
      %get3A_53 = arith.constant 0 : index
      %get3A_54 = arith.constant 0 : index
      %get3A_55 = vector.load %arg7[%get3A_53, %get3A_54] : memref<1x10xf32, #tpu.memory_space<vmem>>, vector<1x10xf32>
      %add3A_56 = vector.broadcast %get3A_55 : vector<1x10xf32> to vector<64x10xf32>
      %add3A_57 = arith.addf %dot_general3A_52, %add3A_56 : vector<64x10xf32>
      %reduce_max3A = arith.constant dense<0xFF800000> : vector<64xf32>
      %reduce_max3A_58 = vector.multi_reduction <maximumf>, %add3A_57, %reduce_max3A [1] : vector<64x10xf32> to vector<64xf32>
      %broadcast_in_dim3A = vector.shape_cast %reduce_max3A_58 : vector<64xf32> to vector<64x1xf32>
      %sub3A = vector.broadcast %broadcast_in_dim3A : vector<64x1xf32> to vector<64x10xf32>
      %sub3A_59 = arith.subf %add3A_57, %sub3A : vector<64x10xf32>
      %exp3A = math.exp %sub3A_59 : vector<64x10xf32>
      %reduce_sum3A = arith.constant dense<0.000000e+00> : vector<64xf32>
      %reduce_sum3A_60 = vector.multi_reduction <add>, %exp3A, %reduce_sum3A [1] : vector<64x10xf32> to vector<64xf32>
      %broadcast_in_dim3A_61 = vector.shape_cast %reduce_sum3A_60 : vector<64xf32> to vector<64x1xf32>
      %log3A = math.log %broadcast_in_dim3A_61 : vector<64x1xf32>
      %add3A_62 = arith.addf %broadcast_in_dim3A, %log3A : vector<64x1xf32>
      %sub3A_63 = vector.broadcast %add3A_62 : vector<64x1xf32> to vector<64x10xf32>
      %sub3A_64 = arith.subf %add3A_57, %sub3A_63 : vector<64x10xf32>
      %swap3A_65 = arith.constant 0 : index
      %swap3A_66 = arith.constant 0 : index
      %swap3A_67 = vector.load %arg8[%swap3A_65, %swap3A_66] : memref<64x10xf32, #tpu.memory_space<vmem>>, vector<64x10xf32>
      tpu.vector_store %arg8[%swap3A_65, %swap3A_66], %sub3A_64 {strides = array<i32>} : memref<64x10xf32, #tpu.memory_space<vmem>>, vector<64x10xf32>,
    } else {
    }
    return
  }
  func.func @transform_0(%arg0: i32) -> (i32, i32, i32) {
    %c0_i32 = arith.constant 0 : i32
    %c0_i32_0 = arith.constant 0 : i32
    %c0_i32_1 = arith.constant 0 : i32
    return %c0_i32, %arg0, %c0_i32_0 : i32, i32, i32
  }
  func.func @transform_1(%arg0: i32) -> (i32, i32, i32) {
    %c1_i32 = arith.constant 1 : i32
    %c0_i32 = arith.constant 0 : i32
    %c0_i32_0 = arith.constant 0 : i32
    return %c1_i32, %arg0, %c0_i32 : i32, i32, i32
  }
  func.func @transform_2(%arg0: i32) -> (i32, i32) {
    %c0_i32 = arith.constant 0 : i32
    %c0_i32_0 = arith.constant 0 : i32
    return %arg0, %c0_i32 : i32, i32
  }
  func.func @transform_3(%arg0: i32) -> (i32, i32) {
    %c0_i32 = arith.constant 0 : i32
    %c0_i32_0 = arith.constant 0 : i32
    %c0_i32_1 = arith.constant 0 : i32
    return %c0_i32, %c0_i32_0 : i32, i32
  }
  func.func @transform_4(%arg0: i32) -> (i32, i32) {
    %c0_i32 = arith.constant 0 : i32
    %c0_i32_0 = arith.constant 0 : i32
    %c0_i32_1 = arith.constant 0 : i32
    return %c0_i32, %c0_i32_0 : i32, i32
  }
  func.func @transform_5(%arg0: i32) -> (i32, i32) {
    %c0_i32 = arith.constant 0 : i32
    %c0_i32_0 = arith.constant 0 : i32
    %c0_i32_1 = arith.constant 0 : i32
    return %c0_i32, %c0_i32_0 : i32, i32
  }
  func.func @transform_6(%arg0: i32) -> (i32, i32) {
    %c0_i32 = arith.constant 0 : i32
    %c0_i32_0 = arith.constant 0 : i32
    %c0_i32_1 = arith.constant 0 : i32
    return %c0_i32, %c0_i32_0 : i32, i32
  }
  func.func @transform_7(%arg0: i32) -> (i32, i32) {
    %c0_i32 = arith.constant 0 : i32
    %c0_i32_0 = arith.constant 0 : i32
    %c0_i32_1 = arith.constant 0 : i32
    return %c0_i32, %c0_i32_0 : i32, i32
  }
}

</mosaic_0001>

<sc_bundles>
// kernel: kernel.10.cloned.1.call-start
scs
__scs_entry_jumppad:
0x0: {  	(pc) =	sbr.rel $0x88, $3  }
0x1: {  	(tag) =	ssettag $0x0;
	lr =	simm.s32 $0x1  }
0x2: {  	[smem:$0x3F94] =	sst lr;
	_ =	strace $0xD0000000  }
0x3: {  	_ = 	snop  }
0x4: {  	_ = 	snop  }
0x5: {  	_ = 	snop  }
0x6: {  	_ = 	snop  }
0x7: {  	_ = 	snop  }
__scs_overlays_trampoline_lowered:
0x8: {  	[smem:$0x3FA3] =	sst s0  }
0x9: {  	[smem:$0x3FA4] =	sst s1  }
0xa: {  	[smem:$0x3FA5] =	sst s2  }
0xb: {  	[smem:$0x3FA6] =	sst s3  }
0xc: {  	[smem:$0x3FA7] =	sst s4  }
0xd: {  	[smem:$0x3FA8] =	sst s5  }
0xe: {  	[smem:$0x3FA9] =	sst s6  }
0xf: {  	[smem:$0x3FAA] =	sst s7  }
0x10: {  	[smem:$0x3FAB] =	sst s8  }
0x11: {  	[smem:$0x3FAC] =	sst s9;
	s0 =	simm.s32 @!p0 $0x0  }
0x12: {  	s1 =	sld [smem:$0x3F92];
	s0 =	simm.s32 @p0 $0x1  }
0x13: {  	[smem:$0x3FAD] =	sst s0;
	s0 =	simm.s32 @!p1 $0x0  }
0x14: {  	s2 =	sld [smem:$0x3F91];
	s0 =	simm.s32 @p1 $0x1  }
0x15: {  	[smem:$0x3FAE] =	sst s0;
	s0 =	simm.s32 @!p2 $0x0  }
0x16: {  	s3 =	sld [smem:$0x3FDB];
	s0 =	simm.s32 @p2 $0x1  }
0x17: {  	s4 =	simm.s32 $0x1BF5;
	[smem:$0x3FB0] =	sst s0  }
0x18: {  	s0 =	sld [smem:$0x3F93];
	_ =	swait.ge [sflag:s4], $0x0  }
0x19: {  	s7 =	sld [smem:$0x3F94]  }
0x1a: {  	s8 =	sadd.s32 $0xFFFFE003, lr  }
0x1b: {  	s9 =	sadd.s32 $0xFFFFFEF7, lr;
	s5 =	simm.s32 $0xFFFFFFFF;
	p2 =	slt.u32 s8, $0xFFFFF086  }
0x1c: {  	p1 =	slt.u32 s9, $0xF7A;
	s5 =	simm.s32 @!p2 $0x0  }
0x1d: {  	s5 =	simm.s32 @p1 $0x1;
	p0 =	seq.s32 s7, s2  }
0x1e: {  	s7 =	smul.u32 @!p0 $0xF7A, s2;
	p2 =	seq.s32 @!p0 s5, $0x0  }
0x1f: {  	s9 =	smul.u32 $0xF7A, s1;
	s8 =	simm.s32 @!p0 $0x1BF5;
	p2 =	por !p2, p0  }
0x20: {  	[sflag:s8] =	ssyncset.s32 @!p0 $0xFFFFF086;
	s6 =	sadd.s32 @!p0 s3, s7;
	s7 =	simm.s32 @!p0 $0x108  }
0x21: {  	s3 =	sadd.s32 s3, s9;
	s6 =	sadd.s32 @!p0 $0x88, s6;
	s7 =	simm.s32 @p2 $0x1082  }
0x22: {  	[simem:s7], [sflag:s8] =	dma.local @!p0 [hbm:s6], $0xF7A  }
0x23: {  	s9 =	sor.u32 $0xD0000000, s2;
	s6 =	simm.s32 $0x108;
	_ =	swait.ge @!p0 [sflag:s8], $0x0  }
0x24: {  	s3 =	sadd.s32 $0x88, s3;
	s6 =	simm.s32 @!p1 $0x1082;
	[sflag:s4] =	ssyncset.s32 $0xFFFFF086  }
0x25: {  	[simem:s6], [sflag:s4] =	dma.local [hbm:s3], $0xF7A  }
0x26: {  	[smem:$0x3F94] =	sst s1;
	(tag) =	ssettag s2;
	_ =	strace s9  }
0x27: {  	s1 =	sld [smem:$0x3FA4]  }
0x28: {  	s2 =	sld [smem:$0x3FA5]  }
0x29: {  	s4 =	sld [smem:$0x3FA7]  }
0x2a: {  	p0 =	seq.s32 s5, $0x0;
	s5 =	sld [smem:$0x3FA8]  }
0x2b: {  	s6 =	sld [smem:$0x3FA9]  }
0x2c: {  	s7 =	sld [smem:$0x3FAA]  }
0x2d: {  	s3 =	simm.s32 $0x108;
	s8 =	sld [smem:$0x3FAB]  }
0x2e: {  	s3 =	simm.s32 @!p0 $0x1082;
	s9 =	sld [smem:$0x3FAC]  }
0x2f: {  	lr =	sadd.s32 s0, s3;
	s0 =	sld [smem:$0x3FA3]  }
0x30: {  	s3 =	sld [smem:$0x3FA6]  }
0x31: {  	[smem:$0x3FAF] =	sst s10  }
0x32: {  	s10 =	sld [smem:$0x3FAD];
	_ =	sdelay $0x3  }
0x33: {  	p0 =	seq.s32 s10, $0x1;
	s10 =	sld [smem:$0x3FAF];
	_ =	sdelay $0x3  }
0x34: {  	[smem:$0x3FAF] =	sst s10  }
0x35: {  	s10 =	sld [smem:$0x3FAE];
	_ =	sdelay $0x3  }
0x36: {  	p1 =	seq.s32 s10, $0x1;
	s10 =	sld [smem:$0x3FAF];
	_ =	sdelay $0x3  }
0x37: {  	[smem:$0x3FAF] =	sst s10  }
0x38: {  	s10 =	sld [smem:$0x3FB0]  }
0x39: {  	_ = 	snop;
	(pc) =	sbr.ind lr, $3  }
0x3a: {  	_ = 	snop  }
0x3b: {  	_ = 	snop  }
0x3c: {  	p2 =	seq.s32 s10, $0x1;
	s10 =	sld [smem:$0x3FAF]  }
0x3d: {  	_ =	shalt  }
0x3e: {  	_ =	shalt  }
0x3f: {  	_ =	shalt  }
0x40: {  	_ =	shalt  }
0x41: {  	_ =	shalt  }
0x42: {  	_ =	shalt  }
0x43: {  	_ =	shalt  }
0x44: {  	_ =	shalt  }
0x45: {  	_ =	shalt  }
0x46: {  	_ =	shalt  }
0x47: {  	_ =	shalt  }
0x48: {  	_ =	shalt  }
0x49: {  	_ =	shalt  }
0x4a: {  	_ =	shalt  }
0x4b: {  	_ =	shalt  }
0x4c: {  	_ =	shalt  }
0x4d: {  	_ =	shalt  }
0x4e: {  	_ =	shalt  }
0x4f: {  	_ =	shalt  }
0x50: {  	_ =	shalt  }
0x51: {  	_ =	shalt  }
0x52: {  	_ =	shalt  }
0x53: {  	_ =	shalt  }
0x54: {  	_ =	shalt  }
0x55: {  	_ =	shalt  }
0x56: {  	_ =	shalt  }
0x57: {  	_ =	shalt  }
0x58: {  	_ =	shalt  }
0x59: {  	_ =	shalt  }
0x5a: {  	_ =	shalt  }
0x5b: {  	_ =	shalt  }
0x5c: {  	_ =	shalt  }
0x5d: {  	_ =	shalt  }
0x5e: {  	_ =	shalt  }
0x5f: {  	_ =	shalt  }
0x60: {  	_ =	shalt  }
0x61: {  	_ =	shalt  }
0x62: {  	_ =	shalt  }
0x63: {  	_ =	shalt  }
0x64: {  	_ =	shalt  }
0x65: {  	_ =	shalt  }
0x66: {  	_ =	shalt  }
0x67: {  	_ =	shalt  }
0x68: {  	_ =	shalt  }
0x69: {  	_ =	shalt  }
0x6a: {  	_ =	shalt  }
0x6b: {  	_ =	shalt  }
0x6c: {  	_ =	shalt  }
0x6d: {  	_ =	shalt  }
0x6e: {  	_ =	shalt  }
0x6f: {  	_ =	shalt  }
0x70: {  	_ =	shalt  }
0x71: {  	_ =	shalt  }
0x72: {  	_ =	shalt  }
0x73: {  	_ =	shalt  }
0x74: {  	_ =	shalt  }
0x75: {  	_ =	shalt  }
0x76: {  	_ =	shalt  }
0x77: {  	_ =	shalt  }
0x78: {  	_ =	shalt  }
0x79: {  	_ =	shalt  }
0x7a: {  	_ =	shalt  }
0x7b: {  	_ =	shalt  }
0x7c: {  	_ =	shalt  }
0x7d: {  	_ =	shalt  }
0x7e: {  	_ =	shalt  }
0x7f: {  	_ =	shalt  }
0x80: {  	_ =	shalt  }
0x81: {  	_ =	shalt  }
0x82: {  	_ =	shalt  }
0x83: {  	_ =	shalt  }
0x84: {  	_ =	shalt  }
0x85: {  	_ =	shalt  }
0x86: {  	_ =	shalt  }
0x87: {  	_ =	shalt  }
.Lfunc_end0:
.L_simem_size_0:
called_computation_lowered:
.L_overlay_start_0:
0x88: {  	s2 =	sld [smem:$0x3FD9]  }
0x89: {  	s3 =	sld [smem:$0x3FFE];
	_ =	sdelay $0x1  }
0x8a: {  	s1 =	srdreg.scid  }
0x8b: {  	s0 =	sand.u32 $0x1, s1  }
0x8c: {  	s17 =	sshll.u32 s0, $0xA;
	s2 =	sadd.s32 s3, s2  }
0x8d: {  	s2 =	sadd.s32 s2, s17  }
0x8e: {  	[smem:$0x3FBB] =	sst s2  }
0x8f: {  	_ = 	snop  }
0x90: {  	s2 =	sld [smem:$0x3FC9];
	(tm) =	ssettm $0x1  }
0x91: {  	s18 =	sld [smem:$0x3FFB];
	_ =	sdelay $0x3  }
0x92: {  	_ =	strace s18  }
0x93: {  	s3 =	sld [smem:$0x3FFC];
	_ =	sdelay $0x3  }
0x94: {  	_ =	strace s3  }
0x95: {  	s3 =	sld [smem:$0x3FFD];
	_ =	sdelay $0x3  }
0x96: {  	_ =	strace s3  }
0x97: {  	_ =	strace $0x8FFFFFFF  }
0x98: {  	s19 =	sld [smem:$0x3FDB];
	_ =	sdelay $0x1  }
0x99: {  	s4 =	simm.s32 $_scs_section_size  }
0x9a: {  	s5 =	simm.s32 $_size__tile_overlayer_lowered;
	s6 =	simm.s32 $_tile_overlayer_lowered  }
0x9b: {  	s22 =	simm.s32 $0x1BFF;
	s21 =	sshll.u32 s6, $0x1;
	s3 =	sadd.s32 s4, s19  }
0x9c: {  	s7 =	simm.s32 $0x0;
	s20 =	sshll.u32 s5, $0x1;
	s5 =	sadd.s32 s21, s3  }
0x9d: {  	[timem:s7], [sflag:s22] =	dma.local [hbm:s5], s20  }
0x9e: {  	_ =	swait.ge [sflag:s22], s20  }
0x9f: {  	s4 =	ssub.s32 $0x0, s20;
	[sflag:s22] =	ssyncset.done $0x0  }
0xa0: {  	[sflag:s22] =	ssyncadd.s32 s4;
	_ =	sdelay $0x1  }
0xa1: {  	s23 =	simm.s32 $0x1B8B  }
0xa2: {  	_ =	swait.ge [sflag:s23], $0x1  }
0xa3: {  	[sflag:s23] =	ssyncset.done $0x0  }
0xa4: {  	s25 =	simm.s32 $0x1B8E;
	s24 =	sld [smem:$0x3FFE];
	[sflag:s23] =	ssyncadd.s32 $0xFFFFFFFF  }
0xa5: {  	s26 =	simm.s32 $execute0_lowered;
	[smem:$0x3FD2] =	sst s25  }
0xa6: {  	s5 =	sshll.u32 s26, $0x1;
	_ =	strace $0x80000046;
	[dreg:$0x1] =	wrdreg $0xFFFFFFFF  }
0xa7: {  	s28 =	simm.s32 $_size_execute0_lowered;
	s3 =	sadd.s32 s3, s5;
	[dreg:$0x0] =	wrdreg $0x0  }
0xa8: {  	s5 =	sshll.u32 s28, $0x1;
	[dreg:$0x2] =	wrdreg s3  }
0xa9: {  	[dreg:$0x3] =	wrdreg s5  }
0xaa: {  	[dreg:$0x4] =	wrdreg $0xC0  }
0xab: {  	_ =	task [dreg:s7], $0x5FFFF  }
0xac: {  	[dreg:$0x1] =	wrdreg $0xFFFFFFFF  }
0xad: {  	[dreg:$0x0] =	wrdreg $0x60  }
0xae: {  	[dreg:$0x2] =	wrdreg s2  }
0xaf: {  	[dreg:$0x3] =	wrdreg s24  }
0xb0: {  	[dreg:$0x4] =	wrdreg $0xC7000  }
0xb1: {  	[dreg:$0x5] =	wrdreg $0x9  }
0xb2: {  	_ =	task.clear_ibuf [dreg:s7], $0x6FFFF;
	_ =	strace $0x90000046  }
0xb3: {  	s29 =	simm.s32 $0x9;
	_ =	strace $0x80000048  }
0xb4: {  	_ =	swait.ge [sflag:s29], $0x1  }
0xb5: {  	[sflag:s29] =	ssyncadd.s32 $0xFFFFFFFF  }
0xb6: {  	_ =	strace $0x90000048  }
0xb7: {  	_ =	sfence  }
0xb8: {  	s30 =	sld [smem:$0x0];
	_ =	sdelay $0x2  }
0xb9: {  	s31 =	sshll.u32 s1, $0xD;
	s1 =	sshrl.u32 s1, $0x2  }
0xba: {  	s3 =	sand.u32 $0x4000, s31;
	s1 =	sadd.s32 s1, s30  }
0xbb: {  	s0 =	sor.u32 s3, s0;
	s1 =	sshll.u32 s1, $0x11  }
0xbc: {  	s0 =	sor.u32 s1, s0  }
0xbd: {  	s0 =	sadd.s32 $0x8F2B, s0  }
0xbe: {  	[sflag:s0] =	ssyncadd.remote.s32 $0x1  }
0xbf: {  	_ =	sfence.sel $0xFFFF  }
0xc0: {  	[dreg:$0x0] =	wrdreg $0xFFFFFFFF;
	(pc) =	sbr.abs _section_cstart, $3  }
0xc1: {  	[dreg:$0x1] =	wrdreg $0xFFFFFFFF  }
0xc2: {  	_ =	task.clear_ibuf [dreg:s7], $0x2FFFF;
	_ =	strace $0x9FFFFFFF  }
0xc3: {  	(tm) =	ssettm $0x7FFFFFFF  }
tec
execute0_lowered:
.L_overlay_start_1:
0x0: {  	(tag) =	ssettag $0x1  }
0x1: {  	s1 =	rddreg [dreg:$0x0]  }
0x2: {  	s6 =	rddreg [dreg:$0x1]  }
0x3: {  	s0 =	srdreg.scid;
	s3 =	rddreg [dreg:$0x2]  }
0x4: {  	s4 =	simm.s32 $0x0;
	s18 =	simm.s32 $0x50;
	s19 =	simm.s32 $0x4F00  }
0x5: {  	s20 =	simm.s32 $0x7700;
	s21 =	simm.s32 $0xA0;
	s22 =	simm.s32 $0x9F00  }
0x6: {  	s23 =	simm.s32 $0x2;
	s12 =	sand.u32 $0x1, s0;
	s0 =	stileid.u32  }
0x7: {  	s28 =	simm.s32 $0x0;
	[smem:$0x7FF] =	sst s4;
	s10 =	smul.u32 $0x4E000, s0  }
0x8: {  	s11 =	sadd.s32 $0x19000, s6;
	s14 =	sadd.s32 $0x124800, s3;
	s24 =	smul.u32 $0x2700, s0  }
0x9: {  	s17 =	sadd.s32 $0x24900, s1;
	s2 =	sshll.u32 s12, $0x4;
	s26 =	smul.u32 $0x138800, s12  }
0xa: {  	s8 =	ssub.s32 $0x2, s12;
	s29 =	smul.u32 $0x13800, s0;
	p0 =	seq.s32 s0, $0xF  }
0xb: {  	s5 =	sor.u32 s0, s2;
	s2 =	rddreg [dreg:$0x3];
	_ =	strace $0x80000047  }
0xc: {  	s9 =	sshrl.u32 s8, $0x1;
	p1 =	sne.s32 @p0 s12, $0x0;
	s14 =	sshrl.u32 @p0 s14, $0x3  }
0xd: {  	s5 =	smul.u32 $0x4EC, s5;
	s13 =	ssub.s32 s8, s9;
	s25 =	sshrl.u32 s10, $0x2  }
0xe: {  	s15 =	sadd.s32 s1, s24;
	s30 =	sadd.s32 s29, s26;
	s31 =	sshrl.u32 s26, $0x3  }
0xf: {  	p1 =	por !p1, !p0;
	s24 =	simm.s32 $0x4DF0;
	s26 =	simm.s32 $0x4E90  }
0x10: {  	s16 =	sadd.s32 s25, s3;
	s8 =	sshrl.u32 s30, $0x3;
	s9 =	sadd.s32 s11, s31  }
0x11: {  	s25 =	simm.s32 $0x4E40;
	s7 =	sadd.s32 s5, s6;
	s5 =	sadd.s32 $0x16800, s6  }
0x12: {  	s8 =	sadd.s32 s11, s8;
	s9 =	sadd.s32 $0x24900, s9;
	s11 =	smax.u32 s13, $0x1  }
0x13: {  	s13 =	sshll.u32 @!p0 s0, $0x6;
	s16 =	sshrl.u32 @!p0 s16, $0x3;
	s10 =	smov.u32 s5  }
0x14: {  	s6 =	sadd.s32 $0x2C00, s7;
	s10 =	smov.u32 @p1 s17;
	p1 =	sne.s32 @!p0 s12, $0x0  }
0x15: {  	s7 =	sadd.s32 $0xCA00, s7;
	s12 =	simm.s32 $0x2780;
	p1 =	por !p1, p0  }
0x16: {  	s17 =	simm.s32 $0x1;
	s5 =	smov.u32 @p1 s15;
	s15 =	sor.u32 @!p0 $0x1C02, s13  }
.LBB2_1:
0x17: {  	[tilespmem:s4], [sflag:$0x1] =	stream.linear.gather [hbm4b:s6+s4], $0x2760, $0x38;
	v63 =	vld [tilespmem:$0x0]  }
0x18: {  	s29 =	simm.s32 @p0 $0x1FC2  }
0x19: {  	[tilespmem:s12], [sflag:$0x1] =	stream.linear.gather [hbm4b:s7+s4], $0x2760, $0x38;
	v63 =	vld [tilespmem:$0x0]  }
0x1a: {  	[spmem:s14], [sflag:s29] =	dma.local @p0 [hbm:s10], $0x2800  }
0x1b: {  	s29 =	simm.s32 @p0 $0x2  }
0x1c: {  	_ =	swait.ge @p0 [sflag:s29], $0x2800  }
0x1d: {  	[sflag:s29] =	ssyncset.done @p0 $0x0  }
0x1e: {  	[sflag:s29] =	ssyncadd.s32 @p0 $0xFFFFD800;
	s29 =	simm.s32 @!p0 $0x2  }
0x1f: {  	[spmem:s16], [sflag:s15] =	dma.local @!p0 [hbm:s5], $0x2700  }
0x20: {  	_ =	swait.ge @!p0 [sflag:s29], $0x2700  }
0x21: {  	[sflag:s29] =	ssyncset.done @!p0 $0x0  }
0x22: {  	[sflag:s29] =	ssyncadd.s32 @!p0 $0xFFFFD900  }
0x23: {  	_ =	swait.ge [sflag:s17], $0x2760  }
0x24: {  	[sflag:s17] =	ssyncset.done $0x0  }
0x25: {  	[sflag:s17] =	ssyncadd.s32 $0xFFFFD8A0  }
0x26: {  	_ =	swait.ge [sflag:s17], $0x2760  }
0x27: {  	[sflag:s17] =	ssyncset.done $0x0  }
0x28: {  	[sflag:s17] =	ssyncadd.s32 $0xFFFFD8A0  }
0x29: {  	[bflag:$0x0] =	sbarrier.arrive $0xFFFF  }
0x2a: {  	[tilespmem:s19], [sflag:$0x1] =	stream.indirect.gather [hbm4b:s1+s18], $0x80, s4, s18, $0xb8;
	v63 =	vld [tilespmem:$0x0]  }
0x2b: {  	_ = 	snop  }
0x2c: {  	[tilespmem:s20], [sflag:$0x1] =	stream.indirect.gather [hbm4b:s1+s18], $0x80, s18, s18, $0xb8;
	v63 =	vld [tilespmem:$0x0]  }
0x2d: {  	_ = 	snop  }
0x2e: {  	[tilespmem:s22], [sflag:$0x1] =	stream.indirect.gather [hbm4b:s1+s18], $0x80, s21, s18, $0xb8;
	v63 =	vld [tilespmem:$0x0]  }
0x2f: {  	_ =	swait.ge [sflag:s17], $0x2800  }
0x30: {  	[sflag:s17] =	ssyncset.done $0x0  }
0x31: {  	s29 =	simm.s32 $0x2780;
	[sflag:s17] =	ssyncadd.s32 $0xFFFFD800  }
0x32: {  	[spmem:s3] =	stream.indirect.scatter.add.f32 [tilespmem:s19], [sflag:$0x2], $0x80, s29, s18, $0xb8;
	v63 =	vld [tilespmem:$0x0]  }
0x33: {  	_ =	swait.ge [sflag:s17], $0x2800  }
0x34: {  	[sflag:s17] =	ssyncset.done $0x0  }
0x35: {  	s29 =	simm.s32 $0x27D0;
	[sflag:s17] =	ssyncadd.s32 $0xFFFFD800  }
0x36: {  	[spmem:s3] =	stream.indirect.scatter.add.f32 [tilespmem:s20], [sflag:$0x2], $0x80, s29, s18, $0xb8;
	v63 =	vld [tilespmem:$0x0]  }
0x37: {  	_ =	swait.ge [sflag:s17], $0x2800  }
0x38: {  	[sflag:s17] =	ssyncset.done $0x0  }
0x39: {  	s29 =	simm.s32 $0x2820;
	[sflag:s17] =	ssyncadd.s32 $0xFFFFD800  }
0x3a: {  	[spmem:s3] =	stream.indirect.scatter.add.f32 [tilespmem:s22], [sflag:$0x2], $0x80, s29, s18, $0xb8;
	v63 =	vld [tilespmem:$0x0]  }
0x3b: {  	_ =	swait.ge [sflag:s23], $0x2800  }
0x3c: {  	[sflag:s23] =	ssyncset.done $0x0  }
0x3d: {  	s29 =	simm.s32 $0xF0;
	[sflag:s23] =	ssyncadd.s32 $0xFFFFD800  }
0x3e: {  	[tilespmem:s19], [sflag:$0x1] =	stream.indirect.gather [hbm4b:s1+s18], $0x80, s29, s18, $0xb8;
	v63 =	vld [tilespmem:$0x0]  }
0x3f: {  	_ =	swait.ge [sflag:s23], $0x2800  }
0x40: {  	[sflag:s23] =	ssyncset.done $0x0  }
0x41: {  	s29 =	simm.s32 $0x140;
	[sflag:s23] =	ssyncadd.s32 $0xFFFFD800  }
0x42: {  	[tilespmem:s20], [sflag:$0x1] =	stream.indirect.gather [hbm4b:s1+s18], $0x80, s29, s18, $0xb8;
	v63 =	vld [tilespmem:$0x0]  }
0x43: {  	_ =	swait.ge [sflag:s23], $0x2800  }
0x44: {  	[sflag:s23] =	ssyncset.done $0x0  }
0x45: {  	s30 =	simm.s32 $0x190;
	s29 =	simm.s32 $0x3C0;
	[sflag:s23] =	ssyncadd.s32 $0xFFFFD800  }
.LBB2_2:
0x46: {  	[tilespmem:s22], [sflag:$0x1] =	stream.indirect.gather [hbm4b:s1+s18], $0x80, s30, s18, $0xb8;
	v63 =	vld [tilespmem:$0x0]  }
0x47: {  	s30 =	smov.u32 s29  }
0x48: {  	p1 =	sne.s32 s29, $0x9600;
	s29 =	sadd.s32 $0x3C0, s29;
	_ =	swait.ge [sflag:s17], $0x2800  }
0x49: {  	s30 =	sshra.s32 s30, $0x2;
	[sflag:s17] =	ssyncset.done $0x0  }
0x4a: {  	s31 =	sadd.s32 $0x2780, s30;
	[sflag:s17] =	ssyncadd.s32 $0xFFFFD800  }
0x4b: {  	[spmem:s3] =	stream.indirect.scatter.add.f32 [tilespmem:s19], [sflag:$0x2], $0x80, s31, s18, $0xb8;
	v63 =	vld [tilespmem:$0x0]  }
0x4c: {  	_ =	swait.ge [sflag:s17], $0x2800  }
0x4d: {  	[sflag:s17] =	ssyncset.done $0x0  }
0x4e: {  	s31 =	sadd.s32 $0x27D0, s30;
	[sflag:s17] =	ssyncadd.s32 $0xFFFFD800  }
0x4f: {  	[spmem:s3] =	stream.indirect.scatter.add.f32 [tilespmem:s20], [sflag:$0x2], $0x80, s31, s18, $0xb8;
	v63 =	vld [tilespmem:$0x0]  }
0x50: {  	_ =	swait.ge [sflag:s17], $0x2800  }
0x51: {  	[sflag:s17] =	ssyncset.done $0x0  }
0x52: {  	s31 =	sadd.s32 $0x2820, s30;
	[sflag:s17] =	ssyncadd.s32 $0xFFFFD800  }
0x53: {  	[spmem:s3] =	stream.indirect.scatter.add.f32 [tilespmem:s22], [sflag:$0x2], $0x80, s31, s18, $0xb8;
	v63 =	vld [tilespmem:$0x0]  }
0x54: {  	_ =	swait.ge [sflag:s23], $0x2800  }
0x55: {  	[sflag:s23] =	ssyncset.done $0x0  }
0x56: {  	s31 =	sadd.s32 $0xF0, s30;
	[sflag:s23] =	ssyncadd.s32 $0xFFFFD800  }
0x57: {  	[tilespmem:s19], [sflag:$0x1] =	stream.indirect.gather [hbm4b:s1+s18], $0x80, s31, s18, $0xb8;
	v63 =	vld [tilespmem:$0x0]  }
0x58: {  	_ =	swait.ge [sflag:s23], $0x2800  }
0x59: {  	[sflag:s23] =	ssyncset.done $0x0  }
.Ltmp0:
0x5a: {  	s31 =	sadd.s32 $0x140, s30;
	[sflag:s23] =	ssyncadd.s32 $0xFFFFD800;
	(pc) =	sbr.rel @p1 .LBB2_2-.Ltmp0, $4  }
0x5b: {  	[tilespmem:s20], [sflag:$0x1] =	stream.indirect.gather [hbm4b:s1+s18], $0x80, s31, s18, $0xb8;
	v63 =	vld [tilespmem:$0x0]  }
0x5c: {  	_ =	swait.ge [sflag:s23], $0x2800  }
0x5d: {  	[sflag:s23] =	ssyncset.done $0x0  }
0x5e: {  	s30 =	sadd.s32 $0x190, s30;
	[sflag:s23] =	ssyncadd.s32 $0xFFFFD800  }
0x5f: {  	[tilespmem:s22], [sflag:$0x1] =	stream.indirect.gather [hbm4b:s1+s18], $0x80, s30, s18, $0xb8;
	v63 =	vld [tilespmem:$0x0]  }
0x60: {  	_ =	swait.ge [sflag:s17], $0x2800  }
0x61: {  	[sflag:s17] =	ssyncset.done $0x0  }
0x62: {  	[sflag:s17] =	ssyncadd.s32 $0xFFFFD800  }
0x63: {  	[spmem:s3] =	stream.indirect.scatter.add.f32 [tilespmem:s19], [sflag:$0x2], $0x80, s24, s18, $0xb8;
	v63 =	vld [tilespmem:$0x0]  }
0x64: {  	_ =	swait.ge [sflag:s17], $0x2800  }
0x65: {  	[sflag:s17] =	ssyncset.done $0x0  }
0x66: {  	[sflag:s17] =	ssyncadd.s32 $0xFFFFD800  }
0x67: {  	[spmem:s3] =	stream.indirect.scatter.add.f32 [tilespmem:s20], [sflag:$0x2], $0x80, s25, s18, $0xb8;
	v63 =	vld [tilespmem:$0x0]  }
0x68: {  	_ =	swait.ge [sflag:s17], $0x2800  }
0x69: {  	[sflag:s17] =	ssyncset.done $0x0  }
0x6a: {  	[sflag:s17] =	ssyncadd.s32 $0xFFFFD800  }
0x6b: {  	[spmem:s3] =	stream.indirect.scatter.add.f32 [tilespmem:s22], [sflag:$0x2], $0x80, s26, s18, $0xb8;
	v63 =	vld [tilespmem:$0x0]  }
0x6c: {  	_ =	swait.ge [sflag:s23], $0x2800  }
0x6d: {  	[sflag:s23] =	ssyncset.done $0x0  }
0x6e: {  	[sflag:s23] =	ssyncadd.s32 $0xFFFFD800  }
0x6f: {  	_ =	swait.ge [sflag:s23], $0x2800  }
0x70: {  	[sflag:s23] =	ssyncset.done $0x0  }
0x71: {  	[sflag:s23] =	ssyncadd.s32 $0xFFFFD800  }
0x72: {  	_ =	swait.ge [sflag:s23], $0x2800  }
0x73: {  	[sflag:s23] =	ssyncset.done $0x0  }
0x74: {  	[sflag:s23] =	ssyncadd.s32 $0xFFFFD800  }
0x75: {  	s29 =	simm.s32 @p0 $0x1FC3;
	[bflag:$0x0] =	sbarrier.arrive $0xFFFF  }
0x76: {  	[hbm:s9], [sflag:s29] =	dma.local @p0 [spmem:s14], $0x2800  }
0x77: {  	s29 =	simm.s32 @p0 $0x3  }
0x78: {  	_ =	swait.ge @p0 [sflag:s29], $0x2800  }
0x79: {  	s28 =	sadd.s32 $0x1, s28;
	[sflag:s29] =	ssyncset.done @p0 $0x0  }
0x7a: {  	p1 =	sne.s32 s28, s11;
	[sflag:s29] =	ssyncadd.s32 @p0 $0xFFFFD800;
	s29 =	sor.u32 @!p0 $0x1C03, s13  }
0x7b: {  	[hbm:s8], [sflag:s29] =	dma.local @!p0 [spmem:s16], $0x2700  }
.Ltmp1:
0x7c: {  	_ = 	snop;
	(pc) =	sbr.rel @p1 .LBB2_1-.Ltmp1, $4  }
0x7d: {  	s29 =	simm.s32 @!p0 $0x3  }
0x7e: {  	_ =	swait.ge @!p0 [sflag:s29], $0x2700  }
0x7f: {  	[sflag:s29] =	ssyncset.done @!p0 $0x0  }
0x80: {  	[sflag:s29] =	ssyncadd.s32 @!p0 $0xFFFFD900  }
0x81: {  	_ =	sfence.sel $0x180000  }
0x82: {  	[bflag:$0x0] =	sbarrier.arrive $0xFFFF  }
0x83: {  	p0 =	sne.s32 s0, $0x0;
	_ =	strace $0x90000047  }
0x84: {  	s0 =	sadd.s32 @!p0 $0x100000, s2;
	[bflag:$0x2] =	sbarrier.arrive $0xFFFF  }
0x85: {  	[sflag:s0] =	ssyncadd.tile.s32 @!p0 $0x1;
	_ =	shalt  }
.Lfunc_end2:
_tile_overlayer_lowered:
.L_overlay_start_2:
0x86: {  	(tag) =	ssettag $0x2  }
0x87: {  	s0 =	rddreg [dreg:$0x0];
	s2 =	stileid.u32  }
0x88: {  	s1 =	rddreg [dreg:$0x1];
	p0 =	sne.s32 s2, $0x0  }
0x89: {  	s3 =	rddreg [dreg:$0x2];
	[bflag:$0x3] =	sbarrier.arrive $0xFFFF;
	s2 =	simm.s32 @!p0 $0x1C03  }
0x8a: {  	[timem:s3], [sflag:s2] =	dma.local @!p0 [hbm:s0], s1  }
0x8b: {  	s0 =	simm.s32 @!p0 $0x3  }
0x8c: {  	_ =	swait.ge @!p0 [sflag:s0], s1  }
0x8d: {  	s1 =	ssub.s32 @!p0 $0x0, s1;
	[sflag:s0] =	ssyncset.done @!p0 $0x0  }
0x8e: {  	[sflag:s0] =	ssyncadd.s32 @!p0 s1  }
0x8f: {  	[bflag:$0x3] =	sbarrier.arrive $0xFFFF  }
0x90: {  	_ =	shalt  }

// kernel: kernel.13.cloned.1.call-start
scs
__scs_entry_jumppad:
0x0: {  	(pc) =	sbr.rel $0x88, $3  }
0x1: {  	(tag) =	ssettag $0x0;
	lr =	simm.s32 $0x1  }
0x2: {  	[smem:$0x3F94] =	sst lr;
	_ =	strace $0xD0000000  }
0x3: {  	_ = 	snop  }
0x4: {  	_ = 	snop  }
0x5: {  	_ = 	snop  }
0x6: {  	_ = 	snop  }
0x7: {  	_ = 	snop  }
__scs_overlays_trampoline_lowered:
0x8: {  	[smem:$0x3FA3] =	sst s0  }
0x9: {  	[smem:$0x3FA4] =	sst s1  }
0xa: {  	[smem:$0x3FA5] =	sst s2  }
0xb: {  	[smem:$0x3FA6] =	sst s3  }
0xc: {  	[smem:$0x3FA7] =	sst s4  }
0xd: {  	[smem:$0x3FA8] =	sst s5  }
0xe: {  	[smem:$0x3FA9] =	sst s6  }
0xf: {  	[smem:$0x3FAA] =	sst s7  }
0x10: {  	[smem:$0x3FAB] =	sst s8  }
0x11: {  	[smem:$0x3FAC] =	sst s9;
	s0 =	simm.s32 @!p0 $0x0  }
0x12: {  	s1 =	sld [smem:$0x3F92];
	s0 =	simm.s32 @p0 $0x1  }
0x13: {  	[smem:$0x3FAD] =	sst s0;
	s0 =	simm.s32 @!p1 $0x0  }
0x14: {  	s2 =	sld [smem:$0x3F91];
	s0 =	simm.s32 @p1 $0x1  }
0x15: {  	[smem:$0x3FAE] =	sst s0;
	s0 =	simm.s32 @!p2 $0x0  }
0x16: {  	s3 =	sld [smem:$0x3FDB];
	s0 =	simm.s32 @p2 $0x1  }
0x17: {  	s4 =	simm.s32 $0x1BF5;
	[smem:$0x3FB0] =	sst s0  }
0x18: {  	s0 =	sld [smem:$0x3F93];
	_ =	swait.ge [sflag:s4], $0x0  }
0x19: {  	s7 =	sld [smem:$0x3F94]  }
0x1a: {  	s8 =	sadd.s32 $0xFFFFE003, lr  }
0x1b: {  	s9 =	sadd.s32 $0xFFFFFEF7, lr;
	s5 =	simm.s32 $0xFFFFFFFF;
	p2 =	slt.u32 s8, $0xFFFFF086  }
0x1c: {  	p1 =	slt.u32 s9, $0xF7A;
	s5 =	simm.s32 @!p2 $0x0  }
0x1d: {  	s5 =	simm.s32 @p1 $0x1;
	p0 =	seq.s32 s7, s2  }
0x1e: {  	s7 =	smul.u32 @!p0 $0xF7A, s2;
	p2 =	seq.s32 @!p0 s5, $0x0  }
0x1f: {  	s9 =	smul.u32 $0xF7A, s1;
	s8 =	simm.s32 @!p0 $0x1BF5;
	p2 =	por !p2, p0  }
0x20: {  	[sflag:s8] =	ssyncset.s32 @!p0 $0xFFFFF086;
	s6 =	sadd.s32 @!p0 s3, s7;
	s7 =	simm.s32 @!p0 $0x108  }
0x21: {  	s3 =	sadd.s32 s3, s9;
	s6 =	sadd.s32 @!p0 $0x88, s6;
	s7 =	simm.s32 @p2 $0x1082  }
0x22: {  	[simem:s7], [sflag:s8] =	dma.local @!p0 [hbm:s6], $0xF7A  }
0x23: {  	s9 =	sor.u32 $0xD0000000, s2;
	s6 =	simm.s32 $0x108;
	_ =	swait.ge @!p0 [sflag:s8], $0x0  }
0x24: {  	s3 =	sadd.s32 $0x88, s3;
	s6 =	simm.s32 @!p1 $0x1082;
	[sflag:s4] =	ssyncset.s32 $0xFFFFF086  }
0x25: {  	[simem:s6], [sflag:s4] =	dma.local [hbm:s3], $0xF7A  }
0x26: {  	[smem:$0x3F94] =	sst s1;
	(tag) =	ssettag s2;
	_ =	strace s9  }
0x27: {  	s1 =	sld [smem:$0x3FA4]  }
0x28: {  	s2 =	sld [smem:$0x3FA5]  }
0x29: {  	s4 =	sld [smem:$0x3FA7]  }
0x2a: {  	p0 =	seq.s32 s5, $0x0;
	s5 =	sld [smem:$0x3FA8]  }
0x2b: {  	s6 =	sld [smem:$0x3FA9]  }
0x2c: {  	s7 =	sld [smem:$0x3FAA]  }
0x2d: {  	s3 =	simm.s32 $0x108;
	s8 =	sld [smem:$0x3FAB]  }
0x2e: {  	s3 =	simm.s32 @!p0 $0x1082;
	s9 =	sld [smem:$0x3FAC]  }
0x2f: {  	lr =	sadd.s32 s0, s3;
	s0 =	sld [smem:$0x3FA3]  }
0x30: {  	s3 =	sld [smem:$0x3FA6]  }
0x31: {  	[smem:$0x3FAF] =	sst s10  }
0x32: {  	s10 =	sld [smem:$0x3FAD];
	_ =	sdelay $0x3  }
0x33: {  	p0 =	seq.s32 s10, $0x1;
	s10 =	sld [smem:$0x3FAF];
	_ =	sdelay $0x3  }
0x34: {  	[smem:$0x3FAF] =	sst s10  }
0x35: {  	s10 =	sld [smem:$0x3FAE];
	_ =	sdelay $0x3  }
0x36: {  	p1 =	seq.s32 s10, $0x1;
	s10 =	sld [smem:$0x3FAF];
	_ =	sdelay $0x3  }
0x37: {  	[smem:$0x3FAF] =	sst s10  }
0x38: {  	s10 =	sld [smem:$0x3FB0]  }
0x39: {  	_ = 	snop;
	(pc) =	sbr.ind lr, $3  }
0x3a: {  	_ = 	snop  }
0x3b: {  	_ = 	snop  }
0x3c: {  	p2 =	seq.s32 s10, $0x1;
	s10 =	sld [smem:$0x3FAF]  }
0x3d: {  	_ =	shalt  }
0x3e: {  	_ =	shalt  }
0x3f: {  	_ =	shalt  }
0x40: {  	_ =	shalt  }
0x41: {  	_ =	shalt  }
0x42: {  	_ =	shalt  }
0x43: {  	_ =	shalt  }
0x44: {  	_ =	shalt  }
0x45: {  	_ =	shalt  }
0x46: {  	_ =	shalt  }
0x47: {  	_ =	shalt  }
0x48: {  	_ =	shalt  }
0x49: {  	_ =	shalt  }
0x4a: {  	_ =	shalt  }
0x4b: {  	_ =	shalt  }
0x4c: {  	_ =	shalt  }
0x4d: {  	_ =	shalt  }
0x4e: {  	_ =	shalt  }
0x4f: {  	_ =	shalt  }
0x50: {  	_ =	shalt  }
0x51: {  	_ =	shalt  }
0x52: {  	_ =	shalt  }
0x53: {  	_ =	shalt  }
0x54: {  	_ =	shalt  }
0x55: {  	_ =	shalt  }
0x56: {  	_ =	shalt  }
0x57: {  	_ =	shalt  }
0x58: {  	_ =	shalt  }
0x59: {  	_ =	shalt  }
0x5a: {  	_ =	shalt  }
0x5b: {  	_ =	shalt  }
0x5c: {  	_ =	shalt  }
0x5d: {  	_ =	shalt  }
0x5e: {  	_ =	shalt  }
0x5f: {  	_ =	shalt  }
0x60: {  	_ =	shalt  }
0x61: {  	_ =	shalt  }
0x62: {  	_ =	shalt  }
0x63: {  	_ =	shalt  }
0x64: {  	_ =	shalt  }
0x65: {  	_ =	shalt  }
0x66: {  	_ =	shalt  }
0x67: {  	_ =	shalt  }
0x68: {  	_ =	shalt  }
0x69: {  	_ =	shalt  }
0x6a: {  	_ =	shalt  }
0x6b: {  	_ =	shalt  }
0x6c: {  	_ =	shalt  }
0x6d: {  	_ =	shalt  }
0x6e: {  	_ =	shalt  }
0x6f: {  	_ =	shalt  }
0x70: {  	_ =	shalt  }
0x71: {  	_ =	shalt  }
0x72: {  	_ =	shalt  }
0x73: {  	_ =	shalt  }
0x74: {  	_ =	shalt  }
0x75: {  	_ =	shalt  }
0x76: {  	_ =	shalt  }
0x77: {  	_ =	shalt  }
0x78: {  	_ =	shalt  }
0x79: {  	_ =	shalt  }
0x7a: {  	_ =	shalt  }
0x7b: {  	_ =	shalt  }
0x7c: {  	_ =	shalt  }
0x7d: {  	_ =	shalt  }
0x7e: {  	_ =	shalt  }
0x7f: {  	_ =	shalt  }
0x80: {  	_ =	shalt  }
0x81: {  	_ =	shalt  }
0x82: {  	_ =	shalt  }
0x83: {  	_ =	shalt  }
0x84: {  	_ =	shalt  }
0x85: {  	_ =	shalt  }
0x86: {  	_ =	shalt  }
0x87: {  	_ =	shalt  }
.Lfunc_end0:
.L_simem_size_0:
called_computation.1_lowered:
.L_overlay_start_0:
0x88: {  	s2 =	sld [smem:$0x3FD9]  }
0x89: {  	s3 =	sld [smem:$0x3FFE];
	_ =	sdelay $0x1  }
0x8a: {  	s1 =	srdreg.scid  }
0x8b: {  	s0 =	sand.u32 $0x1, s1  }
0x8c: {  	s16 =	sshll.u32 s0, $0xA;
	s2 =	sadd.s32 s3, s2  }
0x8d: {  	s2 =	sadd.s32 s2, s16  }
0x8e: {  	[smem:$0x3FBB] =	sst s2  }
0x8f: {  	_ = 	snop  }
0x90: {  	(tm) =	ssettm $0x1  }
0x91: {  	s17 =	sld [smem:$0x3FFB];
	_ =	sdelay $0x3  }
0x92: {  	_ =	strace s17  }
0x93: {  	s2 =	sld [smem:$0x3FFC];
	_ =	sdelay $0x3  }
0x94: {  	_ =	strace s2  }
0x95: {  	s2 =	sld [smem:$0x3FFD];
	_ =	sdelay $0x3  }
0x96: {  	_ =	strace s2  }
0x97: {  	_ =	strace $0x8FFFFFFF  }
0x98: {  	s18 =	sld [smem:$0x3FDB];
	_ =	sdelay $0x1  }
0x99: {  	s19 =	simm.s32 $_scs_section_size  }
0x9a: {  	s4 =	simm.s32 $_size__tile_overlayer_lowered;
	s5 =	simm.s32 $_tile_overlayer_lowered  }
0x9b: {  	s22 =	simm.s32 $0x1BFF;
	s21 =	sshll.u32 s5, $0x1;
	s2 =	sadd.s32 s19, s18  }
0x9c: {  	s6 =	simm.s32 $0x0;
	s20 =	sshll.u32 s4, $0x1;
	s4 =	sadd.s32 s21, s2  }
0x9d: {  	[timem:s6], [sflag:s22] =	dma.local [hbm:s4], s20  }
0x9e: {  	_ =	swait.ge [sflag:s22], s20  }
0x9f: {  	s3 =	ssub.s32 $0x0, s20;
	[sflag:s22] =	ssyncset.done $0x0  }
0xa0: {  	[sflag:s22] =	ssyncadd.s32 s3;
	_ =	sdelay $0x1  }
0xa1: {  	s23 =	simm.s32 $0x1B8B  }
0xa2: {  	_ =	swait.ge [sflag:s23], $0x1  }
0xa3: {  	[sflag:s23] =	ssyncset.done $0x0  }
0xa4: {  	s25 =	simm.s32 $0x1B8E;
	s24 =	sld [smem:$0x3FFE];
	[sflag:s23] =	ssyncadd.s32 $0xFFFFFFFF  }
0xa5: {  	s26 =	simm.s32 $execute0_lowered;
	[smem:$0x3FD2] =	sst s25  }
0xa6: {  	s4 =	sshll.u32 s26, $0x1;
	_ =	strace $0x80000049;
	[dreg:$0x1] =	wrdreg $0xFFFFFFFF  }
0xa7: {  	s28 =	simm.s32 $_size_execute0_lowered;
	s2 =	sadd.s32 s2, s4;
	[dreg:$0x0] =	wrdreg $0x0  }
0xa8: {  	s4 =	sshll.u32 s28, $0x1;
	[dreg:$0x2] =	wrdreg s2  }
0xa9: {  	[dreg:$0x3] =	wrdreg s4  }
0xaa: {  	[dreg:$0x4] =	wrdreg $0xC0  }
0xab: {  	_ =	task [dreg:s6], $0x5FFFF  }
0xac: {  	[dreg:$0x1] =	wrdreg $0xFFFFFFFF  }
0xad: {  	[dreg:$0x0] =	wrdreg $0x60  }
0xae: {  	[dreg:$0x2] =	wrdreg s24  }
0xaf: {  	[dreg:$0x3] =	wrdreg $0xC7000  }
0xb0: {  	[dreg:$0x4] =	wrdreg $0x9  }
0xb1: {  	_ =	task.clear_ibuf [dreg:s6], $0x5FFFF;
	_ =	strace $0x90000049  }
0xb2: {  	s29 =	simm.s32 $0x9;
	_ =	strace $0x8000004B  }
0xb3: {  	_ =	swait.ge [sflag:s29], $0x1  }
0xb4: {  	[sflag:s29] =	ssyncadd.s32 $0xFFFFFFFF  }
0xb5: {  	_ =	strace $0x9000004B  }
0xb6: {  	_ =	sfence  }
0xb7: {  	s30 =	sld [smem:$0x0];
	_ =	sdelay $0x2  }
0xb8: {  	s31 =	sshll.u32 s1, $0xD;
	s1 =	sshrl.u32 s1, $0x2  }
0xb9: {  	s3 =	sand.u32 $0x4000, s31;
	s1 =	sadd.s32 s1, s30  }
0xba: {  	s0 =	sor.u32 s3, s0;
	s1 =	sshll.u32 s1, $0x11  }
0xbb: {  	s0 =	sor.u32 s1, s0  }
0xbc: {  	s0 =	sadd.s32 $0x8F2B, s0  }
0xbd: {  	[sflag:s0] =	ssyncadd.remote.s32 $0x1  }
0xbe: {  	_ =	sfence.sel $0xFFFF  }
0xbf: {  	[dreg:$0x0] =	wrdreg $0xFFFFFFFF;
	(pc) =	sbr.abs _section_cstart, $3  }
0xc0: {  	[dreg:$0x1] =	wrdreg $0xFFFFFFFF  }
0xc1: {  	_ =	task.clear_ibuf [dreg:s6], $0x2FFFF;
	_ =	strace $0x9FFFFFFF  }
0xc2: {  	(tm) =	ssettm $0x7FFFFFFF  }
0xc3: {  	_ =	shalt  }
tec
execute0_lowered:
.L_overlay_start_1:
0x0: {  	(tag) =	ssettag $0x1  }
0x1: {  	s0 =	srdreg.scid;
	s8 =	rddreg [dreg:$0x0]  }
0x2: {  	s2 =	rddreg [dreg:$0x1];
	s1 =	stileid.u32  }
0x3: {  	s3 =	simm.s32 $0x0;
	s19 =	simm.s32 $0x4F00;
	s20 =	simm.s32 $0x7700  }
0x4: {  	s21 =	simm.s32 $0xA0;
	s22 =	simm.s32 $0x9F00;
	s23 =	simm.s32 $0x2  }
0x5: {  	s24 =	simm.s32 $0x4DF0;
	s25 =	simm.s32 $0x4E40;
	s28 =	simm.s32 $0x0  }
0x6: {  	s12 =	sand.u32 $0x1, s0;
	s0 =	rddreg [dreg:$0x2];
	s10 =	smul.u32 $0x4E000, s1  }
0x7: {  	[smem:$0x7FF] =	sst s3;
	s11 =	sadd.s32 $0x40200, s8;
	s26 =	smul.u32 $0x2700, s1  }
0x8: {  	s29 =	smul.u32 $0x13800, s1;
	s17 =	sadd.s32 $0x124800, s2;
	s18 =	sadd.s32 $0x3D900, s8  }
0x9: {  	p0 =	seq.s32 s1, $0xF;
	s4 =	sshll.u32 s12, $0x4;
	_ =	strace $0x8000004A  }
0xa: {  	s6 =	ssub.s32 $0x2, s12;
	s14 =	smul.u32 $0x138800, s12;
	p1 =	sne.s32 @p0 s12, $0x0  }
0xb: {  	s4 =	sor.u32 s1, s4;
	s9 =	sshrl.u32 s6, $0x1;
	s10 =	sshrl.u32 s10, $0x2  }
0xc: {  	p1 =	por !p1, !p0;
	s5 =	smul.u32 $0x4EC, s4;
	s4 =	sadd.s32 $0x19000, s8  }
0xd: {  	s13 =	ssub.s32 s6, s9;
	s16 =	sadd.s32 s10, s2;
	s30 =	sadd.s32 s29, s14  }
0xe: {  	s31 =	sshrl.u32 s14, $0x3;
	s14 =	sshrl.u32 @p0 s17, $0x3;
	s17 =	simm.s32 $0x1  }
0xf: {  	s15 =	sadd.s32 s4, s26;
	s9 =	sadd.s32 s11, s31;
	s16 =	sshrl.u32 @!p0 s16, $0x3  }
0x10: {  	s26 =	simm.s32 $0x4E90;
	s7 =	sadd.s32 s5, s8;
	s5 =	sadd.s32 $0x16800, s8  }
0x11: {  	s8 =	sshrl.u32 s30, $0x3;
	s9 =	sadd.s32 $0x24900, s9;
	s6 =	sadd.s32 $0x2C00, s7  }
0x12: {  	s7 =	sadd.s32 $0xCA00, s7;
	s8 =	sadd.s32 s11, s8;
	s10 =	smov.u32 s5  }
0x13: {  	s11 =	smax.u32 s13, $0x1;
	s10 =	smov.u32 @p1 s18;
	p1 =	sne.s32 @!p0 s12, $0x0  }
0x14: {  	s13 =	sshll.u32 @!p0 s1, $0x6;
	s12 =	simm.s32 $0x2780;
	p1 =	por !p1, p0  }
0x15: {  	s18 =	simm.s32 $0x50;
	s5 =	smov.u32 @p1 s15;
	s15 =	sor.u32 @!p0 $0x1C02, s13  }
.LBB2_1:
0x16: {  	[tilespmem:s3], [sflag:$0x1] =	stream.linear.gather [hbm4b:s6+s3], $0x2760, $0x38;
	v63 =	vld [tilespmem:$0x0]  }
0x17: {  	s29 =	simm.s32 @p0 $0x1FC2  }
0x18: {  	[tilespmem:s12], [sflag:$0x1] =	stream.linear.gather [hbm4b:s7+s3], $0x2760, $0x38;
	v63 =	vld [tilespmem:$0x0]  }
0x19: {  	[spmem:s14], [sflag:s29] =	dma.local @p0 [hbm:s10], $0x2800  }
0x1a: {  	s29 =	simm.s32 @p0 $0x2  }
0x1b: {  	_ =	swait.ge @p0 [sflag:s29], $0x2800  }
0x1c: {  	[sflag:s29] =	ssyncset.done @p0 $0x0  }
0x1d: {  	[sflag:s29] =	ssyncadd.s32 @p0 $0xFFFFD800;
	s29 =	simm.s32 @!p0 $0x2  }
0x1e: {  	[spmem:s16], [sflag:s15] =	dma.local @!p0 [hbm:s5], $0x2700  }
0x1f: {  	_ =	swait.ge @!p0 [sflag:s29], $0x2700  }
0x20: {  	[sflag:s29] =	ssyncset.done @!p0 $0x0  }
0x21: {  	[sflag:s29] =	ssyncadd.s32 @!p0 $0xFFFFD900  }
0x22: {  	_ =	swait.ge [sflag:s17], $0x2760  }
0x23: {  	[sflag:s17] =	ssyncset.done $0x0  }
0x24: {  	[sflag:s17] =	ssyncadd.s32 $0xFFFFD8A0  }
0x25: {  	_ =	swait.ge [sflag:s17], $0x2760  }
0x26: {  	[sflag:s17] =	ssyncset.done $0x0  }
0x27: {  	[sflag:s17] =	ssyncadd.s32 $0xFFFFD8A0  }
0x28: {  	[bflag:$0x0] =	sbarrier.arrive $0xFFFF  }
0x29: {  	[tilespmem:s19], [sflag:$0x1] =	stream.indirect.gather [hbm4b:s4+s18], $0x80, s3, s18, $0xb8;
	v63 =	vld [tilespmem:$0x0]  }
0x2a: {  	_ = 	snop  }
0x2b: {  	[tilespmem:s20], [sflag:$0x1] =	stream.indirect.gather [hbm4b:s4+s18], $0x80, s18, s18, $0xb8;
	v63 =	vld [tilespmem:$0x0]  }
0x2c: {  	_ = 	snop  }
0x2d: {  	[tilespmem:s22], [sflag:$0x1] =	stream.indirect.gather [hbm4b:s4+s18], $0x80, s21, s18, $0xb8;
	v63 =	vld [tilespmem:$0x0]  }
0x2e: {  	_ =	swait.ge [sflag:s17], $0x2800  }
0x2f: {  	[sflag:s17] =	ssyncset.done $0x0  }
0x30: {  	s29 =	simm.s32 $0x2780;
	[sflag:s17] =	ssyncadd.s32 $0xFFFFD800  }
0x31: {  	[spmem:s2] =	stream.indirect.scatter.add.f32 [tilespmem:s19], [sflag:$0x2], $0x80, s29, s18, $0xb8;
	v63 =	vld [tilespmem:$0x0]  }
0x32: {  	_ =	swait.ge [sflag:s17], $0x2800  }
0x33: {  	[sflag:s17] =	ssyncset.done $0x0  }
0x34: {  	s29 =	simm.s32 $0x27D0;
	[sflag:s17] =	ssyncadd.s32 $0xFFFFD800  }
0x35: {  	[spmem:s2] =	stream.indirect.scatter.add.f32 [tilespmem:s20], [sflag:$0x2], $0x80, s29, s18, $0xb8;
	v63 =	vld [tilespmem:$0x0]  }
0x36: {  	_ =	swait.ge [sflag:s17], $0x2800  }
0x37: {  	[sflag:s17] =	ssyncset.done $0x0  }
0x38: {  	s29 =	simm.s32 $0x2820;
	[sflag:s17] =	ssyncadd.s32 $0xFFFFD800  }
0x39: {  	[spmem:s2] =	stream.indirect.scatter.add.f32 [tilespmem:s22], [sflag:$0x2], $0x80, s29, s18, $0xb8;
	v63 =	vld [tilespmem:$0x0]  }
0x3a: {  	_ =	swait.ge [sflag:s23], $0x2800  }
0x3b: {  	[sflag:s23] =	ssyncset.done $0x0  }
0x3c: {  	s29 =	simm.s32 $0xF0;
	[sflag:s23] =	ssyncadd.s32 $0xFFFFD800  }
0x3d: {  	[tilespmem:s19], [sflag:$0x1] =	stream.indirect.gather [hbm4b:s4+s18], $0x80, s29, s18, $0xb8;
	v63 =	vld [tilespmem:$0x0]  }
0x3e: {  	_ =	swait.ge [sflag:s23], $0x2800  }
0x3f: {  	[sflag:s23] =	ssyncset.done $0x0  }
0x40: {  	s29 =	simm.s32 $0x140;
	[sflag:s23] =	ssyncadd.s32 $0xFFFFD800  }
0x41: {  	[tilespmem:s20], [sflag:$0x1] =	stream.indirect.gather [hbm4b:s4+s18], $0x80, s29, s18, $0xb8;
	v63 =	vld [tilespmem:$0x0]  }
0x42: {  	_ =	swait.ge [sflag:s23], $0x2800  }
0x43: {  	[sflag:s23] =	ssyncset.done $0x0  }
0x44: {  	s30 =	simm.s32 $0x190;
	s29 =	simm.s32 $0x3C0;
	[sflag:s23] =	ssyncadd.s32 $0xFFFFD800  }
.LBB2_2:
0x45: {  	[tilespmem:s22], [sflag:$0x1] =	stream.indirect.gather [hbm4b:s4+s18], $0x80, s30, s18, $0xb8;
	v63 =	vld [tilespmem:$0x0]  }
0x46: {  	s30 =	smov.u32 s29  }
0x47: {  	p1 =	sne.s32 s29, $0x9600;
	s29 =	sadd.s32 $0x3C0, s29;
	_ =	swait.ge [sflag:s17], $0x2800  }
0x48: {  	s30 =	sshra.s32 s30, $0x2;
	[sflag:s17] =	ssyncset.done $0x0  }
0x49: {  	s31 =	sadd.s32 $0x2780, s30;
	[sflag:s17] =	ssyncadd.s32 $0xFFFFD800  }
0x4a: {  	[spmem:s2] =	stream.indirect.scatter.add.f32 [tilespmem:s19], [sflag:$0x2], $0x80, s31, s18, $0xb8;
	v63 =	vld [tilespmem:$0x0]  }
0x4b: {  	_ =	swait.ge [sflag:s17], $0x2800  }
0x4c: {  	[sflag:s17] =	ssyncset.done $0x0  }
0x4d: {  	s31 =	sadd.s32 $0x27D0, s30;
	[sflag:s17] =	ssyncadd.s32 $0xFFFFD800  }
0x4e: {  	[spmem:s2] =	stream.indirect.scatter.add.f32 [tilespmem:s20], [sflag:$0x2], $0x80, s31, s18, $0xb8;
	v63 =	vld [tilespmem:$0x0]  }
0x4f: {  	_ =	swait.ge [sflag:s17], $0x2800  }
0x50: {  	[sflag:s17] =	ssyncset.done $0x0  }
0x51: {  	s31 =	sadd.s32 $0x2820, s30;
	[sflag:s17] =	ssyncadd.s32 $0xFFFFD800  }
0x52: {  	[spmem:s2] =	stream.indirect.scatter.add.f32 [tilespmem:s22], [sflag:$0x2], $0x80, s31, s18, $0xb8;
	v63 =	vld [tilespmem:$0x0]  }
0x53: {  	_ =	swait.ge [sflag:s23], $0x2800  }
0x54: {  	[sflag:s23] =	ssyncset.done $0x0  }
0x55: {  	s31 =	sadd.s32 $0xF0, s30;
	[sflag:s23] =	ssyncadd.s32 $0xFFFFD800  }
0x56: {  	[tilespmem:s19], [sflag:$0x1] =	stream.indirect.gather [hbm4b:s4+s18], $0x80, s31, s18, $0xb8;
	v63 =	vld [tilespmem:$0x0]  }
0x57: {  	_ =	swait.ge [sflag:s23], $0x2800  }
0x58: {  	[sflag:s23] =	ssyncset.done $0x0  }
.Ltmp0:
0x59: {  	s31 =	sadd.s32 $0x140, s30;
	[sflag:s23] =	ssyncadd.s32 $0xFFFFD800;
	(pc) =	sbr.rel @p1 .LBB2_2-.Ltmp0, $4  }
0x5a: {  	[tilespmem:s20], [sflag:$0x1] =	stream.indirect.gather [hbm4b:s4+s18], $0x80, s31, s18, $0xb8;
	v63 =	vld [tilespmem:$0x0]  }
0x5b: {  	_ =	swait.ge [sflag:s23], $0x2800  }
0x5c: {  	[sflag:s23] =	ssyncset.done $0x0  }
0x5d: {  	s30 =	sadd.s32 $0x190, s30;
	[sflag:s23] =	ssyncadd.s32 $0xFFFFD800  }
0x5e: {  	[tilespmem:s22], [sflag:$0x1] =	stream.indirect.gather [hbm4b:s4+s18], $0x80, s30, s18, $0xb8;
	v63 =	vld [tilespmem:$0x0]  }
0x5f: {  	_ =	swait.ge [sflag:s17], $0x2800  }
0x60: {  	[sflag:s17] =	ssyncset.done $0x0  }
0x61: {  	[sflag:s17] =	ssyncadd.s32 $0xFFFFD800  }
0x62: {  	[spmem:s2] =	stream.indirect.scatter.add.f32 [tilespmem:s19], [sflag:$0x2], $0x80, s24, s18, $0xb8;
	v63 =	vld [tilespmem:$0x0]  }
0x63: {  	_ =	swait.ge [sflag:s17], $0x2800  }
0x64: {  	[sflag:s17] =	ssyncset.done $0x0  }
0x65: {  	[sflag:s17] =	ssyncadd.s32 $0xFFFFD800  }
0x66: {  	[spmem:s2] =	stream.indirect.scatter.add.f32 [tilespmem:s20], [sflag:$0x2], $0x80, s25, s18, $0xb8;
	v63 =	vld [tilespmem:$0x0]  }
0x67: {  	_ =	swait.ge [sflag:s17], $0x2800  }
0x68: {  	[sflag:s17] =	ssyncset.done $0x0  }
0x69: {  	[sflag:s17] =	ssyncadd.s32 $0xFFFFD800  }
0x6a: {  	[spmem:s2] =	stream.indirect.scatter.add.f32 [tilespmem:s22], [sflag:$0x2], $0x80, s26, s18, $0xb8;
	v63 =	vld [tilespmem:$0x0]  }
0x6b: {  	_ =	swait.ge [sflag:s23], $0x2800  }
0x6c: {  	[sflag:s23] =	ssyncset.done $0x0  }
0x6d: {  	[sflag:s23] =	ssyncadd.s32 $0xFFFFD800  }
0x6e: {  	_ =	swait.ge [sflag:s23], $0x2800  }
0x6f: {  	[sflag:s23] =	ssyncset.done $0x0  }
0x70: {  	[sflag:s23] =	ssyncadd.s32 $0xFFFFD800  }
0x71: {  	_ =	swait.ge [sflag:s23], $0x2800  }
0x72: {  	[sflag:s23] =	ssyncset.done $0x0  }
0x73: {  	[sflag:s23] =	ssyncadd.s32 $0xFFFFD800  }
0x74: {  	s29 =	simm.s32 @p0 $0x1FC3;
	[bflag:$0x0] =	sbarrier.arrive $0xFFFF  }
0x75: {  	[hbm:s9], [sflag:s29] =	dma.local @p0 [spmem:s14], $0x2800  }
0x76: {  	s29 =	simm.s32 @p0 $0x3  }
0x77: {  	_ =	swait.ge @p0 [sflag:s29], $0x2800  }
0x78: {  	s28 =	sadd.s32 $0x1, s28;
	[sflag:s29] =	ssyncset.done @p0 $0x0  }
0x79: {  	p1 =	sne.s32 s28, s11;
	[sflag:s29] =	ssyncadd.s32 @p0 $0xFFFFD800;
	s29 =	sor.u32 @!p0 $0x1C03, s13  }
0x7a: {  	[hbm:s8], [sflag:s29] =	dma.local @!p0 [spmem:s16], $0x2700  }
.Ltmp1:
0x7b: {  	_ = 	snop;
	(pc) =	sbr.rel @p1 .LBB2_1-.Ltmp1, $4  }
0x7c: {  	s29 =	simm.s32 @!p0 $0x3  }
0x7d: {  	_ =	swait.ge @!p0 [sflag:s29], $0x2700  }
0x7e: {  	[sflag:s29] =	ssyncset.done @!p0 $0x0  }
0x7f: {  	[sflag:s29] =	ssyncadd.s32 @!p0 $0xFFFFD900  }
0x80: {  	_ =	sfence.sel $0x180000  }
0x81: {  	[bflag:$0x0] =	sbarrier.arrive $0xFFFF  }
0x82: {  	p0 =	sne.s32 s1, $0x0;
	_ =	strace $0x9000004A  }
0x83: {  	s0 =	sadd.s32 @!p0 $0x100000, s0;
	[bflag:$0x2] =	sbarrier.arrive $0xFFFF  }
0x84: {  	[sflag:s0] =	ssyncadd.tile.s32 @!p0 $0x1;
	_ =	shalt  }
.Lfunc_end2:
_tile_overlayer_lowered:
.L_overlay_start_2:
0x85: {  	(tag) =	ssettag $0x2  }
0x86: {  	s0 =	rddreg [dreg:$0x0];
	s2 =	stileid.u32  }
0x87: {  	s1 =	rddreg [dreg:$0x1];
	p0 =	sne.s32 s2, $0x0  }
0x88: {  	s3 =	rddreg [dreg:$0x2];
	[bflag:$0x3] =	sbarrier.arrive $0xFFFF;
	s2 =	simm.s32 @!p0 $0x1C03  }
0x89: {  	[timem:s3], [sflag:s2] =	dma.local @!p0 [hbm:s0], s1  }
0x8a: {  	s0 =	simm.s32 @!p0 $0x3  }
0x8b: {  	_ =	swait.ge @!p0 [sflag:s0], s1  }
0x8c: {  	s1 =	ssub.s32 @!p0 $0x0, s1;
	[sflag:s0] =	ssyncset.done @!p0 $0x0  }
0x8d: {  	[sflag:s0] =	ssyncadd.s32 @!p0 s1  }
0x8e: {  	[bflag:$0x3] =	sbarrier.arrive $0xFFFF  }
0x8f: {  	_ =	shalt  }

// kernel: kernel.16.cloned.1.call-start
scs
__scs_entry_jumppad:
0x0: {  	(pc) =	sbr.rel $0x88, $3  }
0x1: {  	(tag) =	ssettag $0x0;
	lr =	simm.s32 $0x1  }
0x2: {  	[smem:$0x3F94] =	sst lr;
	_ =	strace $0xD0000000  }
0x3: {  	_ = 	snop  }
0x4: {  	_ = 	snop  }
0x5: {  	_ = 	snop  }
0x6: {  	_ = 	snop  }
0x7: {  	_ = 	snop  }
__scs_overlays_trampoline_lowered:
0x8: {  	[smem:$0x3FA3] =	sst s0  }
0x9: {  	[smem:$0x3FA4] =	sst s1  }
0xa: {  	[smem:$0x3FA5] =	sst s2  }
0xb: {  	[smem:$0x3FA6] =	sst s3  }
0xc: {  	[smem:$0x3FA7] =	sst s4  }
0xd: {  	[smem:$0x3FA8] =	sst s5  }
0xe: {  	[smem:$0x3FA9] =	sst s6  }
0xf: {  	[smem:$0x3FAA] =	sst s7  }
0x10: {  	[smem:$0x3FAB] =	sst s8  }
0x11: {  	[smem:$0x3FAC] =	sst s9;
	s0 =	simm.s32 @!p0 $0x0  }
0x12: {  	s1 =	sld [smem:$0x3F92];
	s0 =	simm.s32 @p0 $0x1  }
0x13: {  	[smem:$0x3FAD] =	sst s0;
	s0 =	simm.s32 @!p1 $0x0  }
0x14: {  	s2 =	sld [smem:$0x3F91];
	s0 =	simm.s32 @p1 $0x1  }
0x15: {  	[smem:$0x3FAE] =	sst s0;
	s0 =	simm.s32 @!p2 $0x0  }
0x16: {  	s3 =	sld [smem:$0x3FDB];
	s0 =	simm.s32 @p2 $0x1  }
0x17: {  	s4 =	simm.s32 $0x1BF5;
	[smem:$0x3FB0] =	sst s0  }
0x18: {  	s0 =	sld [smem:$0x3F93];
	_ =	swait.ge [sflag:s4], $0x0  }
0x19: {  	s7 =	sld [smem:$0x3F94]  }
0x1a: {  	s8 =	sadd.s32 $0xFFFFE003, lr  }
0x1b: {  	s9 =	sadd.s32 $0xFFFFFEF7, lr;
	s5 =	simm.s32 $0xFFFFFFFF;
	p2 =	slt.u32 s8, $0xFFFFF086  }
0x1c: {  	p1 =	slt.u32 s9, $0xF7A;
	s5 =	simm.s32 @!p2 $0x0  }
0x1d: {  	s5 =	simm.s32 @p1 $0x1;
	p0 =	seq.s32 s7, s2  }
0x1e: {  	s7 =	smul.u32 @!p0 $0xF7A, s2;
	p2 =	seq.s32 @!p0 s5, $0x0  }
0x1f: {  	s9 =	smul.u32 $0xF7A, s1;
	s8 =	simm.s32 @!p0 $0x1BF5;
	p2 =	por !p2, p0  }
0x20: {  	[sflag:s8] =	ssyncset.s32 @!p0 $0xFFFFF086;
	s6 =	sadd.s32 @!p0 s3, s7;
	s7 =	simm.s32 @!p0 $0x108  }
0x21: {  	s3 =	sadd.s32 s3, s9;
	s6 =	sadd.s32 @!p0 $0x88, s6;
	s7 =	simm.s32 @p2 $0x1082  }
0x22: {  	[simem:s7], [sflag:s8] =	dma.local @!p0 [hbm:s6], $0xF7A  }
0x23: {  	s9 =	sor.u32 $0xD0000000, s2;
	s6 =	simm.s32 $0x108;
	_ =	swait.ge @!p0 [sflag:s8], $0x0  }
0x24: {  	s3 =	sadd.s32 $0x88, s3;
	s6 =	simm.s32 @!p1 $0x1082;
	[sflag:s4] =	ssyncset.s32 $0xFFFFF086  }
0x25: {  	[simem:s6], [sflag:s4] =	dma.local [hbm:s3], $0xF7A  }
0x26: {  	[smem:$0x3F94] =	sst s1;
	(tag) =	ssettag s2;
	_ =	strace s9  }
0x27: {  	s1 =	sld [smem:$0x3FA4]  }
0x28: {  	s2 =	sld [smem:$0x3FA5]  }
0x29: {  	s4 =	sld [smem:$0x3FA7]  }
0x2a: {  	p0 =	seq.s32 s5, $0x0;
	s5 =	sld [smem:$0x3FA8]  }
0x2b: {  	s6 =	sld [smem:$0x3FA9]  }
0x2c: {  	s7 =	sld [smem:$0x3FAA]  }
0x2d: {  	s3 =	simm.s32 $0x108;
	s8 =	sld [smem:$0x3FAB]  }
0x2e: {  	s3 =	simm.s32 @!p0 $0x1082;
	s9 =	sld [smem:$0x3FAC]  }
0x2f: {  	lr =	sadd.s32 s0, s3;
	s0 =	sld [smem:$0x3FA3]  }
0x30: {  	s3 =	sld [smem:$0x3FA6]  }
0x31: {  	[smem:$0x3FAF] =	sst s10  }
0x32: {  	s10 =	sld [smem:$0x3FAD];
	_ =	sdelay $0x3  }
0x33: {  	p0 =	seq.s32 s10, $0x1;
	s10 =	sld [smem:$0x3FAF];
	_ =	sdelay $0x3  }
0x34: {  	[smem:$0x3FAF] =	sst s10  }
0x35: {  	s10 =	sld [smem:$0x3FAE];
	_ =	sdelay $0x3  }
0x36: {  	p1 =	seq.s32 s10, $0x1;
	s10 =	sld [smem:$0x3FAF];
	_ =	sdelay $0x3  }
0x37: {  	[smem:$0x3FAF] =	sst s10  }
0x38: {  	s10 =	sld [smem:$0x3FB0]  }
0x39: {  	_ = 	snop;
	(pc) =	sbr.ind lr, $3  }
0x3a: {  	_ = 	snop  }
0x3b: {  	_ = 	snop  }
0x3c: {  	p2 =	seq.s32 s10, $0x1;
	s10 =	sld [smem:$0x3FAF]  }
0x3d: {  	_ =	shalt  }
0x3e: {  	_ =	shalt  }
0x3f: {  	_ =	shalt  }
0x40: {  	_ =	shalt  }
0x41: {  	_ =	shalt  }
0x42: {  	_ =	shalt  }
0x43: {  	_ =	shalt  }
0x44: {  	_ =	shalt  }
0x45: {  	_ =	shalt  }
0x46: {  	_ =	shalt  }
0x47: {  	_ =	shalt  }
0x48: {  	_ =	shalt  }
0x49: {  	_ =	shalt  }
0x4a: {  	_ =	shalt  }
0x4b: {  	_ =	shalt  }
0x4c: {  	_ =	shalt  }
0x4d: {  	_ =	shalt  }
0x4e: {  	_ =	shalt  }
0x4f: {  	_ =	shalt  }
0x50: {  	_ =	shalt  }
0x51: {  	_ =	shalt  }
0x52: {  	_ =	shalt  }
0x53: {  	_ =	shalt  }
0x54: {  	_ =	shalt  }
0x55: {  	_ =	shalt  }
0x56: {  	_ =	shalt  }
0x57: {  	_ =	shalt  }
0x58: {  	_ =	shalt  }
0x59: {  	_ =	shalt  }
0x5a: {  	_ =	shalt  }
0x5b: {  	_ =	shalt  }
0x5c: {  	_ =	shalt  }
0x5d: {  	_ =	shalt  }
0x5e: {  	_ =	shalt  }
0x5f: {  	_ =	shalt  }
0x60: {  	_ =	shalt  }
0x61: {  	_ =	shalt  }
0x62: {  	_ =	shalt  }
0x63: {  	_ =	shalt  }
0x64: {  	_ =	shalt  }
0x65: {  	_ =	shalt  }
0x66: {  	_ =	shalt  }
0x67: {  	_ =	shalt  }
0x68: {  	_ =	shalt  }
0x69: {  	_ =	shalt  }
0x6a: {  	_ =	shalt  }
0x6b: {  	_ =	shalt  }
0x6c: {  	_ =	shalt  }
0x6d: {  	_ =	shalt  }
0x6e: {  	_ =	shalt  }
0x6f: {  	_ =	shalt  }
0x70: {  	_ =	shalt  }
0x71: {  	_ =	shalt  }
0x72: {  	_ =	shalt  }
0x73: {  	_ =	shalt  }
0x74: {  	_ =	shalt  }
0x75: {  	_ =	shalt  }
0x76: {  	_ =	shalt  }
0x77: {  	_ =	shalt  }
0x78: {  	_ =	shalt  }
0x79: {  	_ =	shalt  }
0x7a: {  	_ =	shalt  }
0x7b: {  	_ =	shalt  }
0x7c: {  	_ =	shalt  }
0x7d: {  	_ =	shalt  }
0x7e: {  	_ =	shalt  }
0x7f: {  	_ =	shalt  }
0x80: {  	_ =	shalt  }
0x81: {  	_ =	shalt  }
0x82: {  	_ =	shalt  }
0x83: {  	_ =	shalt  }
0x84: {  	_ =	shalt  }
0x85: {  	_ =	shalt  }
0x86: {  	_ =	shalt  }
0x87: {  	_ =	shalt  }
.Lfunc_end0:
.L_simem_size_0:
called_computation.2_lowered:
.L_overlay_start_0:
0x88: {  	s2 =	sld [smem:$0x3FD9]  }
0x89: {  	s3 =	sld [smem:$0x3FFE];
	_ =	sdelay $0x1  }
0x8a: {  	s1 =	srdreg.scid  }
0x8b: {  	s0 =	sand.u32 $0x1, s1  }
0x8c: {  	s16 =	sshll.u32 s0, $0xA;
	s2 =	sadd.s32 s3, s2  }
0x8d: {  	s2 =	sadd.s32 s2, s16  }
0x8e: {  	[smem:$0x3FBB] =	sst s2  }
0x8f: {  	_ = 	snop  }
0x90: {  	(tm) =	ssettm $0x1  }
0x91: {  	s17 =	sld [smem:$0x3FFB];
	_ =	sdelay $0x3  }
0x92: {  	_ =	strace s17  }
0x93: {  	s2 =	sld [smem:$0x3FFC];
	_ =	sdelay $0x3  }
0x94: {  	_ =	strace s2  }
0x95: {  	s2 =	sld [smem:$0x3FFD];
	_ =	sdelay $0x3  }
0x96: {  	_ =	strace s2  }
0x97: {  	_ =	strace $0x8FFFFFFF  }
0x98: {  	s18 =	sld [smem:$0x3FDB];
	_ =	sdelay $0x1  }
0x99: {  	s19 =	simm.s32 $_scs_section_size  }
0x9a: {  	s4 =	simm.s32 $_size__tile_overlayer_lowered;
	s5 =	simm.s32 $_tile_overlayer_lowered  }
0x9b: {  	s22 =	simm.s32 $0x1BFF;
	s21 =	sshll.u32 s5, $0x1;
	s2 =	sadd.s32 s19, s18  }
0x9c: {  	s6 =	simm.s32 $0x0;
	s20 =	sshll.u32 s4, $0x1;
	s4 =	sadd.s32 s21, s2  }
0x9d: {  	[timem:s6], [sflag:s22] =	dma.local [hbm:s4], s20  }
0x9e: {  	_ =	swait.ge [sflag:s22], s20  }
0x9f: {  	s3 =	ssub.s32 $0x0, s20;
	[sflag:s22] =	ssyncset.done $0x0  }
0xa0: {  	[sflag:s22] =	ssyncadd.s32 s3;
	_ =	sdelay $0x1  }
0xa1: {  	s23 =	simm.s32 $0x1B8B  }
0xa2: {  	_ =	swait.ge [sflag:s23], $0x1  }
0xa3: {  	[sflag:s23] =	ssyncset.done $0x0  }
0xa4: {  	s25 =	simm.s32 $0x1B8E;
	s24 =	sld [smem:$0x3FFE];
	[sflag:s23] =	ssyncadd.s32 $0xFFFFFFFF  }
0xa5: {  	s26 =	simm.s32 $execute0_lowered;
	[smem:$0x3FD2] =	sst s25  }
0xa6: {  	s4 =	sshll.u32 s26, $0x1;
	_ =	strace $0x8000004C;
	[dreg:$0x1] =	wrdreg $0xFFFFFFFF  }
0xa7: {  	s28 =	simm.s32 $_size_execute0_lowered;
	s2 =	sadd.s32 s2, s4;
	[dreg:$0x0] =	wrdreg $0x0  }
0xa8: {  	s4 =	sshll.u32 s28, $0x1;
	[dreg:$0x2] =	wrdreg s2  }
0xa9: {  	[dreg:$0x3] =	wrdreg s4  }
0xaa: {  	[dreg:$0x4] =	wrdreg $0xC0  }
0xab: {  	_ =	task [dreg:s6], $0x5FFFF  }
0xac: {  	[dreg:$0x1] =	wrdreg $0xFFFFFFFF  }
0xad: {  	[dreg:$0x0] =	wrdreg $0x60  }
0xae: {  	[dreg:$0x2] =	wrdreg s24  }
0xaf: {  	[dreg:$0x3] =	wrdreg $0xC7000  }
0xb0: {  	[dreg:$0x4] =	wrdreg $0x9  }
0xb1: {  	_ =	task.clear_ibuf [dreg:s6], $0x5FFFF;
	_ =	strace $0x9000004C  }
0xb2: {  	s29 =	simm.s32 $0x9;
	_ =	strace $0x8000004E  }
0xb3: {  	_ =	swait.ge [sflag:s29], $0x1  }
0xb4: {  	[sflag:s29] =	ssyncadd.s32 $0xFFFFFFFF  }
0xb5: {  	_ =	strace $0x9000004E  }
0xb6: {  	_ =	sfence  }
0xb7: {  	s30 =	sld [smem:$0x0];
	_ =	sdelay $0x2  }
0xb8: {  	s31 =	sshll.u32 s1, $0xD;
	s1 =	sshrl.u32 s1, $0x2  }
0xb9: {  	s3 =	sand.u32 $0x4000, s31;
	s1 =	sadd.s32 s1, s30  }
0xba: {  	s0 =	sor.u32 s3, s0;
	s1 =	sshll.u32 s1, $0x11  }
0xbb: {  	s0 =	sor.u32 s1, s0  }
0xbc: {  	s0 =	sadd.s32 $0x8F2B, s0  }
0xbd: {  	[sflag:s0] =	ssyncadd.remote.s32 $0x1  }
0xbe: {  	_ =	sfence.sel $0xFFFF  }
0xbf: {  	[dreg:$0x0] =	wrdreg $0xFFFFFFFF;
	(pc) =	sbr.abs _section_cstart, $3  }
0xc0: {  	[dreg:$0x1] =	wrdreg $0xFFFFFFFF  }
0xc1: {  	_ =	task.clear_ibuf [dreg:s6], $0x2FFFF;
	_ =	strace $0x9FFFFFFF  }
0xc2: {  	(tm) =	ssettm $0x7FFFFFFF  }
0xc3: {  	_ =	shalt  }
tec
execute0_lowered:
.L_overlay_start_1:
0x0: {  	(tag) =	ssettag $0x1  }
0x1: {  	s0 =	srdreg.scid;
	s8 =	rddreg [dreg:$0x0]  }
0x2: {  	s2 =	rddreg [dreg:$0x1];
	s1 =	stileid.u32  }
0x3: {  	s3 =	simm.s32 $0x0;
	s19 =	simm.s32 $0x4F00;
	s20 =	simm.s32 $0x7700  }
0x4: {  	s21 =	simm.s32 $0xA0;
	s22 =	simm.s32 $0x9F00;
	s23 =	simm.s32 $0x2  }
0x5: {  	s24 =	simm.s32 $0x4DF0;
	s25 =	simm.s32 $0x4E40;
	s28 =	simm.s32 $0x0  }
0x6: {  	s12 =	sand.u32 $0x1, s0;
	s0 =	rddreg [dreg:$0x2];
	s10 =	smul.u32 $0x4E000, s1  }
0x7: {  	[smem:$0x7FF] =	sst s3;
	s11 =	sadd.s32 $0x40200, s8;
	s26 =	smul.u32 $0x2700, s1  }
0x8: {  	s29 =	smul.u32 $0x13800, s1;
	s17 =	sadd.s32 $0x124800, s2;
	s18 =	sadd.s32 $0x3D900, s8  }
0x9: {  	p0 =	seq.s32 s1, $0xF;
	s4 =	sshll.u32 s12, $0x4;
	_ =	strace $0x8000004D  }
0xa: {  	s6 =	ssub.s32 $0x2, s12;
	s14 =	smul.u32 $0x138800, s12;
	p1 =	sne.s32 @p0 s12, $0x0  }
0xb: {  	s4 =	sor.u32 s1, s4;
	s9 =	sshrl.u32 s6, $0x1;
	s10 =	sshrl.u32 s10, $0x2  }
0xc: {  	p1 =	por !p1, !p0;
	s5 =	smul.u32 $0x4EC, s4;
	s4 =	sadd.s32 $0x19000, s8  }
0xd: {  	s13 =	ssub.s32 s6, s9;
	s16 =	sadd.s32 s10, s2;
	s30 =	sadd.s32 s29, s14  }
0xe: {  	s31 =	sshrl.u32 s14, $0x3;
	s14 =	sshrl.u32 @p0 s17, $0x3;
	s17 =	simm.s32 $0x1  }
0xf: {  	s15 =	sadd.s32 s4, s26;
	s9 =	sadd.s32 s11, s31;
	s16 =	sshrl.u32 @!p0 s16, $0x3  }
0x10: {  	s26 =	simm.s32 $0x4E90;
	s7 =	sadd.s32 s5, s8;
	s5 =	sadd.s32 $0x16800, s8  }
0x11: {  	s8 =	sshrl.u32 s30, $0x3;
	s9 =	sadd.s32 $0x24900, s9;
	s6 =	sadd.s32 $0x2C00, s7  }
0x12: {  	s7 =	sadd.s32 $0xCA00, s7;
	s8 =	sadd.s32 s11, s8;
	s10 =	smov.u32 s5  }
0x13: {  	s11 =	smax.u32 s13, $0x1;
	s10 =	smov.u32 @p1 s18;
	p1 =	sne.s32 @!p0 s12, $0x0  }
0x14: {  	s13 =	sshll.u32 @!p0 s1, $0x6;
	s12 =	simm.s32 $0x2780;
	p1 =	por !p1, p0  }
0x15: {  	s18 =	simm.s32 $0x50;
	s5 =	smov.u32 @p1 s15;
	s15 =	sor.u32 @!p0 $0x1C02, s13  }
.LBB2_1:
0x16: {  	[tilespmem:s3], [sflag:$0x1] =	stream.linear.gather [hbm4b:s6+s3], $0x2760, $0x38;
	v63 =	vld [tilespmem:$0x0]  }
0x17: {  	s29 =	simm.s32 @p0 $0x1FC2  }
0x18: {  	[tilespmem:s12], [sflag:$0x1] =	stream.linear.gather [hbm4b:s7+s3], $0x2760, $0x38;
	v63 =	vld [tilespmem:$0x0]  }
0x19: {  	[spmem:s14], [sflag:s29] =	dma.local @p0 [hbm:s10], $0x2800  }
0x1a: {  	s29 =	simm.s32 @p0 $0x2  }
0x1b: {  	_ =	swait.ge @p0 [sflag:s29], $0x2800  }
0x1c: {  	[sflag:s29] =	ssyncset.done @p0 $0x0  }
0x1d: {  	[sflag:s29] =	ssyncadd.s32 @p0 $0xFFFFD800;
	s29 =	simm.s32 @!p0 $0x2  }
0x1e: {  	[spmem:s16], [sflag:s15] =	dma.local @!p0 [hbm:s5], $0x2700  }
0x1f: {  	_ =	swait.ge @!p0 [sflag:s29], $0x2700  }
0x20: {  	[sflag:s29] =	ssyncset.done @!p0 $0x0  }
0x21: {  	[sflag:s29] =	ssyncadd.s32 @!p0 $0xFFFFD900  }
0x22: {  	_ =	swait.ge [sflag:s17], $0x2760  }
0x23: {  	[sflag:s17] =	ssyncset.done $0x0  }
0x24: {  	[sflag:s17] =	ssyncadd.s32 $0xFFFFD8A0  }
0x25: {  	_ =	swait.ge [sflag:s17], $0x2760  }
0x26: {  	[sflag:s17] =	ssyncset.done $0x0  }
0x27: {  	[sflag:s17] =	ssyncadd.s32 $0xFFFFD8A0  }
0x28: {  	[bflag:$0x0] =	sbarrier.arrive $0xFFFF  }
0x29: {  	[tilespmem:s19], [sflag:$0x1] =	stream.indirect.gather [hbm4b:s4+s18], $0x80, s3, s18, $0xb8;
	v63 =	vld [tilespmem:$0x0]  }
0x2a: {  	_ = 	snop  }
0x2b: {  	[tilespmem:s20], [sflag:$0x1] =	stream.indirect.gather [hbm4b:s4+s18], $0x80, s18, s18, $0xb8;
	v63 =	vld [tilespmem:$0x0]  }
0x2c: {  	_ = 	snop  }
0x2d: {  	[tilespmem:s22], [sflag:$0x1] =	stream.indirect.gather [hbm4b:s4+s18], $0x80, s21, s18, $0xb8;
	v63 =	vld [tilespmem:$0x0]  }
0x2e: {  	_ =	swait.ge [sflag:s17], $0x2800  }
0x2f: {  	[sflag:s17] =	ssyncset.done $0x0  }
0x30: {  	s29 =	simm.s32 $0x2780;
	[sflag:s17] =	ssyncadd.s32 $0xFFFFD800  }
0x31: {  	[spmem:s2] =	stream.indirect.scatter.add.f32 [tilespmem:s19], [sflag:$0x2], $0x80, s29, s18, $0xb8;
	v63 =	vld [tilespmem:$0x0]  }
0x32: {  	_ =	swait.ge [sflag:s17], $0x2800  }
0x33: {  	[sflag:s17] =	ssyncset.done $0x0  }
0x34: {  	s29 =	simm.s32 $0x27D0;
	[sflag:s17] =	ssyncadd.s32 $0xFFFFD800  }
0x35: {  	[spmem:s2] =	stream.indirect.scatter.add.f32 [tilespmem:s20], [sflag:$0x2], $0x80, s29, s18, $0xb8;
	v63 =	vld [tilespmem:$0x0]  }
0x36: {  	_ =	swait.ge [sflag:s17], $0x2800  }
0x37: {  	[sflag:s17] =	ssyncset.done $0x0  }
0x38: {  	s29 =	simm.s32 $0x2820;
	[sflag:s17] =	ssyncadd.s32 $0xFFFFD800  }
0x39: {  	[spmem:s2] =	stream.indirect.scatter.add.f32 [tilespmem:s22], [sflag:$0x2], $0x80, s29, s18, $0xb8;
	v63 =	vld [tilespmem:$0x0]  }
0x3a: {  	_ =	swait.ge [sflag:s23], $0x2800  }
0x3b: {  	[sflag:s23] =	ssyncset.done $0x0  }
0x3c: {  	s29 =	simm.s32 $0xF0;
	[sflag:s23] =	ssyncadd.s32 $0xFFFFD800  }
0x3d: {  	[tilespmem:s19], [sflag:$0x1] =	stream.indirect.gather [hbm4b:s4+s18], $0x80, s29, s18, $0xb8;
	v63 =	vld [tilespmem:$0x0]  }
0x3e: {  	_ =	swait.ge [sflag:s23], $0x2800  }
0x3f: {  	[sflag:s23] =	ssyncset.done $0x0  }
0x40: {  	s29 =	simm.s32 $0x140;
	[sflag:s23] =	ssyncadd.s32 $0xFFFFD800  }
0x41: {  	[tilespmem:s20], [sflag:$0x1] =	stream.indirect.gather [hbm4b:s4+s18], $0x80, s29, s18, $0xb8;
	v63 =	vld [tilespmem:$0x0]  }
0x42: {  	_ =	swait.ge [sflag:s23], $0x2800  }
0x43: {  	[sflag:s23] =	ssyncset.done $0x0  }
0x44: {  	s30 =	simm.s32 $0x190;
	s29 =	simm.s32 $0x3C0;
	[sflag:s23] =	ssyncadd.s32 $0xFFFFD800  }
.LBB2_2:
0x45: {  	[tilespmem:s22], [sflag:$0x1] =	stream.indirect.gather [hbm4b:s4+s18], $0x80, s30, s18, $0xb8;
	v63 =	vld [tilespmem:$0x0]  }
0x46: {  	s30 =	smov.u32 s29  }
0x47: {  	p1 =	sne.s32 s29, $0x9600;
	s29 =	sadd.s32 $0x3C0, s29;
	_ =	swait.ge [sflag:s17], $0x2800  }
0x48: {  	s30 =	sshra.s32 s30, $0x2;
	[sflag:s17] =	ssyncset.done $0x0  }
0x49: {  	s31 =	sadd.s32 $0x2780, s30;
	[sflag:s17] =	ssyncadd.s32 $0xFFFFD800  }
0x4a: {  	[spmem:s2] =	stream.indirect.scatter.add.f32 [tilespmem:s19], [sflag:$0x2], $0x80, s31, s18, $0xb8;
	v63 =	vld [tilespmem:$0x0]  }
0x4b: {  	_ =	swait.ge [sflag:s17], $0x2800  }
0x4c: {  	[sflag:s17] =	ssyncset.done $0x0  }
0x4d: {  	s31 =	sadd.s32 $0x27D0, s30;
	[sflag:s17] =	ssyncadd.s32 $0xFFFFD800  }
0x4e: {  	[spmem:s2] =	stream.indirect.scatter.add.f32 [tilespmem:s20], [sflag:$0x2], $0x80, s31, s18, $0xb8;
	v63 =	vld [tilespmem:$0x0]  }
0x4f: {  	_ =	swait.ge [sflag:s17], $0x2800  }
0x50: {  	[sflag:s17] =	ssyncset.done $0x0  }
0x51: {  	s31 =	sadd.s32 $0x2820, s30;
	[sflag:s17] =	ssyncadd.s32 $0xFFFFD800  }
0x52: {  	[spmem:s2] =	stream.indirect.scatter.add.f32 [tilespmem:s22], [sflag:$0x2], $0x80, s31, s18, $0xb8;
	v63 =	vld [tilespmem:$0x0]  }
0x53: {  	_ =	swait.ge [sflag:s23], $0x2800  }
0x54: {  	[sflag:s23] =	ssyncset.done $0x0  }
0x55: {  	s31 =	sadd.s32 $0xF0, s30;
	[sflag:s23] =	ssyncadd.s32 $0xFFFFD800  }
0x56: {  	[tilespmem:s19], [sflag:$0x1] =	stream.indirect.gather [hbm4b:s4+s18], $0x80, s31, s18, $0xb8;
	v63 =	vld [tilespmem:$0x0]  }
0x57: {  	_ =	swait.ge [sflag:s23], $0x2800  }
0x58: {  	[sflag:s23] =	ssyncset.done $0x0  }
.Ltmp0:
0x59: {  	s31 =	sadd.s32 $0x140, s30;
	[sflag:s23] =	ssyncadd.s32 $0xFFFFD800;
	(pc) =	sbr.rel @p1 .LBB2_2-.Ltmp0, $4  }
0x5a: {  	[tilespmem:s20], [sflag:$0x1] =	stream.indirect.gather [hbm4b:s4+s18], $0x80, s31, s18, $0xb8;
	v63 =	vld [tilespmem:$0x0]  }
0x5b: {  	_ =	swait.ge [sflag:s23], $0x2800  }
0x5c: {  	[sflag:s23] =	ssyncset.done $0x0  }
0x5d: {  	s30 =	sadd.s32 $0x190, s30;
	[sflag:s23] =	ssyncadd.s32 $0xFFFFD800  }
0x5e: {  	[tilespmem:s22], [sflag:$0x1] =	stream.indirect.gather [hbm4b:s4+s18], $0x80, s30, s18, $0xb8;
	v63 =	vld [tilespmem:$0x0]  }
0x5f: {  	_ =	swait.ge [sflag:s17], $0x2800  }
0x60: {  	[sflag:s17] =	ssyncset.done $0x0  }
0x61: {  	[sflag:s17] =	ssyncadd.s32 $0xFFFFD800  }
0x62: {  	[spmem:s2] =	stream.indirect.scatter.add.f32 [tilespmem:s19], [sflag:$0x2], $0x80, s24, s18, $0xb8;
	v63 =	vld [tilespmem:$0x0]  }
0x63: {  	_ =	swait.ge [sflag:s17], $0x2800  }
0x64: {  	[sflag:s17] =	ssyncset.done $0x0  }
0x65: {  	[sflag:s17] =	ssyncadd.s32 $0xFFFFD800  }
0x66: {  	[spmem:s2] =	stream.indirect.scatter.add.f32 [tilespmem:s20], [sflag:$0x2], $0x80, s25, s18, $0xb8;
	v63 =	vld [tilespmem:$0x0]  }
0x67: {  	_ =	swait.ge [sflag:s17], $0x2800  }
0x68: {  	[sflag:s17] =	ssyncset.done $0x0  }
0x69: {  	[sflag:s17] =	ssyncadd.s32 $0xFFFFD800  }
0x6a: {  	[spmem:s2] =	stream.indirect.scatter.add.f32 [tilespmem:s22], [sflag:$0x2], $0x80, s26, s18, $0xb8;
	v63 =	vld [tilespmem:$0x0]  }
0x6b: {  	_ =	swait.ge [sflag:s23], $0x2800  }
0x6c: {  	[sflag:s23] =	ssyncset.done $0x0  }
0x6d: {  	[sflag:s23] =	ssyncadd.s32 $0xFFFFD800  }
0x6e: {  	_ =	swait.ge [sflag:s23], $0x2800  }
0x6f: {  	[sflag:s23] =	ssyncset.done $0x0  }
0x70: {  	[sflag:s23] =	ssyncadd.s32 $0xFFFFD800  }
0x71: {  	_ =	swait.ge [sflag:s23], $0x2800  }
0x72: {  	[sflag:s23] =	ssyncset.done $0x0  }
0x73: {  	[sflag:s23] =	ssyncadd.s32 $0xFFFFD800  }
0x74: {  	s29 =	simm.s32 @p0 $0x1FC3;
	[bflag:$0x0] =	sbarrier.arrive $0xFFFF  }
0x75: {  	[hbm:s9], [sflag:s29] =	dma.local @p0 [spmem:s14], $0x2800  }
0x76: {  	s29 =	simm.s32 @p0 $0x3  }
0x77: {  	_ =	swait.ge @p0 [sflag:s29], $0x2800  }
0x78: {  	s28 =	sadd.s32 $0x1, s28;
	[sflag:s29] =	ssyncset.done @p0 $0x0  }
0x79: {  	p1 =	sne.s32 s28, s11;
	[sflag:s29] =	ssyncadd.s32 @p0 $0xFFFFD800;
	s29 =	sor.u32 @!p0 $0x1C03, s13  }
0x7a: {  	[hbm:s8], [sflag:s29] =	dma.local @!p0 [spmem:s16], $0x2700  }
.Ltmp1:
0x7b: {  	_ = 	snop;
	(pc) =	sbr.rel @p1 .LBB2_1-.Ltmp1, $4  }
0x7c: {  	s29 =	simm.s32 @!p0 $0x3  }
0x7d: {  	_ =	swait.ge @!p0 [sflag:s29], $0x2700  }
0x7e: {  	[sflag:s29] =	ssyncset.done @!p0 $0x0  }
0x7f: {  	[sflag:s29] =	ssyncadd.s32 @!p0 $0xFFFFD900  }
0x80: {  	_ =	sfence.sel $0x180000  }
0x81: {  	[bflag:$0x0] =	sbarrier.arrive $0xFFFF  }
0x82: {  	p0 =	sne.s32 s1, $0x0;
	_ =	strace $0x9000004D  }
0x83: {  	s0 =	sadd.s32 @!p0 $0x100000, s0;
	[bflag:$0x2] =	sbarrier.arrive $0xFFFF  }
0x84: {  	[sflag:s0] =	ssyncadd.tile.s32 @!p0 $0x1;
	_ =	shalt  }
.Lfunc_end2:
_tile_overlayer_lowered:
.L_overlay_start_2:
0x85: {  	(tag) =	ssettag $0x2  }
0x86: {  	s0 =	rddreg [dreg:$0x0];
	s2 =	stileid.u32  }
0x87: {  	s1 =	rddreg [dreg:$0x1];
	p0 =	sne.s32 s2, $0x0  }
0x88: {  	s3 =	rddreg [dreg:$0x2];
	[bflag:$0x3] =	sbarrier.arrive $0xFFFF;
	s2 =	simm.s32 @!p0 $0x1C03  }
0x89: {  	[timem:s3], [sflag:s2] =	dma.local @!p0 [hbm:s0], s1  }
0x8a: {  	s0 =	simm.s32 @!p0 $0x3  }
0x8b: {  	_ =	swait.ge @!p0 [sflag:s0], s1  }
0x8c: {  	s1 =	ssub.s32 @!p0 $0x0, s1;
	[sflag:s0] =	ssyncset.done @!p0 $0x0  }
0x8d: {  	[sflag:s0] =	ssyncadd.s32 @!p0 s1  }
0x8e: {  	[bflag:$0x3] =	sbarrier.arrive $0xFFFF  }
0x8f: {  	_ =	shalt  }

// kernel: kernel.19.cloned.1.call-start
scs
__scs_entry_jumppad:
0x0: {  	(pc) =	sbr.rel $0x88, $3  }
0x1: {  	(tag) =	ssettag $0x0;
	lr =	simm.s32 $0x1  }
0x2: {  	[smem:$0x3F94] =	sst lr;
	_ =	strace $0xD0000000  }
0x3: {  	_ = 	snop  }
0x4: {  	_ = 	snop  }
0x5: {  	_ = 	snop  }
0x6: {  	_ = 	snop  }
0x7: {  	_ = 	snop  }
__scs_overlays_trampoline_lowered:
0x8: {  	[smem:$0x3FA3] =	sst s0  }
0x9: {  	[smem:$0x3FA4] =	sst s1  }
0xa: {  	[smem:$0x3FA5] =	sst s2  }
0xb: {  	[smem:$0x3FA6] =	sst s3  }
0xc: {  	[smem:$0x3FA7] =	sst s4  }
0xd: {  	[smem:$0x3FA8] =	sst s5  }
0xe: {  	[smem:$0x3FA9] =	sst s6  }
0xf: {  	[smem:$0x3FAA] =	sst s7  }
0x10: {  	[smem:$0x3FAB] =	sst s8  }
0x11: {  	[smem:$0x3FAC] =	sst s9;
	s0 =	simm.s32 @!p0 $0x0  }
0x12: {  	s1 =	sld [smem:$0x3F92];
	s0 =	simm.s32 @p0 $0x1  }
0x13: {  	[smem:$0x3FAD] =	sst s0;
	s0 =	simm.s32 @!p1 $0x0  }
0x14: {  	s2 =	sld [smem:$0x3F91];
	s0 =	simm.s32 @p1 $0x1  }
0x15: {  	[smem:$0x3FAE] =	sst s0;
	s0 =	simm.s32 @!p2 $0x0  }
0x16: {  	s3 =	sld [smem:$0x3FDB];
	s0 =	simm.s32 @p2 $0x1  }
0x17: {  	s4 =	simm.s32 $0x1BF5;
	[smem:$0x3FB0] =	sst s0  }
0x18: {  	s0 =	sld [smem:$0x3F93];
	_ =	swait.ge [sflag:s4], $0x0  }
0x19: {  	s7 =	sld [smem:$0x3F94]  }
0x1a: {  	s8 =	sadd.s32 $0xFFFFE003, lr  }
0x1b: {  	s9 =	sadd.s32 $0xFFFFFEF7, lr;
	s5 =	simm.s32 $0xFFFFFFFF;
	p2 =	slt.u32 s8, $0xFFFFF086  }
0x1c: {  	p1 =	slt.u32 s9, $0xF7A;
	s5 =	simm.s32 @!p2 $0x0  }
0x1d: {  	s5 =	simm.s32 @p1 $0x1;
	p0 =	seq.s32 s7, s2  }
0x1e: {  	s7 =	smul.u32 @!p0 $0xF7A, s2;
	p2 =	seq.s32 @!p0 s5, $0x0  }
0x1f: {  	s9 =	smul.u32 $0xF7A, s1;
	s8 =	simm.s32 @!p0 $0x1BF5;
	p2 =	por !p2, p0  }
0x20: {  	[sflag:s8] =	ssyncset.s32 @!p0 $0xFFFFF086;
	s6 =	sadd.s32 @!p0 s3, s7;
	s7 =	simm.s32 @!p0 $0x108  }
0x21: {  	s3 =	sadd.s32 s3, s9;
	s6 =	sadd.s32 @!p0 $0x88, s6;
	s7 =	simm.s32 @p2 $0x1082  }
0x22: {  	[simem:s7], [sflag:s8] =	dma.local @!p0 [hbm:s6], $0xF7A  }
0x23: {  	s9 =	sor.u32 $0xD0000000, s2;
	s6 =	simm.s32 $0x108;
	_ =	swait.ge @!p0 [sflag:s8], $0x0  }
0x24: {  	s3 =	sadd.s32 $0x88, s3;
	s6 =	simm.s32 @!p1 $0x1082;
	[sflag:s4] =	ssyncset.s32 $0xFFFFF086  }
0x25: {  	[simem:s6], [sflag:s4] =	dma.local [hbm:s3], $0xF7A  }
0x26: {  	[smem:$0x3F94] =	sst s1;
	(tag) =	ssettag s2;
	_ =	strace s9  }
0x27: {  	s1 =	sld [smem:$0x3FA4]  }
0x28: {  	s2 =	sld [smem:$0x3FA5]  }
0x29: {  	s4 =	sld [smem:$0x3FA7]  }
0x2a: {  	p0 =	seq.s32 s5, $0x0;
	s5 =	sld [smem:$0x3FA8]  }
0x2b: {  	s6 =	sld [smem:$0x3FA9]  }
0x2c: {  	s7 =	sld [smem:$0x3FAA]  }
0x2d: {  	s3 =	simm.s32 $0x108;
	s8 =	sld [smem:$0x3FAB]  }
0x2e: {  	s3 =	simm.s32 @!p0 $0x1082;
	s9 =	sld [smem:$0x3FAC]  }
0x2f: {  	lr =	sadd.s32 s0, s3;
	s0 =	sld [smem:$0x3FA3]  }
0x30: {  	s3 =	sld [smem:$0x3FA6]  }
0x31: {  	[smem:$0x3FAF] =	sst s10  }
0x32: {  	s10 =	sld [smem:$0x3FAD];
	_ =	sdelay $0x3  }
0x33: {  	p0 =	seq.s32 s10, $0x1;
	s10 =	sld [smem:$0x3FAF];
	_ =	sdelay $0x3  }
0x34: {  	[smem:$0x3FAF] =	sst s10  }
0x35: {  	s10 =	sld [smem:$0x3FAE];
	_ =	sdelay $0x3  }
0x36: {  	p1 =	seq.s32 s10, $0x1;
	s10 =	sld [smem:$0x3FAF];
	_ =	sdelay $0x3  }
0x37: {  	[smem:$0x3FAF] =	sst s10  }
0x38: {  	s10 =	sld [smem:$0x3FB0]  }
0x39: {  	_ = 	snop;
	(pc) =	sbr.ind lr, $3  }
0x3a: {  	_ = 	snop  }
0x3b: {  	_ = 	snop  }
0x3c: {  	p2 =	seq.s32 s10, $0x1;
	s10 =	sld [smem:$0x3FAF]  }
0x3d: {  	_ =	shalt  }
0x3e: {  	_ =	shalt  }
0x3f: {  	_ =	shalt  }
0x40: {  	_ =	shalt  }
0x41: {  	_ =	shalt  }
0x42: {  	_ =	shalt  }
0x43: {  	_ =	shalt  }
0x44: {  	_ =	shalt  }
0x45: {  	_ =	shalt  }
0x46: {  	_ =	shalt  }
0x47: {  	_ =	shalt  }
0x48: {  	_ =	shalt  }
0x49: {  	_ =	shalt  }
0x4a: {  	_ =	shalt  }
0x4b: {  	_ =	shalt  }
0x4c: {  	_ =	shalt  }
0x4d: {  	_ =	shalt  }
0x4e: {  	_ =	shalt  }
0x4f: {  	_ =	shalt  }
0x50: {  	_ =	shalt  }
0x51: {  	_ =	shalt  }
0x52: {  	_ =	shalt  }
0x53: {  	_ =	shalt  }
0x54: {  	_ =	shalt  }
0x55: {  	_ =	shalt  }
0x56: {  	_ =	shalt  }
0x57: {  	_ =	shalt  }
0x58: {  	_ =	shalt  }
0x59: {  	_ =	shalt  }
0x5a: {  	_ =	shalt  }
0x5b: {  	_ =	shalt  }
0x5c: {  	_ =	shalt  }
0x5d: {  	_ =	shalt  }
0x5e: {  	_ =	shalt  }
0x5f: {  	_ =	shalt  }
0x60: {  	_ =	shalt  }
0x61: {  	_ =	shalt  }
0x62: {  	_ =	shalt  }
0x63: {  	_ =	shalt  }
0x64: {  	_ =	shalt  }
0x65: {  	_ =	shalt  }
0x66: {  	_ =	shalt  }
0x67: {  	_ =	shalt  }
0x68: {  	_ =	shalt  }
0x69: {  	_ =	shalt  }
0x6a: {  	_ =	shalt  }
0x6b: {  	_ =	shalt  }
0x6c: {  	_ =	shalt  }
0x6d: {  	_ =	shalt  }
0x6e: {  	_ =	shalt  }
0x6f: {  	_ =	shalt  }
0x70: {  	_ =	shalt  }
0x71: {  	_ =	shalt  }
0x72: {  	_ =	shalt  }
0x73: {  	_ =	shalt  }
0x74: {  	_ =	shalt  }
0x75: {  	_ =	shalt  }
0x76: {  	_ =	shalt  }
0x77: {  	_ =	shalt  }
0x78: {  	_ =	shalt  }
0x79: {  	_ =	shalt  }
0x7a: {  	_ =	shalt  }
0x7b: {  	_ =	shalt  }
0x7c: {  	_ =	shalt  }
0x7d: {  	_ =	shalt  }
0x7e: {  	_ =	shalt  }
0x7f: {  	_ =	shalt  }
0x80: {  	_ =	shalt  }
0x81: {  	_ =	shalt  }
0x82: {  	_ =	shalt  }
0x83: {  	_ =	shalt  }
0x84: {  	_ =	shalt  }
0x85: {  	_ =	shalt  }
0x86: {  	_ =	shalt  }
0x87: {  	_ =	shalt  }
.Lfunc_end0:
.L_simem_size_0:
called_computation.3_lowered:
.L_overlay_start_0:
0x88: {  	s2 =	sld [smem:$0x3FD9]  }
0x89: {  	s3 =	sld [smem:$0x3FFE];
	_ =	sdelay $0x1  }
0x8a: {  	s1 =	srdreg.scid  }
0x8b: {  	s0 =	sand.u32 $0x1, s1  }
0x8c: {  	s16 =	sshll.u32 s0, $0xA;
	s2 =	sadd.s32 s3, s2  }
0x8d: {  	s2 =	sadd.s32 s2, s16  }
0x8e: {  	[smem:$0x3FBB] =	sst s2  }
0x8f: {  	_ = 	snop  }
0x90: {  	(tm) =	ssettm $0x1  }
0x91: {  	s17 =	sld [smem:$0x3FFB];
	_ =	sdelay $0x3  }
0x92: {  	_ =	strace s17  }
0x93: {  	s2 =	sld [smem:$0x3FFC];
	_ =	sdelay $0x3  }
0x94: {  	_ =	strace s2  }
0x95: {  	s2 =	sld [smem:$0x3FFD];
	_ =	sdelay $0x3  }
0x96: {  	_ =	strace s2  }
0x97: {  	_ =	strace $0x8FFFFFFF  }
0x98: {  	s18 =	sld [smem:$0x3FDB];
	_ =	sdelay $0x1  }
0x99: {  	s19 =	simm.s32 $_scs_section_size  }
0x9a: {  	s4 =	simm.s32 $_size__tile_overlayer_lowered;
	s5 =	simm.s32 $_tile_overlayer_lowered  }
0x9b: {  	s22 =	simm.s32 $0x1BFF;
	s21 =	sshll.u32 s5, $0x1;
	s2 =	sadd.s32 s19, s18  }
0x9c: {  	s6 =	simm.s32 $0x0;
	s20 =	sshll.u32 s4, $0x1;
	s4 =	sadd.s32 s21, s2  }
0x9d: {  	[timem:s6], [sflag:s22] =	dma.local [hbm:s4], s20  }
0x9e: {  	_ =	swait.ge [sflag:s22], s20  }
0x9f: {  	s3 =	ssub.s32 $0x0, s20;
	[sflag:s22] =	ssyncset.done $0x0  }
0xa0: {  	[sflag:s22] =	ssyncadd.s32 s3;
	_ =	sdelay $0x1  }
0xa1: {  	s23 =	simm.s32 $0x1B8B  }
0xa2: {  	_ =	swait.ge [sflag:s23], $0x1  }
0xa3: {  	[sflag:s23] =	ssyncset.done $0x0  }
0xa4: {  	s25 =	simm.s32 $0x1B8E;
	s24 =	sld [smem:$0x3FFE];
	[sflag:s23] =	ssyncadd.s32 $0xFFFFFFFF  }
0xa5: {  	s26 =	simm.s32 $execute0_lowered;
	[smem:$0x3FD2] =	sst s25  }
0xa6: {  	s4 =	sshll.u32 s26, $0x1;
	_ =	strace $0x8000004F;
	[dreg:$0x1] =	wrdreg $0xFFFFFFFF  }
0xa7: {  	s28 =	simm.s32 $_size_execute0_lowered;
	s2 =	sadd.s32 s2, s4;
	[dreg:$0x0] =	wrdreg $0x0  }
0xa8: {  	s4 =	sshll.u32 s28, $0x1;
	[dreg:$0x2] =	wrdreg s2  }
0xa9: {  	[dreg:$0x3] =	wrdreg s4  }
0xaa: {  	[dreg:$0x4] =	wrdreg $0xC0  }
0xab: {  	_ =	task [dreg:s6], $0x5FFFF  }
0xac: {  	[dreg:$0x1] =	wrdreg $0xFFFFFFFF  }
0xad: {  	[dreg:$0x0] =	wrdreg $0x60  }
0xae: {  	[dreg:$0x2] =	wrdreg s24  }
0xaf: {  	[dreg:$0x3] =	wrdreg $0xC7000  }
0xb0: {  	[dreg:$0x4] =	wrdreg $0x9  }
0xb1: {  	_ =	task.clear_ibuf [dreg:s6], $0x5FFFF;
	_ =	strace $0x9000004F  }
0xb2: {  	s29 =	simm.s32 $0x9;
	_ =	strace $0x80000051  }
0xb3: {  	_ =	swait.ge [sflag:s29], $0x1  }
0xb4: {  	[sflag:s29] =	ssyncadd.s32 $0xFFFFFFFF  }
0xb5: {  	_ =	strace $0x90000051  }
0xb6: {  	_ =	sfence  }
0xb7: {  	s30 =	sld [smem:$0x0];
	_ =	sdelay $0x2  }
0xb8: {  	s31 =	sshll.u32 s1, $0xD;
	s1 =	sshrl.u32 s1, $0x2  }
0xb9: {  	s3 =	sand.u32 $0x4000, s31;
	s1 =	sadd.s32 s1, s30  }
0xba: {  	s0 =	sor.u32 s3, s0;
	s1 =	sshll.u32 s1, $0x11  }
0xbb: {  	s0 =	sor.u32 s1, s0  }
0xbc: {  	s0 =	sadd.s32 $0x8F2B, s0  }
0xbd: {  	[sflag:s0] =	ssyncadd.remote.s32 $0x1  }
0xbe: {  	_ =	sfence.sel $0xFFFF  }
0xbf: {  	[dreg:$0x0] =	wrdreg $0xFFFFFFFF;
	(pc) =	sbr.abs _section_cstart, $3  }
0xc0: {  	[dreg:$0x1] =	wrdreg $0xFFFFFFFF  }
0xc1: {  	_ =	task.clear_ibuf [dreg:s6], $0x2FFFF;
	_ =	strace $0x9FFFFFFF  }
0xc2: {  	(tm) =	ssettm $0x7FFFFFFF  }
0xc3: {  	_ =	shalt  }
tec
execute0_lowered:
.L_overlay_start_1:
0x0: {  	(tag) =	ssettag $0x1  }
0x1: {  	s0 =	srdreg.scid;
	s8 =	rddreg [dreg:$0x0]  }
0x2: {  	s2 =	rddreg [dreg:$0x1];
	s1 =	stileid.u32  }
0x3: {  	s3 =	simm.s32 $0x0;
	s19 =	simm.s32 $0x4F00;
	s20 =	simm.s32 $0x7700  }
0x4: {  	s21 =	simm.s32 $0xA0;
	s22 =	simm.s32 $0x9F00;
	s23 =	simm.s32 $0x2  }
0x5: {  	s24 =	simm.s32 $0x4DF0;
	s25 =	simm.s32 $0x4E40;
	s28 =	simm.s32 $0x0  }
0x6: {  	s12 =	sand.u32 $0x1, s0;
	s0 =	rddreg [dreg:$0x2];
	s10 =	smul.u32 $0x4E000, s1  }
0x7: {  	[smem:$0x7FF] =	sst s3;
	s11 =	sadd.s32 $0x40200, s8;
	s26 =	smul.u32 $0x2700, s1  }
0x8: {  	s29 =	smul.u32 $0x13800, s1;
	s17 =	sadd.s32 $0x124800, s2;
	s18 =	sadd.s32 $0x3D900, s8  }
0x9: {  	p0 =	seq.s32 s1, $0xF;
	s4 =	sshll.u32 s12, $0x4;
	_ =	strace $0x80000050  }
0xa: {  	s6 =	ssub.s32 $0x2, s12;
	s14 =	smul.u32 $0x138800, s12;
	p1 =	sne.s32 @p0 s12, $0x0  }
0xb: {  	s4 =	sor.u32 s1, s4;
	s9 =	sshrl.u32 s6, $0x1;
	s10 =	sshrl.u32 s10, $0x2  }
0xc: {  	p1 =	por !p1, !p0;
	s5 =	smul.u32 $0x4EC, s4;
	s4 =	sadd.s32 $0x19000, s8  }
0xd: {  	s13 =	ssub.s32 s6, s9;
	s16 =	sadd.s32 s10, s2;
	s30 =	sadd.s32 s29, s14  }
0xe: {  	s31 =	sshrl.u32 s14, $0x3;
	s14 =	sshrl.u32 @p0 s17, $0x3;
	s17 =	simm.s32 $0x1  }
0xf: {  	s15 =	sadd.s32 s4, s26;
	s9 =	sadd.s32 s11, s31;
	s16 =	sshrl.u32 @!p0 s16, $0x3  }
0x10: {  	s26 =	simm.s32 $0x4E90;
	s7 =	sadd.s32 s5, s8;
	s5 =	sadd.s32 $0x16800, s8  }
0x11: {  	s8 =	sshrl.u32 s30, $0x3;
	s9 =	sadd.s32 $0x24900, s9;
	s6 =	sadd.s32 $0x2C00, s7  }
0x12: {  	s7 =	sadd.s32 $0xCA00, s7;
	s8 =	sadd.s32 s11, s8;
	s10 =	smov.u32 s5  }
0x13: {  	s11 =	smax.u32 s13, $0x1;
	s10 =	smov.u32 @p1 s18;
	p1 =	sne.s32 @!p0 s12, $0x0  }
0x14: {  	s13 =	sshll.u32 @!p0 s1, $0x6;
	s12 =	simm.s32 $0x2780;
	p1 =	por !p1, p0  }
0x15: {  	s18 =	simm.s32 $0x50;
	s5 =	smov.u32 @p1 s15;
	s15 =	sor.u32 @!p0 $0x1C02, s13  }
.LBB2_1:
0x16: {  	[tilespmem:s3], [sflag:$0x1] =	stream.linear.gather [hbm4b:s6+s3], $0x2760, $0x38;
	v63 =	vld [tilespmem:$0x0]  }
0x17: {  	s29 =	simm.s32 @p0 $0x1FC2  }
0x18: {  	[tilespmem:s12], [sflag:$0x1] =	stream.linear.gather [hbm4b:s7+s3], $0x2760, $0x38;
	v63 =	vld [tilespmem:$0x0]  }
0x19: {  	[spmem:s14], [sflag:s29] =	dma.local @p0 [hbm:s10], $0x2800  }
0x1a: {  	s29 =	simm.s32 @p0 $0x2  }
0x1b: {  	_ =	swait.ge @p0 [sflag:s29], $0x2800  }
0x1c: {  	[sflag:s29] =	ssyncset.done @p0 $0x0  }
0x1d: {  	[sflag:s29] =	ssyncadd.s32 @p0 $0xFFFFD800;
	s29 =	simm.s32 @!p0 $0x2  }
0x1e: {  	[spmem:s16], [sflag:s15] =	dma.local @!p0 [hbm:s5], $0x2700  }
0x1f: {  	_ =	swait.ge @!p0 [sflag:s29], $0x2700  }
0x20: {  	[sflag:s29] =	ssyncset.done @!p0 $0x0  }
0x21: {  	[sflag:s29] =	ssyncadd.s32 @!p0 $0xFFFFD900  }
0x22: {  	_ =	swait.ge [sflag:s17], $0x2760  }
0x23: {  	[sflag:s17] =	ssyncset.done $0x0  }
0x24: {  	[sflag:s17] =	ssyncadd.s32 $0xFFFFD8A0  }
0x25: {  	_ =	swait.ge [sflag:s17], $0x2760  }
0x26: {  	[sflag:s17] =	ssyncset.done $0x0  }
0x27: {  	[sflag:s17] =	ssyncadd.s32 $0xFFFFD8A0  }
0x28: {  	[bflag:$0x0] =	sbarrier.arrive $0xFFFF  }
0x29: {  	[tilespmem:s19], [sflag:$0x1] =	stream.indirect.gather [hbm4b:s4+s18], $0x80, s3, s18, $0xb8;
	v63 =	vld [tilespmem:$0x0]  }
0x2a: {  	_ = 	snop  }
0x2b: {  	[tilespmem:s20], [sflag:$0x1] =	stream.indirect.gather [hbm4b:s4+s18], $0x80, s18, s18, $0xb8;
	v63 =	vld [tilespmem:$0x0]  }
0x2c: {  	_ = 	snop  }
0x2d: {  	[tilespmem:s22], [sflag:$0x1] =	stream.indirect.gather [hbm4b:s4+s18], $0x80, s21, s18, $0xb8;
	v63 =	vld [tilespmem:$0x0]  }
0x2e: {  	_ =	swait.ge [sflag:s17], $0x2800  }
0x2f: {  	[sflag:s17] =	ssyncset.done $0x0  }
0x30: {  	s29 =	simm.s32 $0x2780;
	[sflag:s17] =	ssyncadd.s32 $0xFFFFD800  }
0x31: {  	[spmem:s2] =	stream.indirect.scatter.add.f32 [tilespmem:s19], [sflag:$0x2], $0x80, s29, s18, $0xb8;
	v63 =	vld [tilespmem:$0x0]  }
0x32: {  	_ =	swait.ge [sflag:s17], $0x2800  }
0x33: {  	[sflag:s17] =	ssyncset.done $0x0  }
0x34: {  	s29 =	simm.s32 $0x27D0;
	[sflag:s17] =	ssyncadd.s32 $0xFFFFD800  }
0x35: {  	[spmem:s2] =	stream.indirect.scatter.add.f32 [tilespmem:s20], [sflag:$0x2], $0x80, s29, s18, $0xb8;
	v63 =	vld [tilespmem:$0x0]  }
0x36: {  	_ =	swait.ge [sflag:s17], $0x2800  }
0x37: {  	[sflag:s17] =	ssyncset.done $0x0  }
0x38: {  	s29 =	simm.s32 $0x2820;
	[sflag:s17] =	ssyncadd.s32 $0xFFFFD800  }
0x39: {  	[spmem:s2] =	stream.indirect.scatter.add.f32 [tilespmem:s22], [sflag:$0x2], $0x80, s29, s18, $0xb8;
	v63 =	vld [tilespmem:$0x0]  }
0x3a: {  	_ =	swait.ge [sflag:s23], $0x2800  }
0x3b: {  	[sflag:s23] =	ssyncset.done $0x0  }
0x3c: {  	s29 =	simm.s32 $0xF0;
	[sflag:s23] =	ssyncadd.s32 $0xFFFFD800  }
0x3d: {  	[tilespmem:s19], [sflag:$0x1] =	stream.indirect.gather [hbm4b:s4+s18], $0x80, s29, s18, $0xb8;
	v63 =	vld [tilespmem:$0x0]  }
0x3e: {  	_ =	swait.ge [sflag:s23], $0x2800  }
0x3f: {  	[sflag:s23] =	ssyncset.done $0x0  }
0x40: {  	s29 =	simm.s32 $0x140;
	[sflag:s23] =	ssyncadd.s32 $0xFFFFD800  }
0x41: {  	[tilespmem:s20], [sflag:$0x1] =	stream.indirect.gather [hbm4b:s4+s18], $0x80, s29, s18, $0xb8;
	v63 =	vld [tilespmem:$0x0]  }
0x42: {  	_ =	swait.ge [sflag:s23], $0x2800  }
0x43: {  	[sflag:s23] =	ssyncset.done $0x0  }
0x44: {  	s30 =	simm.s32 $0x190;
	s29 =	simm.s32 $0x3C0;
	[sflag:s23] =	ssyncadd.s32 $0xFFFFD800  }
.LBB2_2:
0x45: {  	[tilespmem:s22], [sflag:$0x1] =	stream.indirect.gather [hbm4b:s4+s18], $0x80, s30, s18, $0xb8;
	v63 =	vld [tilespmem:$0x0]  }
0x46: {  	s30 =	smov.u32 s29  }
0x47: {  	p1 =	sne.s32 s29, $0x9600;
	s29 =	sadd.s32 $0x3C0, s29;
	_ =	swait.ge [sflag:s17], $0x2800  }
0x48: {  	s30 =	sshra.s32 s30, $0x2;
	[sflag:s17] =	ssyncset.done $0x0  }
0x49: {  	s31 =	sadd.s32 $0x2780, s30;
	[sflag:s17] =	ssyncadd.s32 $0xFFFFD800  }
0x4a: {  	[spmem:s2] =	stream.indirect.scatter.add.f32 [tilespmem:s19], [sflag:$0x2], $0x80, s31, s18, $0xb8;
	v63 =	vld [tilespmem:$0x0]  }
0x4b: {  	_ =	swait.ge [sflag:s17], $0x2800  }
0x4c: {  	[sflag:s17] =	ssyncset.done $0x0  }
0x4d: {  	s31 =	sadd.s32 $0x27D0, s30;
	[sflag:s17] =	ssyncadd.s32 $0xFFFFD800  }
0x4e: {  	[spmem:s2] =	stream.indirect.scatter.add.f32 [tilespmem:s20], [sflag:$0x2], $0x80, s31, s18, $0xb8;
	v63 =	vld [tilespmem:$0x0]  }
0x4f: {  	_ =	swait.ge [sflag:s17], $0x2800  }
0x50: {  	[sflag:s17] =	ssyncset.done $0x0  }
0x51: {  	s31 =	sadd.s32 $0x2820, s30;
	[sflag:s17] =	ssyncadd.s32 $0xFFFFD800  }
0x52: {  	[spmem:s2] =	stream.indirect.scatter.add.f32 [tilespmem:s22], [sflag:$0x2], $0x80, s31, s18, $0xb8;
	v63 =	vld [tilespmem:$0x0]  }
0x53: {  	_ =	swait.ge [sflag:s23], $0x2800  }
0x54: {  	[sflag:s23] =	ssyncset.done $0x0  }
0x55: {  	s31 =	sadd.s32 $0xF0, s30;
	[sflag:s23] =	ssyncadd.s32 $0xFFFFD800  }
0x56: {  	[tilespmem:s19], [sflag:$0x1] =	stream.indirect.gather [hbm4b:s4+s18], $0x80, s31, s18, $0xb8;
	v63 =	vld [tilespmem:$0x0]  }
0x57: {  	_ =	swait.ge [sflag:s23], $0x2800  }
0x58: {  	[sflag:s23] =	ssyncset.done $0x0  }
.Ltmp0:
0x59: {  	s31 =	sadd.s32 $0x140, s30;
	[sflag:s23] =	ssyncadd.s32 $0xFFFFD800;
	(pc) =	sbr.rel @p1 .LBB2_2-.Ltmp0, $4  }
0x5a: {  	[tilespmem:s20], [sflag:$0x1] =	stream.indirect.gather [hbm4b:s4+s18], $0x80, s31, s18, $0xb8;
	v63 =	vld [tilespmem:$0x0]  }
0x5b: {  	_ =	swait.ge [sflag:s23], $0x2800  }
0x5c: {  	[sflag:s23] =	ssyncset.done $0x0  }
0x5d: {  	s30 =	sadd.s32 $0x190, s30;
	[sflag:s23] =	ssyncadd.s32 $0xFFFFD800  }
0x5e: {  	[tilespmem:s22], [sflag:$0x1] =	stream.indirect.gather [hbm4b:s4+s18], $0x80, s30, s18, $0xb8;
	v63 =	vld [tilespmem:$0x0]  }
0x5f: {  	_ =	swait.ge [sflag:s17], $0x2800  }
0x60: {  	[sflag:s17] =	ssyncset.done $0x0  }
0x61: {  	[sflag:s17] =	ssyncadd.s32 $0xFFFFD800  }
0x62: {  	[spmem:s2] =	stream.indirect.scatter.add.f32 [tilespmem:s19], [sflag:$0x2], $0x80, s24, s18, $0xb8;
	v63 =	vld [tilespmem:$0x0]  }
0x63: {  	_ =	swait.ge [sflag:s17], $0x2800  }
0x64: {  	[sflag:s17] =	ssyncset.done $0x0  }
0x65: {  	[sflag:s17] =	ssyncadd.s32 $0xFFFFD800  }
0x66: {  	[spmem:s2] =	stream.indirect.scatter.add.f32 [tilespmem:s20], [sflag:$0x2], $0x80, s25, s18, $0xb8;
	v63 =	vld [tilespmem:$0x0]  }
0x67: {  	_ =	swait.ge [sflag:s17], $0x2800  }
0x68: {  	[sflag:s17] =	ssyncset.done $0x0  }
0x69: {  	[sflag:s17] =	ssyncadd.s32 $0xFFFFD800  }
0x6a: {  	[spmem:s2] =	stream.indirect.scatter.add.f32 [tilespmem:s22], [sflag:$0x2], $0x80, s26, s18, $0xb8;
	v63 =	vld [tilespmem:$0x0]  }
0x6b: {  	_ =	swait.ge [sflag:s23], $0x2800  }
0x6c: {  	[sflag:s23] =	ssyncset.done $0x0  }
0x6d: {  	[sflag:s23] =	ssyncadd.s32 $0xFFFFD800  }
0x6e: {  	_ =	swait.ge [sflag:s23], $0x2800  }
0x6f: {  	[sflag:s23] =	ssyncset.done $0x0  }
0x70: {  	[sflag:s23] =	ssyncadd.s32 $0xFFFFD800  }
0x71: {  	_ =	swait.ge [sflag:s23], $0x2800  }
0x72: {  	[sflag:s23] =	ssyncset.done $0x0  }
0x73: {  	[sflag:s23] =	ssyncadd.s32 $0xFFFFD800  }
0x74: {  	s29 =	simm.s32 @p0 $0x1FC3;
	[bflag:$0x0] =	sbarrier.arrive $0xFFFF  }
0x75: {  	[hbm:s9], [sflag:s29] =	dma.local @p0 [spmem:s14], $0x2800  }
0x76: {  	s29 =	simm.s32 @p0 $0x3  }
0x77: {  	_ =	swait.ge @p0 [sflag:s29], $0x2800  }
0x78: {  	s28 =	sadd.s32 $0x1, s28;
	[sflag:s29] =	ssyncset.done @p0 $0x0  }
0x79: {  	p1 =	sne.s32 s28, s11;
	[sflag:s29] =	ssyncadd.s32 @p0 $0xFFFFD800;
	s29 =	sor.u32 @!p0 $0x1C03, s13  }
0x7a: {  	[hbm:s8], [sflag:s29] =	dma.local @!p0 [spmem:s16], $0x2700  }
.Ltmp1:
0x7b: {  	_ = 	snop;
	(pc) =	sbr.rel @p1 .LBB2_1-.Ltmp1, $4  }
0x7c: {  	s29 =	simm.s32 @!p0 $0x3  }
0x7d: {  	_ =	swait.ge @!p0 [sflag:s29], $0x2700  }
0x7e: {  	[sflag:s29] =	ssyncset.done @!p0 $0x0  }
0x7f: {  	[sflag:s29] =	ssyncadd.s32 @!p0 $0xFFFFD900  }
0x80: {  	_ =	sfence.sel $0x180000  }
0x81: {  	[bflag:$0x0] =	sbarrier.arrive $0xFFFF  }
0x82: {  	p0 =	sne.s32 s1, $0x0;
	_ =	strace $0x90000050  }
0x83: {  	s0 =	sadd.s32 @!p0 $0x100000, s0;
	[bflag:$0x2] =	sbarrier.arrive $0xFFFF  }
0x84: {  	[sflag:s0] =	ssyncadd.tile.s32 @!p0 $0x1;
	_ =	shalt  }
.Lfunc_end2:
_tile_overlayer_lowered:
.L_overlay_start_2:
0x85: {  	(tag) =	ssettag $0x2  }
0x86: {  	s0 =	rddreg [dreg:$0x0];
	s2 =	stileid.u32  }
0x87: {  	s1 =	rddreg [dreg:$0x1];
	p0 =	sne.s32 s2, $0x0  }
0x88: {  	s3 =	rddreg [dreg:$0x2];
	[bflag:$0x3] =	sbarrier.arrive $0xFFFF;
	s2 =	simm.s32 @!p0 $0x1C03  }
0x89: {  	[timem:s3], [sflag:s2] =	dma.local @!p0 [hbm:s0], s1  }
0x8a: {  	s0 =	simm.s32 @!p0 $0x3  }
0x8b: {  	_ =	swait.ge @!p0 [sflag:s0], s1  }
0x8c: {  	s1 =	ssub.s32 @!p0 $0x0, s1;
	[sflag:s0] =	ssyncset.done @!p0 $0x0  }
0x8d: {  	[sflag:s0] =	ssyncadd.s32 @!p0 s1  }
0x8e: {  	[bflag:$0x3] =	sbarrier.arrive $0xFFFF  }
0x8f: {  	_ =	shalt  }

</sc_bundles>
